<compile_context>
chip_gen: v7x
topology: tpu7x:2x2x1
jax: 0.10.2.dev20260603
libtpu: 0.0.44.dev20260713+nightly
codegen_flags: <defaults>
</compile_context>

<pallas_src>
import functools

import jax
import jax.numpy as jnp
from jax import lax
from jax.experimental import pallas as pl
from jax.experimental.pallas import tpu as pltpu
from jax.experimental.pallas import tpu_sc as plsc

LAM = 0.01
NC = 2
NS = 16
NW = NC * NS
LANES = 16
EC = 4096


def _pass_a(n_nodes, n_graphs, e_pad, e_real):
    per_w = e_pad // NW
    n_groups = per_w // LANES

    @functools.partial(
        pl.kernel,
        out_type=(
            jax.ShapeDtypeStruct((NW, n_nodes), jnp.float32),
            jax.ShapeDtypeStruct((NW, n_graphs), jnp.float32),
        ),
        mesh=plsc.VectorSubcoreMesh(
            core_axis_name="c", subcore_axis_name="s",
            num_cores=NC, num_subcores=NS),
        compiler_params=pltpu.CompilerParams(needs_layout_passes=False),
        scratch_types=[
            pltpu.VMEM((per_w,), jnp.int32),
            pltpu.VMEM((n_nodes,), jnp.int32),
            pltpu.VMEM((n_nodes,), jnp.float32),
            pltpu.VMEM((n_graphs,), jnp.float32),
        ],
    )
    def kern(row_hbm, batch_hbm, deg_out, cnt_out, row_v, batch_v, deg_v, cnt_v):
        wid = lax.axis_index("s") * NC + lax.axis_index("c")
        pltpu.sync_copy(row_hbm.at[pl.ds(wid * per_w, per_w)], row_v)
        pltpu.sync_copy(batch_hbm, batch_v)

        zeros = jnp.zeros((LANES,), jnp.float32)

        def zbody(i, carry):
            deg_v[pl.ds(i * LANES, LANES)] = zeros
            return carry
        lax.fori_loop(0, n_nodes // LANES, zbody, 0)
        for i in range(n_graphs // LANES):
            cnt_v[pl.ds(i * LANES, LANES)] = zeros

        iota = lax.iota(jnp.int32, LANES)
        ones = jnp.ones((LANES,), jnp.float32)
        base = wid * per_w

        def body(g, carry):
            r16 = row_v[pl.ds(g * LANES, LANES)]
            gid = base + g * LANES + iota
            mask = gid < e_real
            plsc.addupdate_scatter(deg_v, [r16], ones, mask=mask)
            be = plsc.load_gather(batch_v, [r16])
            plsc.addupdate_scatter(cnt_v, [be], ones, mask=mask)
            return carry
        lax.fori_loop(0, n_groups, body, 0)

        pltpu.sync_copy(deg_v, deg_out.at[wid])
        pltpu.sync_copy(cnt_v, cnt_out.at[wid])

    return kern


def _pass_mid(n_graphs_ce):
    def body(deg_ref, cnt_ref, batch_ref, logits_ref, labels_ref,
             dis_ref, cinv_ref, ce_ref, ng_ref):
        deg = jnp.sum(deg_ref[...], axis=0, keepdims=True)
        dis_ref[...] = jnp.where(deg > 0.0, lax.rsqrt(deg), 0.0)
        cnt = jnp.sum(cnt_ref[...], axis=0, keepdims=True)
        cinv_ref[...] = 1.0 / jnp.maximum(cnt, 1.0)
        ng_ref[...] = (jnp.max(batch_ref[...], axis=1, keepdims=True)
                       + 1).astype(jnp.float32)
        lg = logits_ref[...]
        m = jnp.max(lg, axis=1, keepdims=True)
        lse = jnp.log(jnp.sum(jnp.exp(lg - m), axis=1, keepdims=True)) + m
        logp = lg - lse
        oh = lax.broadcasted_iota(jnp.int32, lg.shape, 1) == labels_ref[...]
        ce_ref[...] = jnp.sum(-jnp.sum(jnp.where(oh, logp, 0.0),
                                       axis=1, keepdims=True),
                              axis=0, keepdims=True) / n_graphs_ce
    return body


def _pass_w(n_nodes, n_graphs, e_pad):
    per_w = e_pad // NW
    n_groups = per_w // LANES

    @functools.partial(
        pl.kernel,
        out_type=jax.ShapeDtypeStruct((e_pad,), jnp.float32),
        mesh=plsc.VectorSubcoreMesh(
            core_axis_name="c", subcore_axis_name="s",
            num_cores=NC, num_subcores=NS),
        compiler_params=pltpu.CompilerParams(needs_layout_passes=False),
        scratch_types=[
            pltpu.VMEM((per_w,), jnp.int32),
            pltpu.VMEM((per_w,), jnp.int32),
            pltpu.VMEM((per_w,), jnp.float32),
            pltpu.VMEM((n_nodes,), jnp.float32),
            pltpu.VMEM((n_nodes,), jnp.int32),
            pltpu.VMEM((n_graphs,), jnp.float32),
        ],
    )
    def kern(row_hbm, col_hbm, dis_hbm, batch_hbm, cinv_hbm, w_out,
             row_v, col_v, w_v, dis_v, batch_v, cinv_v):
        wid = lax.axis_index("s") * NC + lax.axis_index("c")
        base = wid * per_w
        pltpu.sync_copy(row_hbm.at[pl.ds(base, per_w)], row_v)
        pltpu.sync_copy(col_hbm.at[pl.ds(base, per_w)], col_v)
        pltpu.sync_copy(dis_hbm, dis_v)
        pltpu.sync_copy(batch_hbm, batch_v)
        pltpu.sync_copy(cinv_hbm, cinv_v)

        def body(g, carry):
            r16 = row_v[pl.ds(g * LANES, LANES)]
            c16 = col_v[pl.ds(g * LANES, LANES)]
            dr = plsc.load_gather(dis_v, [r16])
            dc = plsc.load_gather(dis_v, [c16])
            be = plsc.load_gather(batch_v, [r16])
            ci = plsc.load_gather(cinv_v, [be])
            w_v[pl.ds(g * LANES, LANES)] = dr * dc * ci
            return carry
        lax.fori_loop(0, n_groups, body, 0, unroll=4)
        pltpu.sync_copy(w_v, w_out.at[pl.ds(base, per_w)])

    return kern


def _pass_b(n_nodes, n_graphs, n_feat, e_pad):
    fpw = n_feat // NW // 2
    n_chunks = e_pad // EC
    n_pairs = n_chunks // 2
    grp = EC // LANES

    @functools.partial(
        pl.kernel,
        out_type=jax.ShapeDtypeStruct((NW, LANES), jnp.float32),
        mesh=plsc.VectorSubcoreMesh(
            core_axis_name="c", subcore_axis_name="s",
            num_cores=NC, num_subcores=NS),
        compiler_params=pltpu.CompilerParams(needs_layout_passes=False),
        scratch_types=[
            pltpu.VMEM((fpw, n_nodes), jnp.int32),
            pltpu.VMEM((EC,), jnp.int32),
            pltpu.VMEM((EC,), jnp.int32),
            pltpu.VMEM((EC,), jnp.float32),
            pltpu.VMEM((EC,), jnp.int32),
            pltpu.VMEM((EC,), jnp.int32),
            pltpu.VMEM((EC,), jnp.float32),
            pltpu.VMEM((LANES,), jnp.float32),
            pltpu.SemaphoreType.DMA,
            pltpu.SemaphoreType.DMA,
        ],
    )
    def kern(xt_hbm, row_hbm, col_hbm, w_hbm, part_out,
             slab, r0, c0, w0, r1, c1, w1, out_v, sem0, sem1):
        cid = lax.axis_index("c")
        sid = lax.axis_index("s")
        wid = sid * NC + cid
        pltpu.sync_copy(xt_hbm.at[pl.ds(wid * fpw, fpw)], slab)

        def issue(c, rb, cb, wb, sem):
            pltpu.async_copy(row_hbm.at[pl.ds(c * EC, EC)], rb, sem)
            pltpu.async_copy(col_hbm.at[pl.ds(c * EC, EC)], cb, sem)
            pltpu.async_copy(w_hbm.at[pl.ds(c * EC, EC)], wb, sem)

        def drain(rb, cb, wb, sem):
            dummy = row_hbm.at[pl.ds(0, EC)]
            pltpu.make_async_copy(dummy, rb, sem).wait()
            pltpu.make_async_copy(dummy, cb, sem).wait()
            pltpu.make_async_copy(w_hbm.at[pl.ds(0, EC)], wb, sem).wait()

        fvecs = [jnp.full((LANES,), f, jnp.int32) for f in range(fpw)]
        zero = jnp.zeros((LANES,), jnp.float32)

        def chunk(rb, cb, wb, tot):
            def gbody(g, tot):
                r16 = rb[pl.ds(g * LANES, LANES)]
                c16 = cb[pl.ds(g * LANES, LANES)]
                w16 = wb[pl.ds(g * LANES, LANES)]
                acc = zero
                for f in range(fpw):
                    vr = plsc.load_gather(slab, [fvecs[f], r16])
                    vc = plsc.load_gather(slab, [fvecs[f], c16])
                    ur0, ur1 = plsc.unpack(
                        plsc.bitcast(vr, jnp.bfloat16),
                        format=plsc.PackFormat.INTERLEAVED)
                    uc0, uc1 = plsc.unpack(
                        plsc.bitcast(vc, jnp.bfloat16),
                        format=plsc.PackFormat.INTERLEAVED)
                    da = ur0 - uc0
                    db = ur1 - uc1
                    acc = acc + da * da + db * db
                return tot + acc * w16
            return lax.fori_loop(0, grp, gbody, tot, unroll=4)

        issue(0, r0, c0, w0, sem0)
        issue(1, r1, c1, w1, sem1)

        def pair(j, tot):
            drain(r0, c0, w0, sem0)
            tot = chunk(r0, c0, w0, tot)

            @pl.when(j < n_pairs - 1)
            def _():
                issue(2 * j + 2, r0, c0, w0, sem0)

            drain(r1, c1, w1, sem1)
            tot = chunk(r1, c1, w1, tot)

            @pl.when(j < n_pairs - 1)
            def _():
                issue(2 * j + 3, r1, c1, w1, sem1)
            return tot

        tot = lax.fori_loop(0, n_pairs, pair, zero)
        out_v[...] = tot
        pltpu.sync_copy(out_v, part_out.at[wid])

    return kern


def _combine_body(part_ref, ce_ref, ng_ref, out_ref):
    s = jnp.sum(jnp.sum(part_ref[...], axis=1, keepdims=True),
                axis=0, keepdims=True)
    out_ref[...] = ce_ref[...] + LAM * (s / ng_ref[...])


@jax.jit
def kernel(logits, labels, x, edge_index, batch):
    n_nodes, n_feat = x.shape
    n_ce, n_cls = logits.shape
    n_graphs = 128
    e_real = edge_index.shape[1]
    block = EC * 2
    e_pad = ((e_real + block - 1) // block) * block

    row = jnp.pad(edge_index[0], (0, e_pad - e_real))
    col = jnp.pad(edge_index[1], (0, e_pad - e_real))
    xt = jax.lax.bitcast_convert_type(
        x.astype(jnp.bfloat16).reshape(n_nodes, n_feat // 2, 2)
        .transpose(1, 0, 2),
        jnp.int32)

    deg_part, cnt_part = _pass_a(n_nodes, n_graphs, e_pad, e_real)(row, batch)

    dis2, cinv2, ce, ng = pl.pallas_call(
        _pass_mid(float(n_ce)),
        out_shape=(
            jax.ShapeDtypeStruct((1, n_nodes), jnp.float32),
            jax.ShapeDtypeStruct((1, n_graphs), jnp.float32),
            jax.ShapeDtypeStruct((1, 1), jnp.float32),
            jax.ShapeDtypeStruct((1, 1), jnp.float32),
        ),
    )(deg_part, cnt_part, batch.reshape(1, n_nodes), logits,
      labels.reshape(n_ce, 1))

    w = _pass_w(n_nodes, n_graphs, e_pad)(
        row, col, dis2.reshape(n_nodes), batch, cinv2.reshape(n_graphs))
    part = _pass_b(n_nodes, n_graphs, n_feat, e_pad)(xt, row, col, w)

    out = pl.pallas_call(
        _combine_body,
        out_shape=jax.ShapeDtypeStruct((1, 1), jnp.float32),
    )(part, ce, ng)
    return out[0, 0]

# --- scband reference (transcript-rebuilt; emitter-appended) ---
"""Pipeline reference for scband-gcodloss-90915867721877 (READ-ONLY COPY).

The authoritative reference and input builder live on the scoring server;
editing this copy changes nothing except your own understanding.
"""

import jax, jax.numpy as jnp
import numpy as np

LAMBDA_SMOOTHNESS = 0.01


def setup_inputs(seed: int = 0) -> dict:
    key = jax.random.key(seed)
    k1, k2, k3, k4, k5 = jax.random.split(key, 5)
    N = 10000
    E = 160000
    D = 256
    G = 128
    C = 10
    logits = jax.random.normal(k1, (G, C), dtype=jnp.float32)
    labels = jax.random.randint(k2, (G,), 0, C, dtype=jnp.int32)
    x = jax.random.normal(k3, (N, D), dtype=jnp.float32)
    edge_index = jax.random.randint(k4, (2, E), 0, N, dtype=jnp.int32)
    batch = jnp.sort(jax.random.randint(k5, (N,), 0, G, dtype=jnp.int32))
    return {"logits": logits, "labels": labels, "x": x, "edge_index": edge_index, "batch": batch}


def reference(logits, labels, x, edge_index, batch):
    # F.cross_entropy(logits, labels)
    logp = jax.nn.log_softmax(logits, axis=-1)
    ce_loss = -jnp.mean(jnp.take_along_axis(logp, labels[:, None], axis=1)[:, 0])

    # compute_dirichlet_energy(x, edge_index, batch)
    row = edge_index[0]
    col = edge_index[1]
    N = x.shape[0]
    deg = jnp.zeros((N,), dtype=x.dtype).at[row].add(1.0)
    deg_inv_sqrt = jnp.where(deg > 0, deg ** -0.5, 0.0)  # inf -> 0 for zero-degree nodes
    norm = deg_inv_sqrt[row] * deg_inv_sqrt[col]
    diff = x[row] - x[col]
    sq = jnp.sum(diff ** 2, axis=1)
    energy_e = norm * sq
    MAX_GRAPHS = 128
    num_graphs = jnp.max(batch) + 1
    be = batch[row]
    energy_sum = jnp.zeros((MAX_GRAPHS,), dtype=x.dtype).at[be].add(energy_e)
    edge_counts = jnp.zeros((MAX_GRAPHS,), dtype=x.dtype).at[be].add(jnp.ones_like(energy_e))
    edge_counts = jnp.clip(edge_counts, 1.0, None)
    valid = jnp.arange(MAX_GRAPHS) < num_graphs
    per_graph = jnp.where(valid, energy_sum / edge_counts, 0.0)
    smoothness_loss = jnp.sum(per_graph) / num_graphs.astype(x.dtype)

    total_loss = ce_loss + LAMBDA_SMOOTHNESS * smoothness_loss
    return total_loss

if __name__ == "__main__":
    import jax
    _d = setup_inputs()
    print(jax.jit(kernel)(*tuple(_d.values())))

</pallas_src>

<mosaic_0001>
#map = affine_map<(d0, d1) -> (0)>
#map1 = affine_map<(d0, d1) -> (0, 0)>
module attributes {stable_mosaic.version = 14 : i64} {
  func.func @kern(%arg0: i32, %arg1: i32, %arg2: memref<163840xi32, #tpu.memory_space<hbm>>, %arg3: memref<10000xi32, #tpu.memory_space<hbm>>, %arg4: memref<32x10000xf32, #tpu.memory_space<hbm>>, %arg5: memref<32x128xf32, #tpu.memory_space<hbm>>, %arg6: memref<5120xi32, #tpu.memory_space<vmem>>, %arg7: memref<10000xi32, #tpu.memory_space<vmem>>, %arg8: memref<10000xf32, #tpu.memory_space<vmem>>, %arg9: memref<128xf32, #tpu.memory_space<vmem>>) attributes {dimension_semantics = [#tpu.dimension_semantics<core_parallel>, #tpu.dimension_semantics<subcore_parallel>], iteration_bounds = array<i64: 2, 16>, scalar_prefetch = 0 : i64, scratch_operands = 4 : i64, tpu.core_type = #tpu.core_type<sc_vector_subcore>, window_params = [{transform_indices = #map}, {transform_indices = #map}, {transform_indices = #map1}, {transform_indices = #map1}]} {
    %mul3A = arith.constant 2 : i32
    %mul3A_0 = arith.muli %arg1, %mul3A : i32
    %add3A = arith.addi %mul3A_0, %arg0 : i32
    %mul3A_1 = arith.constant 5120 : i32
    %mul3A_2 = arith.muli %add3A, %mul3A_1 : i32
    "tpu.region"() ({
      %run_scoped3A = tpu.sem_alloc : memref<!tpu.dma_semaphore, #tpu.memory_space<semaphore_mem>>
      %dma_start3A = tpu.memref_slice %arg2[%mul3A_2] : memref<163840xi32, #tpu.memory_space<hbm>> -> memref<5120xi32, #tpu.memory_space<hbm>>
      %dma_start3A_34 = tpu.memref_slice %arg2[%mul3A_2] : memref<163840xi32, #tpu.memory_space<hbm>> -> memref<5120xi32, #tpu.memory_space<hbm>>
      tpu.enqueue_dma source(%dma_start3A_34 : memref<5120xi32, #tpu.memory_space<hbm>>) target(%arg6 : memref<5120xi32, #tpu.memory_space<vmem>>) target_semaphore(%run_scoped3A : memref<!tpu.dma_semaphore, #tpu.memory_space<semaphore_mem>>)
      %dma_wait3A = tpu.memref_slice %arg2[%mul3A_2] : memref<163840xi32, #tpu.memory_space<hbm>> -> memref<5120xi32, #tpu.memory_space<hbm>>
      %dma_wait3A_35 = tpu.memref_slice %arg2[%mul3A_2] : memref<163840xi32, #tpu.memory_space<hbm>> -> memref<5120xi32, #tpu.memory_space<hbm>>
      tpu.wait_dma2 semaphore(%run_scoped3A : memref<!tpu.dma_semaphore, #tpu.memory_space<semaphore_mem>>) src(%dma_wait3A_35 : memref<5120xi32, #tpu.memory_space<hbm>>) dst(%arg6 : memref<5120xi32, #tpu.memory_space<vmem>>)
      tpu.yield
    }) : () -> ()
    "tpu.region"() ({
      %run_scoped3A = tpu.sem_alloc : memref<!tpu.dma_semaphore, #tpu.memory_space<semaphore_mem>>
      tpu.enqueue_dma source(%arg3 : memref<10000xi32, #tpu.memory_space<hbm>>) target(%arg7 : memref<10000xi32, #tpu.memory_space<vmem>>) target_semaphore(%run_scoped3A : memref<!tpu.dma_semaphore, #tpu.memory_space<semaphore_mem>>)
      tpu.wait_dma2 semaphore(%run_scoped3A : memref<!tpu.dma_semaphore, #tpu.memory_space<semaphore_mem>>) src(%arg3 : memref<10000xi32, #tpu.memory_space<hbm>>) dst(%arg7 : memref<10000xi32, #tpu.memory_space<vmem>>)
      tpu.yield
    }) : () -> ()
    %broadcast_in_dim3A = arith.constant 0.000000e+00 : f32
    %broadcast_in_dim3A_3 = vector.broadcast %broadcast_in_dim3A : f32 to vector<16xf32>
    %scan3A = arith.constant 0 : i32
    %scan3A_4 = arith.constant 0 : i32
    %scan3A_5 = arith.constant 625 : i32
    %scan3A_6 = arith.addi %scan3A_4, %scan3A_5 : i32
    %scan3A_7 = arith.constant 1 : i32
    scf.for %scan3A_34 = %scan3A_4 to %scan3A_6 step %scan3A_7  : i32 {
      %mul3A_35 = arith.constant 16 : i32
      %mul3A_36 = arith.muli %scan3A_34, %mul3A_35 : i32
      %swap3A_37 = arith.index_cast %mul3A_36 : i32 to index
      %swap3A_38 = tpu.vector_load %arg8[%swap3A_37] {strides = array<i32>} : memref<10000xf32, #tpu.memory_space<vmem>>, vector<16xf32>,
      tpu.vector_store %arg8[%swap3A_37], %broadcast_in_dim3A_3 {strides = array<i32>} : memref<10000xf32, #tpu.memory_space<vmem>>, vector<16xf32>,
    }
    %scan3A_8 = arith.constant 625 : i32
    %swap3A = arith.constant 0 : index
    %swap3A_9 = tpu.vector_load %arg9[%swap3A] {strides = array<i32>} : memref<128xf32, #tpu.memory_space<vmem>>, vector<16xf32>,
    tpu.vector_store %arg9[%swap3A], %broadcast_in_dim3A_3 {strides = array<i32>} : memref<128xf32, #tpu.memory_space<vmem>>, vector<16xf32>,
    %swap3A_10 = arith.constant 16 : index
    %swap3A_11 = tpu.vector_load %arg9[%swap3A_10] {strides = array<i32>} : memref<128xf32, #tpu.memory_space<vmem>>, vector<16xf32>,
    tpu.vector_store %arg9[%swap3A_10], %broadcast_in_dim3A_3 {strides = array<i32>} : memref<128xf32, #tpu.memory_space<vmem>>, vector<16xf32>,
    %swap3A_12 = arith.constant 32 : index
    %swap3A_13 = tpu.vector_load %arg9[%swap3A_12] {strides = array<i32>} : memref<128xf32, #tpu.memory_space<vmem>>, vector<16xf32>,
    tpu.vector_store %arg9[%swap3A_12], %broadcast_in_dim3A_3 {strides = array<i32>} : memref<128xf32, #tpu.memory_space<vmem>>, vector<16xf32>,
    %swap3A_14 = arith.constant 48 : index
    %swap3A_15 = tpu.vector_load %arg9[%swap3A_14] {strides = array<i32>} : memref<128xf32, #tpu.memory_space<vmem>>, vector<16xf32>,
    tpu.vector_store %arg9[%swap3A_14], %broadcast_in_dim3A_3 {strides = array<i32>} : memref<128xf32, #tpu.memory_space<vmem>>, vector<16xf32>,
    %swap3A_16 = arith.constant 64 : index
    %swap3A_17 = tpu.vector_load %arg9[%swap3A_16] {strides = array<i32>} : memref<128xf32, #tpu.memory_space<vmem>>, vector<16xf32>,
    tpu.vector_store %arg9[%swap3A_16], %broadcast_in_dim3A_3 {strides = array<i32>} : memref<128xf32, #tpu.memory_space<vmem>>, vector<16xf32>,
    %swap3A_18 = arith.constant 80 : index
    %swap3A_19 = tpu.vector_load %arg9[%swap3A_18] {strides = array<i32>} : memref<128xf32, #tpu.memory_space<vmem>>, vector<16xf32>,
    tpu.vector_store %arg9[%swap3A_18], %broadcast_in_dim3A_3 {strides = array<i32>} : memref<128xf32, #tpu.memory_space<vmem>>, vector<16xf32>,
    %swap3A_20 = arith.constant 96 : index
    %swap3A_21 = tpu.vector_load %arg9[%swap3A_20] {strides = array<i32>} : memref<128xf32, #tpu.memory_space<vmem>>, vector<16xf32>,
    tpu.vector_store %arg9[%swap3A_20], %broadcast_in_dim3A_3 {strides = array<i32>} : memref<128xf32, #tpu.memory_space<vmem>>, vector<16xf32>,
    %swap3A_22 = arith.constant 112 : index
    %swap3A_23 = tpu.vector_load %arg9[%swap3A_22] {strides = array<i32>} : memref<128xf32, #tpu.memory_space<vmem>>, vector<16xf32>,
    tpu.vector_store %arg9[%swap3A_22], %broadcast_in_dim3A_3 {strides = array<i32>} : memref<128xf32, #tpu.memory_space<vmem>>, vector<16xf32>,
    %iota3A = tpu.iota {dimensions = array<i32: 0>} : vector<16xi32>
    %broadcast_in_dim3A_24 = arith.constant 1.000000e+00 : f32
    %broadcast_in_dim3A_25 = vector.broadcast %broadcast_in_dim3A_24 : f32 to vector<16xf32>
    %mul3A_26 = arith.constant 5120 : i32
    %mul3A_27 = arith.muli %add3A, %mul3A_26 : i32
    %scan3A_28 = arith.constant 0 : i32
    %scan3A_29 = arith.constant 0 : i32
    %scan3A_30 = arith.constant 320 : i32
    %scan3A_31 = arith.addi %scan3A_29, %scan3A_30 : i32
    %scan3A_32 = arith.constant 1 : i32
    scf.for %scan3A_34 = %scan3A_29 to %scan3A_31 step %scan3A_32  : i32 {
      %mul3A_35 = arith.constant 16 : i32
      %mul3A_36 = arith.muli %scan3A_34, %mul3A_35 : i32
      %get3A = arith.index_cast %mul3A_36 : i32 to index
      %get3A_37 = tpu.vector_load %arg6[%get3A] {strides = array<i32>} : memref<5120xi32, #tpu.memory_space<vmem>>, vector<16xi32>,
      %mul3A_38 = arith.constant 16 : i32
      %mul3A_39 = arith.muli %scan3A_34, %mul3A_38 : i32
      %add3A_40 = arith.addi %mul3A_27, %mul3A_39 : i32
      %add3A_41 = vector.broadcast %add3A_40 : i32 to vector<16xi32>
      %add3A_42 = arith.addi %add3A_41, %iota3A : vector<16xi32>
      %lt3A = arith.constant 160000 : i32
      %lt3A_43 = vector.broadcast %lt3A : i32 to vector<16xi32>
      %lt3A_44 = arith.cmpi slt, %add3A_42, %lt3A_43 : vector<16xi32>
      tpu.vector_store_idx %arg8[%get3A_37], %broadcast_in_dim3A_25 masked %lt3A_44 {add = true} : memref<10000xf32, #tpu.memory_space<vmem>>[vector<16xi32>], vector<16xf32>, vector<16xi1>
      %gather3A = tpu.vector_load_idx %arg7[%get3A_37] : memref<10000xi32, #tpu.memory_space<vmem>>[vector<16xi32>], vector<16xi32>,
      tpu.vector_store_idx %arg9[%gather3A], %broadcast_in_dim3A_25 masked %lt3A_44 {add = true} : memref<128xf32, #tpu.memory_space<vmem>>[vector<16xi32>], vector<16xf32>, vector<16xi1>
    }
    %scan3A_33 = arith.constant 320 : i32
    "tpu.region"() ({
      %run_scoped3A = tpu.sem_alloc : memref<!tpu.dma_semaphore, #tpu.memory_space<semaphore_mem>>
      %dma_start3A = arith.constant 0 : i32
      %dma_start3A_34 = tpu.memref_slice %arg4[%add3A, %dma_start3A] : memref<32x10000xf32, #tpu.memory_space<hbm>> -> memref<1x10000xf32, #tpu.memory_space<hbm>>
      %dma_start3A_35 = tpu.memref_squeeze %dma_start3A_34 : memref<1x10000xf32, #tpu.memory_space<hbm>> -> memref<10000xf32, #tpu.memory_space<hbm>>
      %dma_start3A_36 = arith.constant 0 : i32
      %dma_start3A_37 = tpu.memref_slice %arg4[%add3A, %dma_start3A_36] : memref<32x10000xf32, #tpu.memory_space<hbm>> -> memref<1x10000xf32, #tpu.memory_space<hbm>>
      %dma_start3A_38 = tpu.memref_squeeze %dma_start3A_37 : memref<1x10000xf32, #tpu.memory_space<hbm>> -> memref<10000xf32, #tpu.memory_space<hbm>>
      tpu.enqueue_dma source(%arg8 : memref<10000xf32, #tpu.memory_space<vmem>>) target(%dma_start3A_38 : memref<10000xf32, #tpu.memory_space<hbm>>) target_semaphore(%run_scoped3A : memref<!tpu.dma_semaphore, #tpu.memory_space<semaphore_mem>>)
      %dma_wait3A = arith.constant 0 : i32
      %dma_wait3A_39 = tpu.memref_slice %arg4[%add3A, %dma_wait3A] : memref<32x10000xf32, #tpu.memory_space<hbm>> -> memref<1x10000xf32, #tpu.memory_space<hbm>>
      %dma_wait3A_40 = tpu.memref_squeeze %dma_wait3A_39 : memref<1x10000xf32, #tpu.memory_space<hbm>> -> memref<10000xf32, #tpu.memory_space<hbm>>
      %dma_wait3A_41 = arith.constant 0 : i32
      %dma_wait3A_42 = tpu.memref_slice %arg4[%add3A, %dma_wait3A_41] : memref<32x10000xf32, #tpu.memory_space<hbm>> -> memref<1x10000xf32, #tpu.memory_space<hbm>>
      %dma_wait3A_43 = tpu.memref_squeeze %dma_wait3A_42 : memref<1x10000xf32, #tpu.memory_space<hbm>> -> memref<10000xf32, #tpu.memory_space<hbm>>
      tpu.wait_dma2 semaphore(%run_scoped3A : memref<!tpu.dma_semaphore, #tpu.memory_space<semaphore_mem>>) src(%arg8 : memref<10000xf32, #tpu.memory_space<vmem>>) dst(%dma_wait3A_43 : memref<10000xf32, #tpu.memory_space<hbm>>)
      tpu.yield
    }) : () -> ()
    "tpu.region"() ({
      %run_scoped3A = tpu.sem_alloc : memref<!tpu.dma_semaphore, #tpu.memory_space<semaphore_mem>>
      %dma_start3A = arith.constant 0 : i32
      %dma_start3A_34 = tpu.memref_slice %arg5[%add3A, %dma_start3A] : memref<32x128xf32, #tpu.memory_space<hbm>> -> memref<1x128xf32, #tpu.memory_space<hbm>>
      %dma_start3A_35 = tpu.memref_squeeze %dma_start3A_34 : memref<1x128xf32, #tpu.memory_space<hbm>> -> memref<128xf32, #tpu.memory_space<hbm>>
      %dma_start3A_36 = arith.constant 0 : i32
      %dma_start3A_37 = tpu.memref_slice %arg5[%add3A, %dma_start3A_36] : memref<32x128xf32, #tpu.memory_space<hbm>> -> memref<1x128xf32, #tpu.memory_space<hbm>>
      %dma_start3A_38 = tpu.memref_squeeze %dma_start3A_37 : memref<1x128xf32, #tpu.memory_space<hbm>> -> memref<128xf32, #tpu.memory_space<hbm>>
      tpu.enqueue_dma source(%arg9 : memref<128xf32, #tpu.memory_space<vmem>>) target(%dma_start3A_38 : memref<128xf32, #tpu.memory_space<hbm>>) target_semaphore(%run_scoped3A : memref<!tpu.dma_semaphore, #tpu.memory_space<semaphore_mem>>)
      %dma_wait3A = arith.constant 0 : i32
      %dma_wait3A_39 = tpu.memref_slice %arg5[%add3A, %dma_wait3A] : memref<32x128xf32, #tpu.memory_space<hbm>> -> memref<1x128xf32, #tpu.memory_space<hbm>>
      %dma_wait3A_40 = tpu.memref_squeeze %dma_wait3A_39 : memref<1x128xf32, #tpu.memory_space<hbm>> -> memref<128xf32, #tpu.memory_space<hbm>>
      %dma_wait3A_41 = arith.constant 0 : i32
      %dma_wait3A_42 = tpu.memref_slice %arg5[%add3A, %dma_wait3A_41] : memref<32x128xf32, #tpu.memory_space<hbm>> -> memref<1x128xf32, #tpu.memory_space<hbm>>
      %dma_wait3A_43 = tpu.memref_squeeze %dma_wait3A_42 : memref<1x128xf32, #tpu.memory_space<hbm>> -> memref<128xf32, #tpu.memory_space<hbm>>
      tpu.wait_dma2 semaphore(%run_scoped3A : memref<!tpu.dma_semaphore, #tpu.memory_space<semaphore_mem>>) src(%arg9 : memref<128xf32, #tpu.memory_space<vmem>>) dst(%dma_wait3A_43 : memref<128xf32, #tpu.memory_space<hbm>>)
      tpu.yield
    }) : () -> ()
    return
  }
}

#map = affine_map<(d0, d1) -> (0)>
module attributes {stable_mosaic.version = 14 : i64} {
  func.func @kern(%arg0: i32, %arg1: i32, %arg2: memref<163840xi32, #tpu.memory_space<hbm>>, %arg3: memref<163840xi32, #tpu.memory_space<hbm>>, %arg4: memref<10000xf32, #tpu.memory_space<hbm>>, %arg5: memref<10000xi32, #tpu.memory_space<hbm>>, %arg6: memref<128xf32, #tpu.memory_space<hbm>>, %arg7: memref<163840xf32, #tpu.memory_space<hbm>>, %arg8: memref<5120xi32, #tpu.memory_space<vmem>>, %arg9: memref<5120xi32, #tpu.memory_space<vmem>>, %arg10: memref<5120xf32, #tpu.memory_space<vmem>>, %arg11: memref<10000xf32, #tpu.memory_space<vmem>>, %arg12: memref<10000xi32, #tpu.memory_space<vmem>>, %arg13: memref<128xf32, #tpu.memory_space<vmem>>) attributes {dimension_semantics = [#tpu.dimension_semantics<core_parallel>, #tpu.dimension_semantics<subcore_parallel>], iteration_bounds = array<i64: 2, 16>, scalar_prefetch = 0 : i64, scratch_operands = 6 : i64, tpu.core_type = #tpu.core_type<sc_vector_subcore>, window_params = [{transform_indices = #map}, {transform_indices = #map}, {transform_indices = #map}, {transform_indices = #map}, {transform_indices = #map}, {transform_indices = #map}]} {
    %mul3A = arith.constant 2 : i32
    %mul3A_0 = arith.muli %arg1, %mul3A : i32
    %add3A = arith.addi %mul3A_0, %arg0 : i32
    %mul3A_1 = arith.constant 5120 : i32
    %mul3A_2 = arith.muli %add3A, %mul3A_1 : i32
    "tpu.region"() ({
      %run_scoped3A = tpu.sem_alloc : memref<!tpu.dma_semaphore, #tpu.memory_space<semaphore_mem>>
      %dma_start3A = tpu.memref_slice %arg2[%mul3A_2] : memref<163840xi32, #tpu.memory_space<hbm>> -> memref<5120xi32, #tpu.memory_space<hbm>>
      %dma_start3A_8 = tpu.memref_slice %arg2[%mul3A_2] : memref<163840xi32, #tpu.memory_space<hbm>> -> memref<5120xi32, #tpu.memory_space<hbm>>
      tpu.enqueue_dma source(%dma_start3A_8 : memref<5120xi32, #tpu.memory_space<hbm>>) target(%arg8 : memref<5120xi32, #tpu.memory_space<vmem>>) target_semaphore(%run_scoped3A : memref<!tpu.dma_semaphore, #tpu.memory_space<semaphore_mem>>)
      %dma_wait3A = tpu.memref_slice %arg2[%mul3A_2] : memref<163840xi32, #tpu.memory_space<hbm>> -> memref<5120xi32, #tpu.memory_space<hbm>>
      %dma_wait3A_9 = tpu.memref_slice %arg2[%mul3A_2] : memref<163840xi32, #tpu.memory_space<hbm>> -> memref<5120xi32, #tpu.memory_space<hbm>>
      tpu.wait_dma2 semaphore(%run_scoped3A : memref<!tpu.dma_semaphore, #tpu.memory_space<semaphore_mem>>) src(%dma_wait3A_9 : memref<5120xi32, #tpu.memory_space<hbm>>) dst(%arg8 : memref<5120xi32, #tpu.memory_space<vmem>>)
      tpu.yield
    }) : () -> ()
    "tpu.region"() ({
      %run_scoped3A = tpu.sem_alloc : memref<!tpu.dma_semaphore, #tpu.memory_space<semaphore_mem>>
      %dma_start3A = tpu.memref_slice %arg3[%mul3A_2] : memref<163840xi32, #tpu.memory_space<hbm>> -> memref<5120xi32, #tpu.memory_space<hbm>>
      %dma_start3A_8 = tpu.memref_slice %arg3[%mul3A_2] : memref<163840xi32, #tpu.memory_space<hbm>> -> memref<5120xi32, #tpu.memory_space<hbm>>
      tpu.enqueue_dma source(%dma_start3A_8 : memref<5120xi32, #tpu.memory_space<hbm>>) target(%arg9 : memref<5120xi32, #tpu.memory_space<vmem>>) target_semaphore(%run_scoped3A : memref<!tpu.dma_semaphore, #tpu.memory_space<semaphore_mem>>)
      %dma_wait3A = tpu.memref_slice %arg3[%mul3A_2] : memref<163840xi32, #tpu.memory_space<hbm>> -> memref<5120xi32, #tpu.memory_space<hbm>>
      %dma_wait3A_9 = tpu.memref_slice %arg3[%mul3A_2] : memref<163840xi32, #tpu.memory_space<hbm>> -> memref<5120xi32, #tpu.memory_space<hbm>>
      tpu.wait_dma2 semaphore(%run_scoped3A : memref<!tpu.dma_semaphore, #tpu.memory_space<semaphore_mem>>) src(%dma_wait3A_9 : memref<5120xi32, #tpu.memory_space<hbm>>) dst(%arg9 : memref<5120xi32, #tpu.memory_space<vmem>>)
      tpu.yield
    }) : () -> ()
    "tpu.region"() ({
      %run_scoped3A = tpu.sem_alloc : memref<!tpu.dma_semaphore, #tpu.memory_space<semaphore_mem>>
      tpu.enqueue_dma source(%arg4 : memref<10000xf32, #tpu.memory_space<hbm>>) target(%arg11 : memref<10000xf32, #tpu.memory_space<vmem>>) target_semaphore(%run_scoped3A : memref<!tpu.dma_semaphore, #tpu.memory_space<semaphore_mem>>)
      tpu.wait_dma2 semaphore(%run_scoped3A : memref<!tpu.dma_semaphore, #tpu.memory_space<semaphore_mem>>) src(%arg4 : memref<10000xf32, #tpu.memory_space<hbm>>) dst(%arg11 : memref<10000xf32, #tpu.memory_space<vmem>>)
      tpu.yield
    }) : () -> ()
    "tpu.region"() ({
      %run_scoped3A = tpu.sem_alloc : memref<!tpu.dma_semaphore, #tpu.memory_space<semaphore_mem>>
      tpu.enqueue_dma source(%arg5 : memref<10000xi32, #tpu.memory_space<hbm>>) target(%arg12 : memref<10000xi32, #tpu.memory_space<vmem>>) target_semaphore(%run_scoped3A : memref<!tpu.dma_semaphore, #tpu.memory_space<semaphore_mem>>)
      tpu.wait_dma2 semaphore(%run_scoped3A : memref<!tpu.dma_semaphore, #tpu.memory_space<semaphore_mem>>) src(%arg5 : memref<10000xi32, #tpu.memory_space<hbm>>) dst(%arg12 : memref<10000xi32, #tpu.memory_space<vmem>>)
      tpu.yield
    }) : () -> ()
    "tpu.region"() ({
      %run_scoped3A = tpu.sem_alloc : memref<!tpu.dma_semaphore, #tpu.memory_space<semaphore_mem>>
      tpu.enqueue_dma source(%arg6 : memref<128xf32, #tpu.memory_space<hbm>>) target(%arg13 : memref<128xf32, #tpu.memory_space<vmem>>) target_semaphore(%run_scoped3A : memref<!tpu.dma_semaphore, #tpu.memory_space<semaphore_mem>>)
      tpu.wait_dma2 semaphore(%run_scoped3A : memref<!tpu.dma_semaphore, #tpu.memory_space<semaphore_mem>>) src(%arg6 : memref<128xf32, #tpu.memory_space<hbm>>) dst(%arg13 : memref<128xf32, #tpu.memory_space<vmem>>)
      tpu.yield
    }) : () -> ()
    %scan3A = arith.constant 0 : i32
    %scan3A_3 = arith.constant 0 : i32
    %scan3A_4 = arith.constant 320 : i32
    %scan3A_5 = arith.addi %scan3A_3, %scan3A_4 : i32
    %scan3A_6 = arith.constant 4 : i32
    scf.for %scan3A_8 = %scan3A_3 to %scan3A_5 step %scan3A_6  : i32 {
      %mul3A_9 = arith.constant 16 : i32
      %mul3A_10 = arith.muli %scan3A_8, %mul3A_9 : i32
      %get3A = arith.index_cast %mul3A_10 : i32 to index
      %get3A_11 = tpu.vector_load %arg8[%get3A] {strides = array<i32>} : memref<5120xi32, #tpu.memory_space<vmem>>, vector<16xi32>,
      %mul3A_12 = arith.constant 16 : i32
      %mul3A_13 = arith.muli %scan3A_8, %mul3A_12 : i32
      %get3A_14 = arith.index_cast %mul3A_13 : i32 to index
      %get3A_15 = tpu.vector_load %arg9[%get3A_14] {strides = array<i32>} : memref<5120xi32, #tpu.memory_space<vmem>>, vector<16xi32>,
      %gather3A = tpu.vector_load_idx %arg11[%get3A_11] : memref<10000xf32, #tpu.memory_space<vmem>>[vector<16xi32>], vector<16xf32>,
      %gather3A_16 = tpu.vector_load_idx %arg11[%get3A_15] : memref<10000xf32, #tpu.memory_space<vmem>>[vector<16xi32>], vector<16xf32>,
      %gather3A_17 = tpu.vector_load_idx %arg12[%get3A_11] : memref<10000xi32, #tpu.memory_space<vmem>>[vector<16xi32>], vector<16xi32>,
      %gather3A_18 = tpu.vector_load_idx %arg13[%gather3A_17] : memref<128xf32, #tpu.memory_space<vmem>>[vector<16xi32>], vector<16xf32>,
      %mul3A_19 = arith.mulf %gather3A, %gather3A_16 : vector<16xf32>
      %mul3A_20 = arith.mulf %mul3A_19, %gather3A_18 : vector<16xf32>
      %mul3A_21 = arith.constant 16 : i32
      %mul3A_22 = arith.muli %scan3A_8, %mul3A_21 : i32
      %swap3A = arith.index_cast %mul3A_22 : i32 to index
      %swap3A_23 = tpu.vector_load %arg10[%swap3A] {strides = array<i32>} : memref<5120xf32, #tpu.memory_space<vmem>>, vector<16xf32>,
      tpu.vector_store %arg10[%swap3A], %mul3A_20 {strides = array<i32>} : memref<5120xf32, #tpu.memory_space<vmem>>, vector<16xf32>,
      %scan3A_24 = arith.constant 1 : i32
      %scan3A_25 = arith.addi %scan3A_8, %scan3A_24 : i32
      %mul3A_26 = arith.constant 16 : i32
      %mul3A_27 = arith.muli %scan3A_25, %mul3A_26 : i32
      %get3A_28 = arith.index_cast %mul3A_27 : i32 to index
      %get3A_29 = tpu.vector_load %arg8[%get3A_28] {strides = array<i32>} : memref<5120xi32, #tpu.memory_space<vmem>>, vector<16xi32>,
      %mul3A_30 = arith.constant 16 : i32
      %mul3A_31 = arith.muli %scan3A_25, %mul3A_30 : i32
      %get3A_32 = arith.index_cast %mul3A_31 : i32 to index
      %get3A_33 = tpu.vector_load %arg9[%get3A_32] {strides = array<i32>} : memref<5120xi32, #tpu.memory_space<vmem>>, vector<16xi32>,
      %gather3A_34 = tpu.vector_load_idx %arg11[%get3A_29] : memref<10000xf32, #tpu.memory_space<vmem>>[vector<16xi32>], vector<16xf32>,
      %gather3A_35 = tpu.vector_load_idx %arg11[%get3A_33] : memref<10000xf32, #tpu.memory_space<vmem>>[vector<16xi32>], vector<16xf32>,
      %gather3A_36 = tpu.vector_load_idx %arg12[%get3A_29] : memref<10000xi32, #tpu.memory_space<vmem>>[vector<16xi32>], vector<16xi32>,
      %gather3A_37 = tpu.vector_load_idx %arg13[%gather3A_36] : memref<128xf32, #tpu.memory_space<vmem>>[vector<16xi32>], vector<16xf32>,
      %mul3A_38 = arith.mulf %gather3A_34, %gather3A_35 : vector<16xf32>
      %mul3A_39 = arith.mulf %mul3A_38, %gather3A_37 : vector<16xf32>
      %mul3A_40 = arith.constant 16 : i32
      %mul3A_41 = arith.muli %scan3A_25, %mul3A_40 : i32
      %swap3A_42 = arith.index_cast %mul3A_41 : i32 to index
      %swap3A_43 = tpu.vector_load %arg10[%swap3A_42] {strides = array<i32>} : memref<5120xf32, #tpu.memory_space<vmem>>, vector<16xf32>,
      tpu.vector_store %arg10[%swap3A_42], %mul3A_39 {strides = array<i32>} : memref<5120xf32, #tpu.memory_space<vmem>>, vector<16xf32>,
      %scan3A_44 = arith.constant 2 : i32
      %scan3A_45 = arith.addi %scan3A_8, %scan3A_44 : i32
      %mul3A_46 = arith.constant 16 : i32
      %mul3A_47 = arith.muli %scan3A_45, %mul3A_46 : i32
      %get3A_48 = arith.index_cast %mul3A_47 : i32 to index
      %get3A_49 = tpu.vector_load %arg8[%get3A_48] {strides = array<i32>} : memref<5120xi32, #tpu.memory_space<vmem>>, vector<16xi32>,
      %mul3A_50 = arith.constant 16 : i32
      %mul3A_51 = arith.muli %scan3A_45, %mul3A_50 : i32
      %get3A_52 = arith.index_cast %mul3A_51 : i32 to index
      %get3A_53 = tpu.vector_load %arg9[%get3A_52] {strides = array<i32>} : memref<5120xi32, #tpu.memory_space<vmem>>, vector<16xi32>,
      %gather3A_54 = tpu.vector_load_idx %arg11[%get3A_49] : memref<10000xf32, #tpu.memory_space<vmem>>[vector<16xi32>], vector<16xf32>,
      %gather3A_55 = tpu.vector_load_idx %arg11[%get3A_53] : memref<10000xf32, #tpu.memory_space<vmem>>[vector<16xi32>], vector<16xf32>,
      %gather3A_56 = tpu.vector_load_idx %arg12[%get3A_49] : memref<10000xi32, #tpu.memory_space<vmem>>[vector<16xi32>], vector<16xi32>,
      %gather3A_57 = tpu.vector_load_idx %arg13[%gather3A_56] : memref<128xf32, #tpu.memory_space<vmem>>[vector<16xi32>], vector<16xf32>,
      %mul3A_58 = arith.mulf %gather3A_54, %gather3A_55 : vector<16xf32>
      %mul3A_59 = arith.mulf %mul3A_58, %gather3A_57 : vector<16xf32>
      %mul3A_60 = arith.constant 16 : i32
      %mul3A_61 = arith.muli %scan3A_45, %mul3A_60 : i32
      %swap3A_62 = arith.index_cast %mul3A_61 : i32 to index
      %swap3A_63 = tpu.vector_load %arg10[%swap3A_62] {strides = array<i32>} : memref<5120xf32, #tpu.memory_space<vmem>>, vector<16xf32>,
      tpu.vector_store %arg10[%swap3A_62], %mul3A_59 {strides = array<i32>} : memref<5120xf32, #tpu.memory_space<vmem>>, vector<16xf32>,
      %scan3A_64 = arith.constant 3 : i32
      %scan3A_65 = arith.addi %scan3A_8, %scan3A_64 : i32
      %mul3A_66 = arith.constant 16 : i32
      %mul3A_67 = arith.muli %scan3A_65, %mul3A_66 : i32
      %get3A_68 = arith.index_cast %mul3A_67 : i32 to index
      %get3A_69 = tpu.vector_load %arg8[%get3A_68] {strides = array<i32>} : memref<5120xi32, #tpu.memory_space<vmem>>, vector<16xi32>,
      %mul3A_70 = arith.constant 16 : i32
      %mul3A_71 = arith.muli %scan3A_65, %mul3A_70 : i32
      %get3A_72 = arith.index_cast %mul3A_71 : i32 to index
      %get3A_73 = tpu.vector_load %arg9[%get3A_72] {strides = array<i32>} : memref<5120xi32, #tpu.memory_space<vmem>>, vector<16xi32>,
      %gather3A_74 = tpu.vector_load_idx %arg11[%get3A_69] : memref<10000xf32, #tpu.memory_space<vmem>>[vector<16xi32>], vector<16xf32>,
      %gather3A_75 = tpu.vector_load_idx %arg11[%get3A_73] : memref<10000xf32, #tpu.memory_space<vmem>>[vector<16xi32>], vector<16xf32>,
      %gather3A_76 = tpu.vector_load_idx %arg12[%get3A_69] : memref<10000xi32, #tpu.memory_space<vmem>>[vector<16xi32>], vector<16xi32>,
      %gather3A_77 = tpu.vector_load_idx %arg13[%gather3A_76] : memref<128xf32, #tpu.memory_space<vmem>>[vector<16xi32>], vector<16xf32>,
      %mul3A_78 = arith.mulf %gather3A_74, %gather3A_75 : vector<16xf32>
      %mul3A_79 = arith.mulf %mul3A_78, %gather3A_77 : vector<16xf32>
      %mul3A_80 = arith.constant 16 : i32
      %mul3A_81 = arith.muli %scan3A_65, %mul3A_80 : i32
      %swap3A_82 = arith.index_cast %mul3A_81 : i32 to index
      %swap3A_83 = tpu.vector_load %arg10[%swap3A_82] {strides = array<i32>} : memref<5120xf32, #tpu.memory_space<vmem>>, vector<16xf32>,
      tpu.vector_store %arg10[%swap3A_82], %mul3A_79 {strides = array<i32>} : memref<5120xf32, #tpu.memory_space<vmem>>, vector<16xf32>,
    }
    %scan3A_7 = arith.constant 320 : i32
    "tpu.region"() ({
      %run_scoped3A = tpu.sem_alloc : memref<!tpu.dma_semaphore, #tpu.memory_space<semaphore_mem>>
      %dma_start3A = tpu.memref_slice %arg7[%mul3A_2] : memref<163840xf32, #tpu.memory_space<hbm>> -> memref<5120xf32, #tpu.memory_space<hbm>>
      %dma_start3A_8 = tpu.memref_slice %arg7[%mul3A_2] : memref<163840xf32, #tpu.memory_space<hbm>> -> memref<5120xf32, #tpu.memory_space<hbm>>
      tpu.enqueue_dma source(%arg10 : memref<5120xf32, #tpu.memory_space<vmem>>) target(%dma_start3A_8 : memref<5120xf32, #tpu.memory_space<hbm>>) target_semaphore(%run_scoped3A : memref<!tpu.dma_semaphore, #tpu.memory_space<semaphore_mem>>)
      %dma_wait3A = tpu.memref_slice %arg7[%mul3A_2] : memref<163840xf32, #tpu.memory_space<hbm>> -> memref<5120xf32, #tpu.memory_space<hbm>>
      %dma_wait3A_9 = tpu.memref_slice %arg7[%mul3A_2] : memref<163840xf32, #tpu.memory_space<hbm>> -> memref<5120xf32, #tpu.memory_space<hbm>>
      tpu.wait_dma2 semaphore(%run_scoped3A : memref<!tpu.dma_semaphore, #tpu.memory_space<semaphore_mem>>) src(%arg10 : memref<5120xf32, #tpu.memory_space<vmem>>) dst(%dma_wait3A_9 : memref<5120xf32, #tpu.memory_space<hbm>>)
      tpu.yield
    }) : () -> ()
    return
  }
}

#map = affine_map<(d0, d1) -> (0, 0)>
#map1 = affine_map<(d0, d1) -> (0)>
module attributes {stable_mosaic.version = 14 : i64} {
  func.func @kern(%arg0: i32, %arg1: i32, %arg2: memref<128x10000xi32, #tpu.memory_space<hbm>>, %arg3: memref<163840xi32, #tpu.memory_space<hbm>>, %arg4: memref<163840xi32, #tpu.memory_space<hbm>>, %arg5: memref<163840xf32, #tpu.memory_space<hbm>>, %arg6: memref<32x16xf32, #tpu.memory_space<hbm>>, %arg7: memref<4x10000xi32, #tpu.memory_space<vmem>>, %arg8: memref<4096xi32, #tpu.memory_space<vmem>>, %arg9: memref<4096xi32, #tpu.memory_space<vmem>>, %arg10: memref<4096xf32, #tpu.memory_space<vmem>>, %arg11: memref<4096xi32, #tpu.memory_space<vmem>>, %arg12: memref<4096xi32, #tpu.memory_space<vmem>>, %arg13: memref<4096xf32, #tpu.memory_space<vmem>>, %arg14: memref<16xf32, #tpu.memory_space<vmem>>, %arg15: memref<!tpu.dma_semaphore, #tpu.memory_space<semaphore_mem>>, %arg16: memref<!tpu.dma_semaphore, #tpu.memory_space<semaphore_mem>>) attributes {dimension_semantics = [#tpu.dimension_semantics<core_parallel>, #tpu.dimension_semantics<subcore_parallel>], iteration_bounds = array<i64: 2, 16>, scalar_prefetch = 0 : i64, scratch_operands = 10 : i64, tpu.core_type = #tpu.core_type<sc_vector_subcore>, window_params = [{transform_indices = #map}, {transform_indices = #map1}, {transform_indices = #map1}, {transform_indices = #map1}, {transform_indices = #map}]} {
    %mul3A = arith.constant 2 : i32
    %mul3A_0 = arith.muli %arg1, %mul3A : i32
    %add3A = arith.addi %mul3A_0, %arg0 : i32
    %mul3A_1 = arith.constant 4 : i32
    %mul3A_2 = arith.muli %add3A, %mul3A_1 : i32
    "tpu.region"() ({
      %run_scoped3A = tpu.sem_alloc : memref<!tpu.dma_semaphore, #tpu.memory_space<semaphore_mem>>
      %dma_start3A_41 = arith.constant 0 : i32
      %dma_start3A_42 = tpu.memref_slice %arg2[%mul3A_2, %dma_start3A_41] : memref<128x10000xi32, #tpu.memory_space<hbm>> -> memref<4x10000xi32, #tpu.memory_space<hbm>>
      %dma_start3A_43 = arith.constant 0 : i32
      %dma_start3A_44 = tpu.memref_slice %arg2[%mul3A_2, %dma_start3A_43] : memref<128x10000xi32, #tpu.memory_space<hbm>> -> memref<4x10000xi32, #tpu.memory_space<hbm>>
      tpu.enqueue_dma source(%dma_start3A_44 : memref<4x10000xi32, #tpu.memory_space<hbm>>) target(%arg7 : memref<4x10000xi32, #tpu.memory_space<vmem>>) target_semaphore(%run_scoped3A : memref<!tpu.dma_semaphore, #tpu.memory_space<semaphore_mem>>)
      %dma_wait3A = arith.constant 0 : i32
      %dma_wait3A_45 = tpu.memref_slice %arg2[%mul3A_2, %dma_wait3A] : memref<128x10000xi32, #tpu.memory_space<hbm>> -> memref<4x10000xi32, #tpu.memory_space<hbm>>
      %dma_wait3A_46 = arith.constant 0 : i32
      %dma_wait3A_47 = tpu.memref_slice %arg2[%mul3A_2, %dma_wait3A_46] : memref<128x10000xi32, #tpu.memory_space<hbm>> -> memref<4x10000xi32, #tpu.memory_space<hbm>>
      tpu.wait_dma2 semaphore(%run_scoped3A : memref<!tpu.dma_semaphore, #tpu.memory_space<semaphore_mem>>) src(%dma_wait3A_47 : memref<4x10000xi32, #tpu.memory_space<hbm>>) dst(%arg7 : memref<4x10000xi32, #tpu.memory_space<vmem>>)
      tpu.yield
    }) : () -> ()
    %broadcast_in_dim3A = arith.constant 0 : i32
    %broadcast_in_dim3A_3 = vector.broadcast %broadcast_in_dim3A : i32 to vector<16xi32>
    %broadcast_in_dim3A_4 = arith.constant 1 : i32
    %broadcast_in_dim3A_5 = vector.broadcast %broadcast_in_dim3A_4 : i32 to vector<16xi32>
    %broadcast_in_dim3A_6 = arith.constant 2 : i32
    %broadcast_in_dim3A_7 = vector.broadcast %broadcast_in_dim3A_6 : i32 to vector<16xi32>
    %broadcast_in_dim3A_8 = arith.constant 3 : i32
    %broadcast_in_dim3A_9 = vector.broadcast %broadcast_in_dim3A_8 : i32 to vector<16xi32>
    %broadcast_in_dim3A_10 = arith.constant 0.000000e+00 : f32
    %broadcast_in_dim3A_11 = vector.broadcast %broadcast_in_dim3A_10 : f32 to vector<16xf32>
    %dma_start3A = arith.constant 0 : i32
    %dma_start3A_12 = tpu.memref_slice %arg3[%dma_start3A] : memref<163840xi32, #tpu.memory_space<hbm>> -> memref<4096xi32, #tpu.memory_space<hbm>>
    %dma_start3A_13 = arith.constant 0 : i32
    %dma_start3A_14 = tpu.memref_slice %arg3[%dma_start3A_13] : memref<163840xi32, #tpu.memory_space<hbm>> -> memref<4096xi32, #tpu.memory_space<hbm>>
    tpu.enqueue_dma source(%dma_start3A_14 : memref<4096xi32, #tpu.memory_space<hbm>>) target(%arg8 : memref<4096xi32, #tpu.memory_space<vmem>>) target_semaphore(%arg15 : memref<!tpu.dma_semaphore, #tpu.memory_space<semaphore_mem>>)
    %dma_start3A_15 = arith.constant 0 : i32
    %dma_start3A_16 = tpu.memref_slice %arg4[%dma_start3A_15] : memref<163840xi32, #tpu.memory_space<hbm>> -> memref<4096xi32, #tpu.memory_space<hbm>>
    %dma_start3A_17 = arith.constant 0 : i32
    %dma_start3A_18 = tpu.memref_slice %arg4[%dma_start3A_17] : memref<163840xi32, #tpu.memory_space<hbm>> -> memref<4096xi32, #tpu.memory_space<hbm>>
    tpu.enqueue_dma source(%dma_start3A_18 : memref<4096xi32, #tpu.memory_space<hbm>>) target(%arg9 : memref<4096xi32, #tpu.memory_space<vmem>>) target_semaphore(%arg15 : memref<!tpu.dma_semaphore, #tpu.memory_space<semaphore_mem>>)
    %dma_start3A_19 = arith.constant 0 : i32
    %dma_start3A_20 = tpu.memref_slice %arg5[%dma_start3A_19] : memref<163840xf32, #tpu.memory_space<hbm>> -> memref<4096xf32, #tpu.memory_space<hbm>>
    %dma_start3A_21 = arith.constant 0 : i32
    %dma_start3A_22 = tpu.memref_slice %arg5[%dma_start3A_21] : memref<163840xf32, #tpu.memory_space<hbm>> -> memref<4096xf32, #tpu.memory_space<hbm>>
    tpu.enqueue_dma source(%dma_start3A_22 : memref<4096xf32, #tpu.memory_space<hbm>>) target(%arg10 : memref<4096xf32, #tpu.memory_space<vmem>>) target_semaphore(%arg15 : memref<!tpu.dma_semaphore, #tpu.memory_space<semaphore_mem>>)
    %dma_start3A_23 = arith.constant 4096 : i32
    %dma_start3A_24 = tpu.memref_slice %arg3[%dma_start3A_23] : memref<163840xi32, #tpu.memory_space<hbm>> -> memref<4096xi32, #tpu.memory_space<hbm>>
    %dma_start3A_25 = arith.constant 4096 : i32
    %dma_start3A_26 = tpu.memref_slice %arg3[%dma_start3A_25] : memref<163840xi32, #tpu.memory_space<hbm>> -> memref<4096xi32, #tpu.memory_space<hbm>>
    tpu.enqueue_dma source(%dma_start3A_26 : memref<4096xi32, #tpu.memory_space<hbm>>) target(%arg11 : memref<4096xi32, #tpu.memory_space<vmem>>) target_semaphore(%arg16 : memref<!tpu.dma_semaphore, #tpu.memory_space<semaphore_mem>>)
    %dma_start3A_27 = arith.constant 4096 : i32
    %dma_start3A_28 = tpu.memref_slice %arg4[%dma_start3A_27] : memref<163840xi32, #tpu.memory_space<hbm>> -> memref<4096xi32, #tpu.memory_space<hbm>>
    %dma_start3A_29 = arith.constant 4096 : i32
    %dma_start3A_30 = tpu.memref_slice %arg4[%dma_start3A_29] : memref<163840xi32, #tpu.memory_space<hbm>> -> memref<4096xi32, #tpu.memory_space<hbm>>
    tpu.enqueue_dma source(%dma_start3A_30 : memref<4096xi32, #tpu.memory_space<hbm>>) target(%arg12 : memref<4096xi32, #tpu.memory_space<vmem>>) target_semaphore(%arg16 : memref<!tpu.dma_semaphore, #tpu.memory_space<semaphore_mem>>)
    %dma_start3A_31 = arith.constant 4096 : i32
    %dma_start3A_32 = tpu.memref_slice %arg5[%dma_start3A_31] : memref<163840xf32, #tpu.memory_space<hbm>> -> memref<4096xf32, #tpu.memory_space<hbm>>
    %dma_start3A_33 = arith.constant 4096 : i32
    %dma_start3A_34 = tpu.memref_slice %arg5[%dma_start3A_33] : memref<163840xf32, #tpu.memory_space<hbm>> -> memref<4096xf32, #tpu.memory_space<hbm>>
    tpu.enqueue_dma source(%dma_start3A_34 : memref<4096xf32, #tpu.memory_space<hbm>>) target(%arg13 : memref<4096xf32, #tpu.memory_space<vmem>>) target_semaphore(%arg16 : memref<!tpu.dma_semaphore, #tpu.memory_space<semaphore_mem>>)
    %scan3A = arith.constant 0 : i32
    %scan3A_35 = arith.constant 20 : i32
    %scan3A_36 = arith.addi %scan3A, %scan3A_35 : i32
    %scan3A_37 = arith.constant 1 : i32
    %scan3A_38 = scf.for %scan3A_41 = %scan3A to %scan3A_36 step %scan3A_37 iter_args(%scan3A_42 = %broadcast_in_dim3A_11) -> (vector<16xf32>)  : i32 {
      %dma_wait3A = arith.constant 0 : i32
      %dma_wait3A_43 = tpu.memref_slice %arg3[%dma_wait3A] : memref<163840xi32, #tpu.memory_space<hbm>> -> memref<4096xi32, #tpu.memory_space<hbm>>
      %dma_wait3A_44 = arith.constant 0 : i32
      %dma_wait3A_45 = tpu.memref_slice %arg3[%dma_wait3A_44] : memref<163840xi32, #tpu.memory_space<hbm>> -> memref<4096xi32, #tpu.memory_space<hbm>>
      tpu.wait_dma2 semaphore(%arg15 : memref<!tpu.dma_semaphore, #tpu.memory_space<semaphore_mem>>) src(%dma_wait3A_45 : memref<4096xi32, #tpu.memory_space<hbm>>) dst(%arg8 : memref<4096xi32, #tpu.memory_space<vmem>>)
      %dma_wait3A_46 = arith.constant 0 : i32
      %dma_wait3A_47 = tpu.memref_slice %arg3[%dma_wait3A_46] : memref<163840xi32, #tpu.memory_space<hbm>> -> memref<4096xi32, #tpu.memory_space<hbm>>
      %dma_wait3A_48 = arith.constant 0 : i32
      %dma_wait3A_49 = tpu.memref_slice %arg3[%dma_wait3A_48] : memref<163840xi32, #tpu.memory_space<hbm>> -> memref<4096xi32, #tpu.memory_space<hbm>>
      tpu.wait_dma2 semaphore(%arg15 : memref<!tpu.dma_semaphore, #tpu.memory_space<semaphore_mem>>) src(%dma_wait3A_49 : memref<4096xi32, #tpu.memory_space<hbm>>) dst(%arg9 : memref<4096xi32, #tpu.memory_space<vmem>>)
      %dma_wait3A_50 = arith.constant 0 : i32
      %dma_wait3A_51 = tpu.memref_slice %arg5[%dma_wait3A_50] : memref<163840xf32, #tpu.memory_space<hbm>> -> memref<4096xf32, #tpu.memory_space<hbm>>
      %dma_wait3A_52 = arith.constant 0 : i32
      %dma_wait3A_53 = tpu.memref_slice %arg5[%dma_wait3A_52] : memref<163840xf32, #tpu.memory_space<hbm>> -> memref<4096xf32, #tpu.memory_space<hbm>>
      tpu.wait_dma2 semaphore(%arg15 : memref<!tpu.dma_semaphore, #tpu.memory_space<semaphore_mem>>) src(%dma_wait3A_53 : memref<4096xf32, #tpu.memory_space<hbm>>) dst(%arg10 : memref<4096xf32, #tpu.memory_space<vmem>>)
      %scan3A_54 = arith.constant 0 : i32
      %scan3A_55 = arith.constant 256 : i32
      %scan3A_56 = arith.addi %scan3A_54, %scan3A_55 : i32
      %scan3A_57 = arith.constant 4 : i32
      %scan3A_58 = scf.for %scan3A_85 = %scan3A_54 to %scan3A_56 step %scan3A_57 iter_args(%scan3A_86 = %scan3A_42) -> (vector<16xf32>)  : i32 {
        %mul3A_87 = arith.constant 16 : i32
        %mul3A_88 = arith.muli %scan3A_85, %mul3A_87 : i32
        %get3A = arith.index_cast %mul3A_88 : i32 to index
        %get3A_89 = tpu.vector_load %arg8[%get3A] {strides = array<i32>} : memref<4096xi32, #tpu.memory_space<vmem>>, vector<16xi32>,
        %mul3A_90 = arith.constant 16 : i32
        %mul3A_91 = arith.muli %scan3A_85, %mul3A_90 : i32
        %get3A_92 = arith.index_cast %mul3A_91 : i32 to index
        %get3A_93 = tpu.vector_load %arg9[%get3A_92] {strides = array<i32>} : memref<4096xi32, #tpu.memory_space<vmem>>, vector<16xi32>,
        %mul3A_94 = arith.constant 16 : i32
        %mul3A_95 = arith.muli %scan3A_85, %mul3A_94 : i32
        %get3A_96 = arith.index_cast %mul3A_95 : i32 to index
        %get3A_97 = tpu.vector_load %arg10[%get3A_96] {strides = array<i32>} : memref<4096xf32, #tpu.memory_space<vmem>>, vector<16xf32>,
        %gather3A = tpu.vector_load_idx %arg7[%broadcast_in_dim3A_3, %get3A_89] : memref<4x10000xi32, #tpu.memory_space<vmem>>[vector<16xi32>, vector<16xi32>], vector<16xi32>,
        %gather3A_98 = tpu.vector_load_idx %arg7[%broadcast_in_dim3A_3, %get3A_93] : memref<4x10000xi32, #tpu.memory_space<vmem>>[vector<16xi32>, vector<16xi32>], vector<16xi32>,
        %bitcast3A = vector.bitcast %gather3A : vector<16xi32> to vector<32xbf16>
        %unpack3A = tpu.unpack_subelements %bitcast3A, 0 {pack_format = #tpu.pack_format<interleaved>} : vector<32xbf16> -> vector<16xf32>
        %unpack3A_99 = tpu.unpack_subelements %bitcast3A, 1 {pack_format = #tpu.pack_format<interleaved>} : vector<32xbf16> -> vector<16xf32>
        %bitcast3A_100 = vector.bitcast %gather3A_98 : vector<16xi32> to vector<32xbf16>
        %unpack3A_101 = tpu.unpack_subelements %bitcast3A_100, 0 {pack_format = #tpu.pack_format<interleaved>} : vector<32xbf16> -> vector<16xf32>
        %unpack3A_102 = tpu.unpack_subelements %bitcast3A_100, 1 {pack_format = #tpu.pack_format<interleaved>} : vector<32xbf16> -> vector<16xf32>
        %sub3A = arith.subf %unpack3A, %unpack3A_101 : vector<16xf32>
        %sub3A_103 = arith.subf %unpack3A_99, %unpack3A_102 : vector<16xf32>
        %mul3A_104 = arith.mulf %sub3A, %sub3A : vector<16xf32>
        %add3A_105 = arith.addf %broadcast_in_dim3A_11, %mul3A_104 : vector<16xf32>
        %mul3A_106 = arith.mulf %sub3A_103, %sub3A_103 : vector<16xf32>
        %add3A_107 = arith.addf %add3A_105, %mul3A_106 : vector<16xf32>
        %gather3A_108 = tpu.vector_load_idx %arg7[%broadcast_in_dim3A_5, %get3A_89] : memref<4x10000xi32, #tpu.memory_space<vmem>>[vector<16xi32>, vector<16xi32>], vector<16xi32>,
        %gather3A_109 = tpu.vector_load_idx %arg7[%broadcast_in_dim3A_5, %get3A_93] : memref<4x10000xi32, #tpu.memory_space<vmem>>[vector<16xi32>, vector<16xi32>], vector<16xi32>,
        %bitcast3A_110 = vector.bitcast %gather3A_108 : vector<16xi32> to vector<32xbf16>
        %unpack3A_111 = tpu.unpack_subelements %bitcast3A_110, 0 {pack_format = #tpu.pack_format<interleaved>} : vector<32xbf16> -> vector<16xf32>
        %unpack3A_112 = tpu.unpack_subelements %bitcast3A_110, 1 {pack_format = #tpu.pack_format<interleaved>} : vector<32xbf16> -> vector<16xf32>
        %bitcast3A_113 = vector.bitcast %gather3A_109 : vector<16xi32> to vector<32xbf16>
        %unpack3A_114 = tpu.unpack_subelements %bitcast3A_113, 0 {pack_format = #tpu.pack_format<interleaved>} : vector<32xbf16> -> vector<16xf32>
        %unpack3A_115 = tpu.unpack_subelements %bitcast3A_113, 1 {pack_format = #tpu.pack_format<interleaved>} : vector<32xbf16> -> vector<16xf32>
        %sub3A_116 = arith.subf %unpack3A_111, %unpack3A_114 : vector<16xf32>
        %sub3A_117 = arith.subf %unpack3A_112, %unpack3A_115 : vector<16xf32>
        %mul3A_118 = arith.mulf %sub3A_116, %sub3A_116 : vector<16xf32>
        %add3A_119 = arith.addf %add3A_107, %mul3A_118 : vector<16xf32>
        %mul3A_120 = arith.mulf %sub3A_117, %sub3A_117 : vector<16xf32>
        %add3A_121 = arith.addf %add3A_119, %mul3A_120 : vector<16xf32>
        %gather3A_122 = tpu.vector_load_idx %arg7[%broadcast_in_dim3A_7, %get3A_89] : memref<4x10000xi32, #tpu.memory_space<vmem>>[vector<16xi32>, vector<16xi32>], vector<16xi32>,
        %gather3A_123 = tpu.vector_load_idx %arg7[%broadcast_in_dim3A_7, %get3A_93] : memref<4x10000xi32, #tpu.memory_space<vmem>>[vector<16xi32>, vector<16xi32>], vector<16xi32>,
        %bitcast3A_124 = vector.bitcast %gather3A_122 : vector<16xi32> to vector<32xbf16>
        %unpack3A_125 = tpu.unpack_subelements %bitcast3A_124, 0 {pack_format = #tpu.pack_format<interleaved>} : vector<32xbf16> -> vector<16xf32>
        %unpack3A_126 = tpu.unpack_subelements %bitcast3A_124, 1 {pack_format = #tpu.pack_format<interleaved>} : vector<32xbf16> -> vector<16xf32>
        %bitcast3A_127 = vector.bitcast %gather3A_123 : vector<16xi32> to vector<32xbf16>
        %unpack3A_128 = tpu.unpack_subelements %bitcast3A_127, 0 {pack_format = #tpu.pack_format<interleaved>} : vector<32xbf16> -> vector<16xf32>
        %unpack3A_129 = tpu.unpack_subelements %bitcast3A_127, 1 {pack_format = #tpu.pack_format<interleaved>} : vector<32xbf16> -> vector<16xf32>
        %sub3A_130 = arith.subf %unpack3A_125, %unpack3A_128 : vector<16xf32>
        %sub3A_131 = arith.subf %unpack3A_126, %unpack3A_129 : vector<16xf32>
        %mul3A_132 = arith.mulf %sub3A_130, %sub3A_130 : vector<16xf32>
        %add3A_133 = arith.addf %add3A_121, %mul3A_132 : vector<16xf32>
        %mul3A_134 = arith.mulf %sub3A_131, %sub3A_131 : vector<16xf32>
        %add3A_135 = arith.addf %add3A_133, %mul3A_134 : vector<16xf32>
        %gather3A_136 = tpu.vector_load_idx %arg7[%broadcast_in_dim3A_9, %get3A_89] : memref<4x10000xi32, #tpu.memory_space<vmem>>[vector<16xi32>, vector<16xi32>], vector<16xi32>,
        %gather3A_137 = tpu.vector_load_idx %arg7[%broadcast_in_dim3A_9, %get3A_93] : memref<4x10000xi32, #tpu.memory_space<vmem>>[vector<16xi32>, vector<16xi32>], vector<16xi32>,
        %bitcast3A_138 = vector.bitcast %gather3A_136 : vector<16xi32> to vector<32xbf16>
        %unpack3A_139 = tpu.unpack_subelements %bitcast3A_138, 0 {pack_format = #tpu.pack_format<interleaved>} : vector<32xbf16> -> vector<16xf32>
        %unpack3A_140 = tpu.unpack_subelements %bitcast3A_138, 1 {pack_format = #tpu.pack_format<interleaved>} : vector<32xbf16> -> vector<16xf32>
        %bitcast3A_141 = vector.bitcast %gather3A_137 : vector<16xi32> to vector<32xbf16>
        %unpack3A_142 = tpu.unpack_subelements %bitcast3A_141, 0 {pack_format = #tpu.pack_format<interleaved>} : vector<32xbf16> -> vector<16xf32>
        %unpack3A_143 = tpu.unpack_subelements %bitcast3A_141, 1 {pack_format = #tpu.pack_format<interleaved>} : vector<32xbf16> -> vector<16xf32>
        %sub3A_144 = arith.subf %unpack3A_139, %unpack3A_142 : vector<16xf32>
        %sub3A_145 = arith.subf %unpack3A_140, %unpack3A_143 : vector<16xf32>
        %mul3A_146 = arith.mulf %sub3A_144, %sub3A_144 : vector<16xf32>
        %add3A_147 = arith.addf %add3A_135, %mul3A_146 : vector<16xf32>
        %mul3A_148 = arith.mulf %sub3A_145, %sub3A_145 : vector<16xf32>
        %add3A_149 = arith.addf %add3A_147, %mul3A_148 : vector<16xf32>
        %mul3A_150 = arith.mulf %add3A_149, %get3A_97 : vector<16xf32>
        %add3A_151 = arith.addf %scan3A_86, %mul3A_150 : vector<16xf32>
        %scan3A_152 = arith.constant 1 : i32
        %scan3A_153 = arith.addi %scan3A_85, %scan3A_152 : i32
        %mul3A_154 = arith.constant 16 : i32
        %mul3A_155 = arith.muli %scan3A_153, %mul3A_154 : i32
        %get3A_156 = arith.index_cast %mul3A_155 : i32 to index
        %get3A_157 = tpu.vector_load %arg8[%get3A_156] {strides = array<i32>} : memref<4096xi32, #tpu.memory_space<vmem>>, vector<16xi32>,
        %mul3A_158 = arith.constant 16 : i32
        %mul3A_159 = arith.muli %scan3A_153, %mul3A_158 : i32
        %get3A_160 = arith.index_cast %mul3A_159 : i32 to index
        %get3A_161 = tpu.vector_load %arg9[%get3A_160] {strides = array<i32>} : memref<4096xi32, #tpu.memory_space<vmem>>, vector<16xi32>,
        %mul3A_162 = arith.constant 16 : i32
        %mul3A_163 = arith.muli %scan3A_153, %mul3A_162 : i32
        %get3A_164 = arith.index_cast %mul3A_163 : i32 to index
        %get3A_165 = tpu.vector_load %arg10[%get3A_164] {strides = array<i32>} : memref<4096xf32, #tpu.memory_space<vmem>>, vector<16xf32>,
        %gather3A_166 = tpu.vector_load_idx %arg7[%broadcast_in_dim3A_3, %get3A_157] : memref<4x10000xi32, #tpu.memory_space<vmem>>[vector<16xi32>, vector<16xi32>], vector<16xi32>,
        %gather3A_167 = tpu.vector_load_idx %arg7[%broadcast_in_dim3A_3, %get3A_161] : memref<4x10000xi32, #tpu.memory_space<vmem>>[vector<16xi32>, vector<16xi32>], vector<16xi32>,
        %bitcast3A_168 = vector.bitcast %gather3A_166 : vector<16xi32> to vector<32xbf16>
        %unpack3A_169 = tpu.unpack_subelements %bitcast3A_168, 0 {pack_format = #tpu.pack_format<interleaved>} : vector<32xbf16> -> vector<16xf32>
        %unpack3A_170 = tpu.unpack_subelements %bitcast3A_168, 1 {pack_format = #tpu.pack_format<interleaved>} : vector<32xbf16> -> vector<16xf32>
        %bitcast3A_171 = vector.bitcast %gather3A_167 : vector<16xi32> to vector<32xbf16>
        %unpack3A_172 = tpu.unpack_subelements %bitcast3A_171, 0 {pack_format = #tpu.pack_format<interleaved>} : vector<32xbf16> -> vector<16xf32>
        %unpack3A_173 = tpu.unpack_subelements %bitcast3A_171, 1 {pack_format = #tpu.pack_format<interleaved>} : vector<32xbf16> -> vector<16xf32>
        %sub3A_174 = arith.subf %unpack3A_169, %unpack3A_172 : vector<16xf32>
        %sub3A_175 = arith.subf %unpack3A_170, %unpack3A_173 : vector<16xf32>
        %mul3A_176 = arith.mulf %sub3A_174, %sub3A_174 : vector<16xf32>
        %add3A_177 = arith.addf %broadcast_in_dim3A_11, %mul3A_176 : vector<16xf32>
        %mul3A_178 = arith.mulf %sub3A_175, %sub3A_175 : vector<16xf32>
        %add3A_179 = arith.addf %add3A_177, %mul3A_178 : vector<16xf32>
        %gather3A_180 = tpu.vector_load_idx %arg7[%broadcast_in_dim3A_5, %get3A_157] : memref<4x10000xi32, #tpu.memory_space<vmem>>[vector<16xi32>, vector<16xi32>], vector<16xi32>,
        %gather3A_181 = tpu.vector_load_idx %arg7[%broadcast_in_dim3A_5, %get3A_161] : memref<4x10000xi32, #tpu.memory_space<vmem>>[vector<16xi32>, vector<16xi32>], vector<16xi32>,
        %bitcast3A_182 = vector.bitcast %gather3A_180 : vector<16xi32> to vector<32xbf16>
        %unpack3A_183 = tpu.unpack_subelements %bitcast3A_182, 0 {pack_format = #tpu.pack_format<interleaved>} : vector<32xbf16> -> vector<16xf32>
        %unpack3A_184 = tpu.unpack_subelements %bitcast3A_182, 1 {pack_format = #tpu.pack_format<interleaved>} : vector<32xbf16> -> vector<16xf32>
        %bitcast3A_185 = vector.bitcast %gather3A_181 : vector<16xi32> to vector<32xbf16>
        %unpack3A_186 = tpu.unpack_subelements %bitcast3A_185, 0 {pack_format = #tpu.pack_format<interleaved>} : vector<32xbf16> -> vector<16xf32>
        %unpack3A_187 = tpu.unpack_subelements %bitcast3A_185, 1 {pack_format = #tpu.pack_format<interleaved>} : vector<32xbf16> -> vector<16xf32>
        %sub3A_188 = arith.subf %unpack3A_183, %unpack3A_186 : vector<16xf32>
        %sub3A_189 = arith.subf %unpack3A_184, %unpack3A_187 : vector<16xf32>
        %mul3A_190 = arith.mulf %sub3A_188, %sub3A_188 : vector<16xf32>
        %add3A_191 = arith.addf %add3A_179, %mul3A_190 : vector<16xf32>
        %mul3A_192 = arith.mulf %sub3A_189, %sub3A_189 : vector<16xf32>
        %add3A_193 = arith.addf %add3A_191, %mul3A_192 : vector<16xf32>
        %gather3A_194 = tpu.vector_load_idx %arg7[%broadcast_in_dim3A_7, %get3A_157] : memref<4x10000xi32, #tpu.memory_space<vmem>>[vector<16xi32>, vector<16xi32>], vector<16xi32>,
        %gather3A_195 = tpu.vector_load_idx %arg7[%broadcast_in_dim3A_7, %get3A_161] : memref<4x10000xi32, #tpu.memory_space<vmem>>[vector<16xi32>, vector<16xi32>], vector<16xi32>,
        %bitcast3A_196 = vector.bitcast %gather3A_194 : vector<16xi32> to vector<32xbf16>
        %unpack3A_197 = tpu.unpack_subelements %bitcast3A_196, 0 {pack_format = #tpu.pack_format<interleaved>} : vector<32xbf16> -> vector<16xf32>
        %unpack3A_198 = tpu.unpack_subelements %bitcast3A_196, 1 {pack_format = #tpu.pack_format<interleaved>} : vector<32xbf16> -> vector<16xf32>
        %bitcast3A_199 = vector.bitcast %gather3A_195 : vector<16xi32> to vector<32xbf16>
        %unpack3A_200 = tpu.unpack_subelements %bitcast3A_199, 0 {pack_format = #tpu.pack_format<interleaved>} : vector<32xbf16> -> vector<16xf32>
        %unpack3A_201 = tpu.unpack_subelements %bitcast3A_199, 1 {pack_format = #tpu.pack_format<interleaved>} : vector<32xbf16> -> vector<16xf32>
        %sub3A_202 = arith.subf %unpack3A_197, %unpack3A_200 : vector<16xf32>
        %sub3A_203 = arith.subf %unpack3A_198, %unpack3A_201 : vector<16xf32>
        %mul3A_204 = arith.mulf %sub3A_202, %sub3A_202 : vector<16xf32>
        %add3A_205 = arith.addf %add3A_193, %mul3A_204 : vector<16xf32>
        %mul3A_206 = arith.mulf %sub3A_203, %sub3A_203 : vector<16xf32>
        %add3A_207 = arith.addf %add3A_205, %mul3A_206 : vector<16xf32>
        %gather3A_208 = tpu.vector_load_idx %arg7[%broadcast_in_dim3A_9, %get3A_157] : memref<4x10000xi32, #tpu.memory_space<vmem>>[vector<16xi32>, vector<16xi32>], vector<16xi32>,
        %gather3A_209 = tpu.vector_load_idx %arg7[%broadcast_in_dim3A_9, %get3A_161] : memref<4x10000xi32, #tpu.memory_space<vmem>>[vector<16xi32>, vector<16xi32>], vector<16xi32>,
        %bitcast3A_210 = vector.bitcast %gather3A_208 : vector<16xi32> to vector<32xbf16>
        %unpack3A_211 = tpu.unpack_subelements %bitcast3A_210, 0 {pack_format = #tpu.pack_format<interleaved>} : vector<32xbf16> -> vector<16xf32>
        %unpack3A_212 = tpu.unpack_subelements %bitcast3A_210, 1 {pack_format = #tpu.pack_format<interleaved>} : vector<32xbf16> -> vector<16xf32>
        %bitcast3A_213 = vector.bitcast %gather3A_209 : vector<16xi32> to vector<32xbf16>
        %unpack3A_214 = tpu.unpack_subelements %bitcast3A_213, 0 {pack_format = #tpu.pack_format<interleaved>} : vector<32xbf16> -> vector<16xf32>
        %unpack3A_215 = tpu.unpack_subelements %bitcast3A_213, 1 {pack_format = #tpu.pack_format<interleaved>} : vector<32xbf16> -> vector<16xf32>
        %sub3A_216 = arith.subf %unpack3A_211, %unpack3A_214 : vector<16xf32>
        %sub3A_217 = arith.subf %unpack3A_212, %unpack3A_215 : vector<16xf32>
        %mul3A_218 = arith.mulf %sub3A_216, %sub3A_216 : vector<16xf32>
        %add3A_219 = arith.addf %add3A_207, %mul3A_218 : vector<16xf32>
        %mul3A_220 = arith.mulf %sub3A_217, %sub3A_217 : vector<16xf32>
        %add3A_221 = arith.addf %add3A_219, %mul3A_220 : vector<16xf32>
        %mul3A_222 = arith.mulf %add3A_221, %get3A_165 : vector<16xf32>
        %add3A_223 = arith.addf %add3A_151, %mul3A_222 : vector<16xf32>
        %scan3A_224 = arith.constant 2 : i32
        %scan3A_225 = arith.addi %scan3A_85, %scan3A_224 : i32
        %mul3A_226 = arith.constant 16 : i32
        %mul3A_227 = arith.muli %scan3A_225, %mul3A_226 : i32
        %get3A_228 = arith.index_cast %mul3A_227 : i32 to index
        %get3A_229 = tpu.vector_load %arg8[%get3A_228] {strides = array<i32>} : memref<4096xi32, #tpu.memory_space<vmem>>, vector<16xi32>,
        %mul3A_230 = arith.constant 16 : i32
        %mul3A_231 = arith.muli %scan3A_225, %mul3A_230 : i32
        %get3A_232 = arith.index_cast %mul3A_231 : i32 to index
        %get3A_233 = tpu.vector_load %arg9[%get3A_232] {strides = array<i32>} : memref<4096xi32, #tpu.memory_space<vmem>>, vector<16xi32>,
        %mul3A_234 = arith.constant 16 : i32
        %mul3A_235 = arith.muli %scan3A_225, %mul3A_234 : i32
        %get3A_236 = arith.index_cast %mul3A_235 : i32 to index
        %get3A_237 = tpu.vector_load %arg10[%get3A_236] {strides = array<i32>} : memref<4096xf32, #tpu.memory_space<vmem>>, vector<16xf32>,
        %gather3A_238 = tpu.vector_load_idx %arg7[%broadcast_in_dim3A_3, %get3A_229] : memref<4x10000xi32, #tpu.memory_space<vmem>>[vector<16xi32>, vector<16xi32>], vector<16xi32>,
        %gather3A_239 = tpu.vector_load_idx %arg7[%broadcast_in_dim3A_3, %get3A_233] : memref<4x10000xi32, #tpu.memory_space<vmem>>[vector<16xi32>, vector<16xi32>], vector<16xi32>,
        %bitcast3A_240 = vector.bitcast %gather3A_238 : vector<16xi32> to vector<32xbf16>
        %unpack3A_241 = tpu.unpack_subelements %bitcast3A_240, 0 {pack_format = #tpu.pack_format<interleaved>} : vector<32xbf16> -> vector<16xf32>
        %unpack3A_242 = tpu.unpack_subelements %bitcast3A_240, 1 {pack_format = #tpu.pack_format<interleaved>} : vector<32xbf16> -> vector<16xf32>
        %bitcast3A_243 = vector.bitcast %gather3A_239 : vector<16xi32> to vector<32xbf16>
        %unpack3A_244 = tpu.unpack_subelements %bitcast3A_243, 0 {pack_format = #tpu.pack_format<interleaved>} : vector<32xbf16> -> vector<16xf32>
        %unpack3A_245 = tpu.unpack_subelements %bitcast3A_243, 1 {pack_format = #tpu.pack_format<interleaved>} : vector<32xbf16> -> vector<16xf32>
        %sub3A_246 = arith.subf %unpack3A_241, %unpack3A_244 : vector<16xf32>
        %sub3A_247 = arith.subf %unpack3A_242, %unpack3A_245 : vector<16xf32>
        %mul3A_248 = arith.mulf %sub3A_246, %sub3A_246 : vector<16xf32>
        %add3A_249 = arith.addf %broadcast_in_dim3A_11, %mul3A_248 : vector<16xf32>
        %mul3A_250 = arith.mulf %sub3A_247, %sub3A_247 : vector<16xf32>
        %add3A_251 = arith.addf %add3A_249, %mul3A_250 : vector<16xf32>
        %gather3A_252 = tpu.vector_load_idx %arg7[%broadcast_in_dim3A_5, %get3A_229] : memref<4x10000xi32, #tpu.memory_space<vmem>>[vector<16xi32>, vector<16xi32>], vector<16xi32>,
        %gather3A_253 = tpu.vector_load_idx %arg7[%broadcast_in_dim3A_5, %get3A_233] : memref<4x10000xi32, #tpu.memory_space<vmem>>[vector<16xi32>, vector<16xi32>], vector<16xi32>,
        %bitcast3A_254 = vector.bitcast %gather3A_252 : vector<16xi32> to vector<32xbf16>
        %unpack3A_255 = tpu.unpack_subelements %bitcast3A_254, 0 {pack_format = #tpu.pack_format<interleaved>} : vector<32xbf16> -> vector<16xf32>
        %unpack3A_256 = tpu.unpack_subelements %bitcast3A_254, 1 {pack_format = #tpu.pack_format<interleaved>} : vector<32xbf16> -> vector<16xf32>
        %bitcast3A_257 = vector.bitcast %gather3A_253 : vector<16xi32> to vector<32xbf16>
        %unpack3A_258 = tpu.unpack_subelements %bitcast3A_257, 0 {pack_format = #tpu.pack_format<interleaved>} : vector<32xbf16> -> vector<16xf32>
        %unpack3A_259 = tpu.unpack_subelements %bitcast3A_257, 1 {pack_format = #tpu.pack_format<interleaved>} : vector<32xbf16> -> vector<16xf32>
        %sub3A_260 = arith.subf %unpack3A_255, %unpack3A_258 : vector<16xf32>
        %sub3A_261 = arith.subf %unpack3A_256, %unpack3A_259 : vector<16xf32>
        %mul3A_262 = arith.mulf %sub3A_260, %sub3A_260 : vector<16xf32>
        %add3A_263 = arith.addf %add3A_251, %mul3A_262 : vector<16xf32>
        %mul3A_264 = arith.mulf %sub3A_261, %sub3A_261 : vector<16xf32>
        %add3A_265 = arith.addf %add3A_263, %mul3A_264 : vector<16xf32>
        %gather3A_266 = tpu.vector_load_idx %arg7[%broadcast_in_dim3A_7, %get3A_229] : memref<4x10000xi32, #tpu.memory_space<vmem>>[vector<16xi32>, vector<16xi32>], vector<16xi32>,
        %gather3A_267 = tpu.vector_load_idx %arg7[%broadcast_in_dim3A_7, %get3A_233] : memref<4x10000xi32, #tpu.memory_space<vmem>>[vector<16xi32>, vector<16xi32>], vector<16xi32>,
        %bitcast3A_268 = vector.bitcast %gather3A_266 : vector<16xi32> to vector<32xbf16>
        %unpack3A_269 = tpu.unpack_subelements %bitcast3A_268, 0 {pack_format = #tpu.pack_format<interleaved>} : vector<32xbf16> -> vector<16xf32>
        %unpack3A_270 = tpu.unpack_subelements %bitcast3A_268, 1 {pack_format = #tpu.pack_format<interleaved>} : vector<32xbf16> -> vector<16xf32>
        %bitcast3A_271 = vector.bitcast %gather3A_267 : vector<16xi32> to vector<32xbf16>
        %unpack3A_272 = tpu.unpack_subelements %bitcast3A_271, 0 {pack_format = #tpu.pack_format<interleaved>} : vector<32xbf16> -> vector<16xf32>
        %unpack3A_273 = tpu.unpack_subelements %bitcast3A_271, 1 {pack_format = #tpu.pack_format<interleaved>} : vector<32xbf16> -> vector<16xf32>
        %sub3A_274 = arith.subf %unpack3A_269, %unpack3A_272 : vector<16xf32>
        %sub3A_275 = arith.subf %unpack3A_270, %unpack3A_273 : vector<16xf32>
        %mul3A_276 = arith.mulf %sub3A_274, %sub3A_274 : vector<16xf32>
        %add3A_277 = arith.addf %add3A_265, %mul3A_276 : vector<16xf32>
        %mul3A_278 = arith.mulf %sub3A_275, %sub3A_275 : vector<16xf32>
        %add3A_279 = arith.addf %add3A_277, %mul3A_278 : vector<16xf32>
        %gather3A_280 = tpu.vector_load_idx %arg7[%broadcast_in_dim3A_9, %get3A_229] : memref<4x10000xi32, #tpu.memory_space<vmem>>[vector<16xi32>, vector<16xi32>], vector<16xi32>,
        %gather3A_281 = tpu.vector_load_idx %arg7[%broadcast_in_dim3A_9, %get3A_233] : memref<4x10000xi32, #tpu.memory_space<vmem>>[vector<16xi32>, vector<16xi32>], vector<16xi32>,
        %bitcast3A_282 = vector.bitcast %gather3A_280 : vector<16xi32> to vector<32xbf16>
        %unpack3A_283 = tpu.unpack_subelements %bitcast3A_282, 0 {pack_format = #tpu.pack_format<interleaved>} : vector<32xbf16> -> vector<16xf32>
        %unpack3A_284 = tpu.unpack_subelements %bitcast3A_282, 1 {pack_format = #tpu.pack_format<interleaved>} : vector<32xbf16> -> vector<16xf32>
        %bitcast3A_285 = vector.bitcast %gather3A_281 : vector<16xi32> to vector<32xbf16>
        %unpack3A_286 = tpu.unpack_subelements %bitcast3A_285, 0 {pack_format = #tpu.pack_format<interleaved>} : vector<32xbf16> -> vector<16xf32>
        %unpack3A_287 = tpu.unpack_subelements %bitcast3A_285, 1 {pack_format = #tpu.pack_format<interleaved>} : vector<32xbf16> -> vector<16xf32>
        %sub3A_288 = arith.subf %unpack3A_283, %unpack3A_286 : vector<16xf32>
        %sub3A_289 = arith.subf %unpack3A_284, %unpack3A_287 : vector<16xf32>
        %mul3A_290 = arith.mulf %sub3A_288, %sub3A_288 : vector<16xf32>
        %add3A_291 = arith.addf %add3A_279, %mul3A_290 : vector<16xf32>
        %mul3A_292 = arith.mulf %sub3A_289, %sub3A_289 : vector<16xf32>
        %add3A_293 = arith.addf %add3A_291, %mul3A_292 : vector<16xf32>
        %mul3A_294 = arith.mulf %add3A_293, %get3A_237 : vector<16xf32>
        %add3A_295 = arith.addf %add3A_223, %mul3A_294 : vector<16xf32>
        %scan3A_296 = arith.constant 3 : i32
        %scan3A_297 = arith.addi %scan3A_85, %scan3A_296 : i32
        %mul3A_298 = arith.constant 16 : i32
        %mul3A_299 = arith.muli %scan3A_297, %mul3A_298 : i32
        %get3A_300 = arith.index_cast %mul3A_299 : i32 to index
        %get3A_301 = tpu.vector_load %arg8[%get3A_300] {strides = array<i32>} : memref<4096xi32, #tpu.memory_space<vmem>>, vector<16xi32>,
        %mul3A_302 = arith.constant 16 : i32
        %mul3A_303 = arith.muli %scan3A_297, %mul3A_302 : i32
        %get3A_304 = arith.index_cast %mul3A_303 : i32 to index
        %get3A_305 = tpu.vector_load %arg9[%get3A_304] {strides = array<i32>} : memref<4096xi32, #tpu.memory_space<vmem>>, vector<16xi32>,
        %mul3A_306 = arith.constant 16 : i32
        %mul3A_307 = arith.muli %scan3A_297, %mul3A_306 : i32
        %get3A_308 = arith.index_cast %mul3A_307 : i32 to index
        %get3A_309 = tpu.vector_load %arg10[%get3A_308] {strides = array<i32>} : memref<4096xf32, #tpu.memory_space<vmem>>, vector<16xf32>,
        %gather3A_310 = tpu.vector_load_idx %arg7[%broadcast_in_dim3A_3, %get3A_301] : memref<4x10000xi32, #tpu.memory_space<vmem>>[vector<16xi32>, vector<16xi32>], vector<16xi32>,
        %gather3A_311 = tpu.vector_load_idx %arg7[%broadcast_in_dim3A_3, %get3A_305] : memref<4x10000xi32, #tpu.memory_space<vmem>>[vector<16xi32>, vector<16xi32>], vector<16xi32>,
        %bitcast3A_312 = vector.bitcast %gather3A_310 : vector<16xi32> to vector<32xbf16>
        %unpack3A_313 = tpu.unpack_subelements %bitcast3A_312, 0 {pack_format = #tpu.pack_format<interleaved>} : vector<32xbf16> -> vector<16xf32>
        %unpack3A_314 = tpu.unpack_subelements %bitcast3A_312, 1 {pack_format = #tpu.pack_format<interleaved>} : vector<32xbf16> -> vector<16xf32>
        %bitcast3A_315 = vector.bitcast %gather3A_311 : vector<16xi32> to vector<32xbf16>
        %unpack3A_316 = tpu.unpack_subelements %bitcast3A_315, 0 {pack_format = #tpu.pack_format<interleaved>} : vector<32xbf16> -> vector<16xf32>
        %unpack3A_317 = tpu.unpack_subelements %bitcast3A_315, 1 {pack_format = #tpu.pack_format<interleaved>} : vector<32xbf16> -> vector<16xf32>
        %sub3A_318 = arith.subf %unpack3A_313, %unpack3A_316 : vector<16xf32>
        %sub3A_319 = arith.subf %unpack3A_314, %unpack3A_317 : vector<16xf32>
        %mul3A_320 = arith.mulf %sub3A_318, %sub3A_318 : vector<16xf32>
        %add3A_321 = arith.addf %broadcast_in_dim3A_11, %mul3A_320 : vector<16xf32>
        %mul3A_322 = arith.mulf %sub3A_319, %sub3A_319 : vector<16xf32>
        %add3A_323 = arith.addf %add3A_321, %mul3A_322 : vector<16xf32>
        %gather3A_324 = tpu.vector_load_idx %arg7[%broadcast_in_dim3A_5, %get3A_301] : memref<4x10000xi32, #tpu.memory_space<vmem>>[vector<16xi32>, vector<16xi32>], vector<16xi32>,
        %gather3A_325 = tpu.vector_load_idx %arg7[%broadcast_in_dim3A_5, %get3A_305] : memref<4x10000xi32, #tpu.memory_space<vmem>>[vector<16xi32>, vector<16xi32>], vector<16xi32>,
        %bitcast3A_326 = vector.bitcast %gather3A_324 : vector<16xi32> to vector<32xbf16>
        %unpack3A_327 = tpu.unpack_subelements %bitcast3A_326, 0 {pack_format = #tpu.pack_format<interleaved>} : vector<32xbf16> -> vector<16xf32>
        %unpack3A_328 = tpu.unpack_subelements %bitcast3A_326, 1 {pack_format = #tpu.pack_format<interleaved>} : vector<32xbf16> -> vector<16xf32>
        %bitcast3A_329 = vector.bitcast %gather3A_325 : vector<16xi32> to vector<32xbf16>
        %unpack3A_330 = tpu.unpack_subelements %bitcast3A_329, 0 {pack_format = #tpu.pack_format<interleaved>} : vector<32xbf16> -> vector<16xf32>
        %unpack3A_331 = tpu.unpack_subelements %bitcast3A_329, 1 {pack_format = #tpu.pack_format<interleaved>} : vector<32xbf16> -> vector<16xf32>
        %sub3A_332 = arith.subf %unpack3A_327, %unpack3A_330 : vector<16xf32>
        %sub3A_333 = arith.subf %unpack3A_328, %unpack3A_331 : vector<16xf32>
        %mul3A_334 = arith.mulf %sub3A_332, %sub3A_332 : vector<16xf32>
        %add3A_335 = arith.addf %add3A_323, %mul3A_334 : vector<16xf32>
        %mul3A_336 = arith.mulf %sub3A_333, %sub3A_333 : vector<16xf32>
        %add3A_337 = arith.addf %add3A_335, %mul3A_336 : vector<16xf32>
        %gather3A_338 = tpu.vector_load_idx %arg7[%broadcast_in_dim3A_7, %get3A_301] : memref<4x10000xi32, #tpu.memory_space<vmem>>[vector<16xi32>, vector<16xi32>], vector<16xi32>,
        %gather3A_339 = tpu.vector_load_idx %arg7[%broadcast_in_dim3A_7, %get3A_305] : memref<4x10000xi32, #tpu.memory_space<vmem>>[vector<16xi32>, vector<16xi32>], vector<16xi32>,
        %bitcast3A_340 = vector.bitcast %gather3A_338 : vector<16xi32> to vector<32xbf16>
        %unpack3A_341 = tpu.unpack_subelements %bitcast3A_340, 0 {pack_format = #tpu.pack_format<interleaved>} : vector<32xbf16> -> vector<16xf32>
        %unpack3A_342 = tpu.unpack_subelements %bitcast3A_340, 1 {pack_format = #tpu.pack_format<interleaved>} : vector<32xbf16> -> vector<16xf32>
        %bitcast3A_343 = vector.bitcast %gather3A_339 : vector<16xi32> to vector<32xbf16>
        %unpack3A_344 = tpu.unpack_subelements %bitcast3A_343, 0 {pack_format = #tpu.pack_format<interleaved>} : vector<32xbf16> -> vector<16xf32>
        %unpack3A_345 = tpu.unpack_subelements %bitcast3A_343, 1 {pack_format = #tpu.pack_format<interleaved>} : vector<32xbf16> -> vector<16xf32>
        %sub3A_346 = arith.subf %unpack3A_341, %unpack3A_344 : vector<16xf32>
        %sub3A_347 = arith.subf %unpack3A_342, %unpack3A_345 : vector<16xf32>
        %mul3A_348 = arith.mulf %sub3A_346, %sub3A_346 : vector<16xf32>
        %add3A_349 = arith.addf %add3A_337, %mul3A_348 : vector<16xf32>
        %mul3A_350 = arith.mulf %sub3A_347, %sub3A_347 : vector<16xf32>
        %add3A_351 = arith.addf %add3A_349, %mul3A_350 : vector<16xf32>
        %gather3A_352 = tpu.vector_load_idx %arg7[%broadcast_in_dim3A_9, %get3A_301] : memref<4x10000xi32, #tpu.memory_space<vmem>>[vector<16xi32>, vector<16xi32>], vector<16xi32>,
        %gather3A_353 = tpu.vector_load_idx %arg7[%broadcast_in_dim3A_9, %get3A_305] : memref<4x10000xi32, #tpu.memory_space<vmem>>[vector<16xi32>, vector<16xi32>], vector<16xi32>,
        %bitcast3A_354 = vector.bitcast %gather3A_352 : vector<16xi32> to vector<32xbf16>
        %unpack3A_355 = tpu.unpack_subelements %bitcast3A_354, 0 {pack_format = #tpu.pack_format<interleaved>} : vector<32xbf16> -> vector<16xf32>
        %unpack3A_356 = tpu.unpack_subelements %bitcast3A_354, 1 {pack_format = #tpu.pack_format<interleaved>} : vector<32xbf16> -> vector<16xf32>
        %bitcast3A_357 = vector.bitcast %gather3A_353 : vector<16xi32> to vector<32xbf16>
        %unpack3A_358 = tpu.unpack_subelements %bitcast3A_357, 0 {pack_format = #tpu.pack_format<interleaved>} : vector<32xbf16> -> vector<16xf32>
        %unpack3A_359 = tpu.unpack_subelements %bitcast3A_357, 1 {pack_format = #tpu.pack_format<interleaved>} : vector<32xbf16> -> vector<16xf32>
        %sub3A_360 = arith.subf %unpack3A_355, %unpack3A_358 : vector<16xf32>
        %sub3A_361 = arith.subf %unpack3A_356, %unpack3A_359 : vector<16xf32>
        %mul3A_362 = arith.mulf %sub3A_360, %sub3A_360 : vector<16xf32>
        %add3A_363 = arith.addf %add3A_351, %mul3A_362 : vector<16xf32>
        %mul3A_364 = arith.mulf %sub3A_361, %sub3A_361 : vector<16xf32>
        %add3A_365 = arith.addf %add3A_363, %mul3A_364 : vector<16xf32>
        %mul3A_366 = arith.mulf %add3A_365, %get3A_309 : vector<16xf32>
        %add3A_367 = arith.addf %add3A_295, %mul3A_366 : vector<16xf32>
        scf.yield %add3A_367 : vector<16xf32>
      }
      %scan3A_59 = arith.constant 256 : i32
      %lt3A = arith.constant 19 : i32
      %lt3A_60 = arith.cmpi slt, %scan3A_41, %lt3A : i32
      %convert_element_type3A = arith.extui %lt3A_60 : i1 to i32
      %cond3A = arith.constant 0 : i32
      %cond3A_61 = arith.cmpi ne, %convert_element_type3A, %cond3A : i32
      scf.if %cond3A_61 {
        %mul3A_85 = arith.constant 2 : i32
        %mul3A_86 = arith.muli %mul3A_85, %scan3A_41 : i32
        %add3A_87 = arith.constant 2 : i32
        %add3A_88 = arith.addi %mul3A_86, %add3A_87 : i32
        %mul3A_89 = arith.constant 4096 : i32
        %mul3A_90 = arith.muli %add3A_88, %mul3A_89 : i32
        %dma_start3A_91 = tpu.memref_slice %arg3[%mul3A_90] : memref<163840xi32, #tpu.memory_space<hbm>> -> memref<4096xi32, #tpu.memory_space<hbm>>
        %dma_start3A_92 = tpu.memref_slice %arg3[%mul3A_90] : memref<163840xi32, #tpu.memory_space<hbm>> -> memref<4096xi32, #tpu.memory_space<hbm>>
        tpu.enqueue_dma source(%dma_start3A_92 : memref<4096xi32, #tpu.memory_space<hbm>>) target(%arg8 : memref<4096xi32, #tpu.memory_space<vmem>>) target_semaphore(%arg15 : memref<!tpu.dma_semaphore, #tpu.memory_space<semaphore_mem>>)
        %mul3A_93 = arith.constant 4096 : i32
        %mul3A_94 = arith.muli %add3A_88, %mul3A_93 : i32
        %dma_start3A_95 = tpu.memref_slice %arg4[%mul3A_94] : memref<163840xi32, #tpu.memory_space<hbm>> -> memref<4096xi32, #tpu.memory_space<hbm>>
        %dma_start3A_96 = tpu.memref_slice %arg4[%mul3A_94] : memref<163840xi32, #tpu.memory_space<hbm>> -> memref<4096xi32, #tpu.memory_space<hbm>>
        tpu.enqueue_dma source(%dma_start3A_96 : memref<4096xi32, #tpu.memory_space<hbm>>) target(%arg9 : memref<4096xi32, #tpu.memory_space<vmem>>) target_semaphore(%arg15 : memref<!tpu.dma_semaphore, #tpu.memory_space<semaphore_mem>>)
        %mul3A_97 = arith.constant 4096 : i32
        %mul3A_98 = arith.muli %add3A_88, %mul3A_97 : i32
        %dma_start3A_99 = tpu.memref_slice %arg5[%mul3A_98] : memref<163840xf32, #tpu.memory_space<hbm>> -> memref<4096xf32, #tpu.memory_space<hbm>>
        %dma_start3A_100 = tpu.memref_slice %arg5[%mul3A_98] : memref<163840xf32, #tpu.memory_space<hbm>> -> memref<4096xf32, #tpu.memory_space<hbm>>
        tpu.enqueue_dma source(%dma_start3A_100 : memref<4096xf32, #tpu.memory_space<hbm>>) target(%arg10 : memref<4096xf32, #tpu.memory_space<vmem>>) target_semaphore(%arg15 : memref<!tpu.dma_semaphore, #tpu.memory_space<semaphore_mem>>)
      } else {
      }
      %dma_wait3A_62 = arith.constant 0 : i32
      %dma_wait3A_63 = tpu.memref_slice %arg3[%dma_wait3A_62] : memref<163840xi32, #tpu.memory_space<hbm>> -> memref<4096xi32, #tpu.memory_space<hbm>>
      %dma_wait3A_64 = arith.constant 0 : i32
      %dma_wait3A_65 = tpu.memref_slice %arg3[%dma_wait3A_64] : memref<163840xi32, #tpu.memory_space<hbm>> -> memref<4096xi32, #tpu.memory_space<hbm>>
      tpu.wait_dma2 semaphore(%arg16 : memref<!tpu.dma_semaphore, #tpu.memory_space<semaphore_mem>>) src(%dma_wait3A_65 : memref<4096xi32, #tpu.memory_space<hbm>>) dst(%arg11 : memref<4096xi32, #tpu.memory_space<vmem>>)
      %dma_wait3A_66 = arith.constant 0 : i32
      %dma_wait3A_67 = tpu.memref_slice %arg3[%dma_wait3A_66] : memref<163840xi32, #tpu.memory_space<hbm>> -> memref<4096xi32, #tpu.memory_space<hbm>>
      %dma_wait3A_68 = arith.constant 0 : i32
      %dma_wait3A_69 = tpu.memref_slice %arg3[%dma_wait3A_68] : memref<163840xi32, #tpu.memory_space<hbm>> -> memref<4096xi32, #tpu.memory_space<hbm>>
      tpu.wait_dma2 semaphore(%arg16 : memref<!tpu.dma_semaphore, #tpu.memory_space<semaphore_mem>>) src(%dma_wait3A_69 : memref<4096xi32, #tpu.memory_space<hbm>>) dst(%arg12 : memref<4096xi32, #tpu.memory_space<vmem>>)
      %dma_wait3A_70 = arith.constant 0 : i32
      %dma_wait3A_71 = tpu.memref_slice %arg5[%dma_wait3A_70] : memref<163840xf32, #tpu.memory_space<hbm>> -> memref<4096xf32, #tpu.memory_space<hbm>>
      %dma_wait3A_72 = arith.constant 0 : i32
      %dma_wait3A_73 = tpu.memref_slice %arg5[%dma_wait3A_72] : memref<163840xf32, #tpu.memory_space<hbm>> -> memref<4096xf32, #tpu.memory_space<hbm>>
      tpu.wait_dma2 semaphore(%arg16 : memref<!tpu.dma_semaphore, #tpu.memory_space<semaphore_mem>>) src(%dma_wait3A_73 : memref<4096xf32, #tpu.memory_space<hbm>>) dst(%arg13 : memref<4096xf32, #tpu.memory_space<vmem>>)
      %scan3A_74 = arith.constant 0 : i32
      %scan3A_75 = arith.constant 256 : i32
      %scan3A_76 = arith.addi %scan3A_74, %scan3A_75 : i32
      %scan3A_77 = arith.constant 4 : i32
      %scan3A_78 = scf.for %scan3A_85 = %scan3A_74 to %scan3A_76 step %scan3A_77 iter_args(%scan3A_86 = %scan3A_58) -> (vector<16xf32>)  : i32 {
        %mul3A_87 = arith.constant 16 : i32
        %mul3A_88 = arith.muli %scan3A_85, %mul3A_87 : i32
        %get3A = arith.index_cast %mul3A_88 : i32 to index
        %get3A_89 = tpu.vector_load %arg11[%get3A] {strides = array<i32>} : memref<4096xi32, #tpu.memory_space<vmem>>, vector<16xi32>,
        %mul3A_90 = arith.constant 16 : i32
        %mul3A_91 = arith.muli %scan3A_85, %mul3A_90 : i32
        %get3A_92 = arith.index_cast %mul3A_91 : i32 to index
        %get3A_93 = tpu.vector_load %arg12[%get3A_92] {strides = array<i32>} : memref<4096xi32, #tpu.memory_space<vmem>>, vector<16xi32>,
        %mul3A_94 = arith.constant 16 : i32
        %mul3A_95 = arith.muli %scan3A_85, %mul3A_94 : i32
        %get3A_96 = arith.index_cast %mul3A_95 : i32 to index
        %get3A_97 = tpu.vector_load %arg13[%get3A_96] {strides = array<i32>} : memref<4096xf32, #tpu.memory_space<vmem>>, vector<16xf32>,
        %gather3A = tpu.vector_load_idx %arg7[%broadcast_in_dim3A_3, %get3A_89] : memref<4x10000xi32, #tpu.memory_space<vmem>>[vector<16xi32>, vector<16xi32>], vector<16xi32>,
        %gather3A_98 = tpu.vector_load_idx %arg7[%broadcast_in_dim3A_3, %get3A_93] : memref<4x10000xi32, #tpu.memory_space<vmem>>[vector<16xi32>, vector<16xi32>], vector<16xi32>,
        %bitcast3A = vector.bitcast %gather3A : vector<16xi32> to vector<32xbf16>
        %unpack3A = tpu.unpack_subelements %bitcast3A, 0 {pack_format = #tpu.pack_format<interleaved>} : vector<32xbf16> -> vector<16xf32>
        %unpack3A_99 = tpu.unpack_subelements %bitcast3A, 1 {pack_format = #tpu.pack_format<interleaved>} : vector<32xbf16> -> vector<16xf32>
        %bitcast3A_100 = vector.bitcast %gather3A_98 : vector<16xi32> to vector<32xbf16>
        %unpack3A_101 = tpu.unpack_subelements %bitcast3A_100, 0 {pack_format = #tpu.pack_format<interleaved>} : vector<32xbf16> -> vector<16xf32>
        %unpack3A_102 = tpu.unpack_subelements %bitcast3A_100, 1 {pack_format = #tpu.pack_format<interleaved>} : vector<32xbf16> -> vector<16xf32>
        %sub3A = arith.subf %unpack3A, %unpack3A_101 : vector<16xf32>
        %sub3A_103 = arith.subf %unpack3A_99, %unpack3A_102 : vector<16xf32>
        %mul3A_104 = arith.mulf %sub3A, %sub3A : vector<16xf32>
        %add3A_105 = arith.addf %broadcast_in_dim3A_11, %mul3A_104 : vector<16xf32>
        %mul3A_106 = arith.mulf %sub3A_103, %sub3A_103 : vector<16xf32>
        %add3A_107 = arith.addf %add3A_105, %mul3A_106 : vector<16xf32>
        %gather3A_108 = tpu.vector_load_idx %arg7[%broadcast_in_dim3A_5, %get3A_89] : memref<4x10000xi32, #tpu.memory_space<vmem>>[vector<16xi32>, vector<16xi32>], vector<16xi32>,
        %gather3A_109 = tpu.vector_load_idx %arg7[%broadcast_in_dim3A_5, %get3A_93] : memref<4x10000xi32, #tpu.memory_space<vmem>>[vector<16xi32>, vector<16xi32>], vector<16xi32>,
        %bitcast3A_110 = vector.bitcast %gather3A_108 : vector<16xi32> to vector<32xbf16>
        %unpack3A_111 = tpu.unpack_subelements %bitcast3A_110, 0 {pack_format = #tpu.pack_format<interleaved>} : vector<32xbf16> -> vector<16xf32>
        %unpack3A_112 = tpu.unpack_subelements %bitcast3A_110, 1 {pack_format = #tpu.pack_format<interleaved>} : vector<32xbf16> -> vector<16xf32>
        %bitcast3A_113 = vector.bitcast %gather3A_109 : vector<16xi32> to vector<32xbf16>
        %unpack3A_114 = tpu.unpack_subelements %bitcast3A_113, 0 {pack_format = #tpu.pack_format<interleaved>} : vector<32xbf16> -> vector<16xf32>
        %unpack3A_115 = tpu.unpack_subelements %bitcast3A_113, 1 {pack_format = #tpu.pack_format<interleaved>} : vector<32xbf16> -> vector<16xf32>
        %sub3A_116 = arith.subf %unpack3A_111, %unpack3A_114 : vector<16xf32>
        %sub3A_117 = arith.subf %unpack3A_112, %unpack3A_115 : vector<16xf32>
        %mul3A_118 = arith.mulf %sub3A_116, %sub3A_116 : vector<16xf32>
        %add3A_119 = arith.addf %add3A_107, %mul3A_118 : vector<16xf32>
        %mul3A_120 = arith.mulf %sub3A_117, %sub3A_117 : vector<16xf32>
        %add3A_121 = arith.addf %add3A_119, %mul3A_120 : vector<16xf32>
        %gather3A_122 = tpu.vector_load_idx %arg7[%broadcast_in_dim3A_7, %get3A_89] : memref<4x10000xi32, #tpu.memory_space<vmem>>[vector<16xi32>, vector<16xi32>], vector<16xi32>,
        %gather3A_123 = tpu.vector_load_idx %arg7[%broadcast_in_dim3A_7, %get3A_93] : memref<4x10000xi32, #tpu.memory_space<vmem>>[vector<16xi32>, vector<16xi32>], vector<16xi32>,
        %bitcast3A_124 = vector.bitcast %gather3A_122 : vector<16xi32> to vector<32xbf16>
        %unpack3A_125 = tpu.unpack_subelements %bitcast3A_124, 0 {pack_format = #tpu.pack_format<interleaved>} : vector<32xbf16> -> vector<16xf32>
        %unpack3A_126 = tpu.unpack_subelements %bitcast3A_124, 1 {pack_format = #tpu.pack_format<interleaved>} : vector<32xbf16> -> vector<16xf32>
        %bitcast3A_127 = vector.bitcast %gather3A_123 : vector<16xi32> to vector<32xbf16>
        %unpack3A_128 = tpu.unpack_subelements %bitcast3A_127, 0 {pack_format = #tpu.pack_format<interleaved>} : vector<32xbf16> -> vector<16xf32>
        %unpack3A_129 = tpu.unpack_subelements %bitcast3A_127, 1 {pack_format = #tpu.pack_format<interleaved>} : vector<32xbf16> -> vector<16xf32>
        %sub3A_130 = arith.subf %unpack3A_125, %unpack3A_128 : vector<16xf32>
        %sub3A_131 = arith.subf %unpack3A_126, %unpack3A_129 : vector<16xf32>
        %mul3A_132 = arith.mulf %sub3A_130, %sub3A_130 : vector<16xf32>
        %add3A_133 = arith.addf %add3A_121, %mul3A_132 : vector<16xf32>
        %mul3A_134 = arith.mulf %sub3A_131, %sub3A_131 : vector<16xf32>
        %add3A_135 = arith.addf %add3A_133, %mul3A_134 : vector<16xf32>
        %gather3A_136 = tpu.vector_load_idx %arg7[%broadcast_in_dim3A_9, %get3A_89] : memref<4x10000xi32, #tpu.memory_space<vmem>>[vector<16xi32>, vector<16xi32>], vector<16xi32>,
        %gather3A_137 = tpu.vector_load_idx %arg7[%broadcast_in_dim3A_9, %get3A_93] : memref<4x10000xi32, #tpu.memory_space<vmem>>[vector<16xi32>, vector<16xi32>], vector<16xi32>,
        %bitcast3A_138 = vector.bitcast %gather3A_136 : vector<16xi32> to vector<32xbf16>
        %unpack3A_139 = tpu.unpack_subelements %bitcast3A_138, 0 {pack_format = #tpu.pack_format<interleaved>} : vector<32xbf16> -> vector<16xf32>
        %unpack3A_140 = tpu.unpack_subelements %bitcast3A_138, 1 {pack_format = #tpu.pack_format<interleaved>} : vector<32xbf16> -> vector<16xf32>
        %bitcast3A_141 = vector.bitcast %gather3A_137 : vector<16xi32> to vector<32xbf16>
        %unpack3A_142 = tpu.unpack_subelements %bitcast3A_141, 0 {pack_format = #tpu.pack_format<interleaved>} : vector<32xbf16> -> vector<16xf32>
        %unpack3A_143 = tpu.unpack_subelements %bitcast3A_141, 1 {pack_format = #tpu.pack_format<interleaved>} : vector<32xbf16> -> vector<16xf32>
        %sub3A_144 = arith.subf %unpack3A_139, %unpack3A_142 : vector<16xf32>
        %sub3A_145 = arith.subf %unpack3A_140, %unpack3A_143 : vector<16xf32>
        %mul3A_146 = arith.mulf %sub3A_144, %sub3A_144 : vector<16xf32>
        %add3A_147 = arith.addf %add3A_135, %mul3A_146 : vector<16xf32>
        %mul3A_148 = arith.mulf %sub3A_145, %sub3A_145 : vector<16xf32>
        %add3A_149 = arith.addf %add3A_147, %mul3A_148 : vector<16xf32>
        %mul3A_150 = arith.mulf %add3A_149, %get3A_97 : vector<16xf32>
        %add3A_151 = arith.addf %scan3A_86, %mul3A_150 : vector<16xf32>
        %scan3A_152 = arith.constant 1 : i32
        %scan3A_153 = arith.addi %scan3A_85, %scan3A_152 : i32
        %mul3A_154 = arith.constant 16 : i32
        %mul3A_155 = arith.muli %scan3A_153, %mul3A_154 : i32
        %get3A_156 = arith.index_cast %mul3A_155 : i32 to index
        %get3A_157 = tpu.vector_load %arg11[%get3A_156] {strides = array<i32>} : memref<4096xi32, #tpu.memory_space<vmem>>, vector<16xi32>,
        %mul3A_158 = arith.constant 16 : i32
        %mul3A_159 = arith.muli %scan3A_153, %mul3A_158 : i32
        %get3A_160 = arith.index_cast %mul3A_159 : i32 to index
        %get3A_161 = tpu.vector_load %arg12[%get3A_160] {strides = array<i32>} : memref<4096xi32, #tpu.memory_space<vmem>>, vector<16xi32>,
        %mul3A_162 = arith.constant 16 : i32
        %mul3A_163 = arith.muli %scan3A_153, %mul3A_162 : i32
        %get3A_164 = arith.index_cast %mul3A_163 : i32 to index
        %get3A_165 = tpu.vector_load %arg13[%get3A_164] {strides = array<i32>} : memref<4096xf32, #tpu.memory_space<vmem>>, vector<16xf32>,
        %gather3A_166 = tpu.vector_load_idx %arg7[%broadcast_in_dim3A_3, %get3A_157] : memref<4x10000xi32, #tpu.memory_space<vmem>>[vector<16xi32>, vector<16xi32>], vector<16xi32>,
        %gather3A_167 = tpu.vector_load_idx %arg7[%broadcast_in_dim3A_3, %get3A_161] : memref<4x10000xi32, #tpu.memory_space<vmem>>[vector<16xi32>, vector<16xi32>], vector<16xi32>,
        %bitcast3A_168 = vector.bitcast %gather3A_166 : vector<16xi32> to vector<32xbf16>
        %unpack3A_169 = tpu.unpack_subelements %bitcast3A_168, 0 {pack_format = #tpu.pack_format<interleaved>} : vector<32xbf16> -> vector<16xf32>
        %unpack3A_170 = tpu.unpack_subelements %bitcast3A_168, 1 {pack_format = #tpu.pack_format<interleaved>} : vector<32xbf16> -> vector<16xf32>
        %bitcast3A_171 = vector.bitcast %gather3A_167 : vector<16xi32> to vector<32xbf16>
        %unpack3A_172 = tpu.unpack_subelements %bitcast3A_171, 0 {pack_format = #tpu.pack_format<interleaved>} : vector<32xbf16> -> vector<16xf32>
        %unpack3A_173 = tpu.unpack_subelements %bitcast3A_171, 1 {pack_format = #tpu.pack_format<interleaved>} : vector<32xbf16> -> vector<16xf32>
        %sub3A_174 = arith.subf %unpack3A_169, %unpack3A_172 : vector<16xf32>
        %sub3A_175 = arith.subf %unpack3A_170, %unpack3A_173 : vector<16xf32>
        %mul3A_176 = arith.mulf %sub3A_174, %sub3A_174 : vector<16xf32>
        %add3A_177 = arith.addf %broadcast_in_dim3A_11, %mul3A_176 : vector<16xf32>
        %mul3A_178 = arith.mulf %sub3A_175, %sub3A_175 : vector<16xf32>
        %add3A_179 = arith.addf %add3A_177, %mul3A_178 : vector<16xf32>
        %gather3A_180 = tpu.vector_load_idx %arg7[%broadcast_in_dim3A_5, %get3A_157] : memref<4x10000xi32, #tpu.memory_space<vmem>>[vector<16xi32>, vector<16xi32>], vector<16xi32>,
        %gather3A_181 = tpu.vector_load_idx %arg7[%broadcast_in_dim3A_5, %get3A_161] : memref<4x10000xi32, #tpu.memory_space<vmem>>[vector<16xi32>, vector<16xi32>], vector<16xi32>,
        %bitcast3A_182 = vector.bitcast %gather3A_180 : vector<16xi32> to vector<32xbf16>
        %unpack3A_183 = tpu.unpack_subelements %bitcast3A_182, 0 {pack_format = #tpu.pack_format<interleaved>} : vector<32xbf16> -> vector<16xf32>
        %unpack3A_184 = tpu.unpack_subelements %bitcast3A_182, 1 {pack_format = #tpu.pack_format<interleaved>} : vector<32xbf16> -> vector<16xf32>
        %bitcast3A_185 = vector.bitcast %gather3A_181 : vector<16xi32> to vector<32xbf16>
        %unpack3A_186 = tpu.unpack_subelements %bitcast3A_185, 0 {pack_format = #tpu.pack_format<interleaved>} : vector<32xbf16> -> vector<16xf32>
        %unpack3A_187 = tpu.unpack_subelements %bitcast3A_185, 1 {pack_format = #tpu.pack_format<interleaved>} : vector<32xbf16> -> vector<16xf32>
        %sub3A_188 = arith.subf %unpack3A_183, %unpack3A_186 : vector<16xf32>
        %sub3A_189 = arith.subf %unpack3A_184, %unpack3A_187 : vector<16xf32>
        %mul3A_190 = arith.mulf %sub3A_188, %sub3A_188 : vector<16xf32>
        %add3A_191 = arith.addf %add3A_179, %mul3A_190 : vector<16xf32>
        %mul3A_192 = arith.mulf %sub3A_189, %sub3A_189 : vector<16xf32>
        %add3A_193 = arith.addf %add3A_191, %mul3A_192 : vector<16xf32>
        %gather3A_194 = tpu.vector_load_idx %arg7[%broadcast_in_dim3A_7, %get3A_157] : memref<4x10000xi32, #tpu.memory_space<vmem>>[vector<16xi32>, vector<16xi32>], vector<16xi32>,
        %gather3A_195 = tpu.vector_load_idx %arg7[%broadcast_in_dim3A_7, %get3A_161] : memref<4x10000xi32, #tpu.memory_space<vmem>>[vector<16xi32>, vector<16xi32>], vector<16xi32>,
        %bitcast3A_196 = vector.bitcast %gather3A_194 : vector<16xi32> to vector<32xbf16>
        %unpack3A_197 = tpu.unpack_subelements %bitcast3A_196, 0 {pack_format = #tpu.pack_format<interleaved>} : vector<32xbf16> -> vector<16xf32>
        %unpack3A_198 = tpu.unpack_subelements %bitcast3A_196, 1 {pack_format = #tpu.pack_format<interleaved>} : vector<32xbf16> -> vector<16xf32>
        %bitcast3A_199 = vector.bitcast %gather3A_195 : vector<16xi32> to vector<32xbf16>
        %unpack3A_200 = tpu.unpack_subelements %bitcast3A_199, 0 {pack_format = #tpu.pack_format<interleaved>} : vector<32xbf16> -> vector<16xf32>
        %unpack3A_201 = tpu.unpack_subelements %bitcast3A_199, 1 {pack_format = #tpu.pack_format<interleaved>} : vector<32xbf16> -> vector<16xf32>
        %sub3A_202 = arith.subf %unpack3A_197, %unpack3A_200 : vector<16xf32>
        %sub3A_203 = arith.subf %unpack3A_198, %unpack3A_201 : vector<16xf32>
        %mul3A_204 = arith.mulf %sub3A_202, %sub3A_202 : vector<16xf32>
        %add3A_205 = arith.addf %add3A_193, %mul3A_204 : vector<16xf32>
        %mul3A_206 = arith.mulf %sub3A_203, %sub3A_203 : vector<16xf32>
        %add3A_207 = arith.addf %add3A_205, %mul3A_206 : vector<16xf32>
        %gather3A_208 = tpu.vector_load_idx %arg7[%broadcast_in_dim3A_9, %get3A_157] : memref<4x10000xi32, #tpu.memory_space<vmem>>[vector<16xi32>, vector<16xi32>], vector<16xi32>,
        %gather3A_209 = tpu.vector_load_idx %arg7[%broadcast_in_dim3A_9, %get3A_161] : memref<4x10000xi32, #tpu.memory_space<vmem>>[vector<16xi32>, vector<16xi32>], vector<16xi32>,
        %bitcast3A_210 = vector.bitcast %gather3A_208 : vector<16xi32> to vector<32xbf16>
        %unpack3A_211 = tpu.unpack_subelements %bitcast3A_210, 0 {pack_format = #tpu.pack_format<interleaved>} : vector<32xbf16> -> vector<16xf32>
        %unpack3A_212 = tpu.unpack_subelements %bitcast3A_210, 1 {pack_format = #tpu.pack_format<interleaved>} : vector<32xbf16> -> vector<16xf32>
        %bitcast3A_213 = vector.bitcast %gather3A_209 : vector<16xi32> to vector<32xbf16>
        %unpack3A_214 = tpu.unpack_subelements %bitcast3A_213, 0 {pack_format = #tpu.pack_format<interleaved>} : vector<32xbf16> -> vector<16xf32>
        %unpack3A_215 = tpu.unpack_subelements %bitcast3A_213, 1 {pack_format = #tpu.pack_format<interleaved>} : vector<32xbf16> -> vector<16xf32>
        %sub3A_216 = arith.subf %unpack3A_211, %unpack3A_214 : vector<16xf32>
        %sub3A_217 = arith.subf %unpack3A_212, %unpack3A_215 : vector<16xf32>
        %mul3A_218 = arith.mulf %sub3A_216, %sub3A_216 : vector<16xf32>
        %add3A_219 = arith.addf %add3A_207, %mul3A_218 : vector<16xf32>
        %mul3A_220 = arith.mulf %sub3A_217, %sub3A_217 : vector<16xf32>
        %add3A_221 = arith.addf %add3A_219, %mul3A_220 : vector<16xf32>
        %mul3A_222 = arith.mulf %add3A_221, %get3A_165 : vector<16xf32>
        %add3A_223 = arith.addf %add3A_151, %mul3A_222 : vector<16xf32>
        %scan3A_224 = arith.constant 2 : i32
        %scan3A_225 = arith.addi %scan3A_85, %scan3A_224 : i32
        %mul3A_226 = arith.constant 16 : i32
        %mul3A_227 = arith.muli %scan3A_225, %mul3A_226 : i32
        %get3A_228 = arith.index_cast %mul3A_227 : i32 to index
        %get3A_229 = tpu.vector_load %arg11[%get3A_228] {strides = array<i32>} : memref<4096xi32, #tpu.memory_space<vmem>>, vector<16xi32>,
        %mul3A_230 = arith.constant 16 : i32
        %mul3A_231 = arith.muli %scan3A_225, %mul3A_230 : i32
        %get3A_232 = arith.index_cast %mul3A_231 : i32 to index
        %get3A_233 = tpu.vector_load %arg12[%get3A_232] {strides = array<i32>} : memref<4096xi32, #tpu.memory_space<vmem>>, vector<16xi32>,
        %mul3A_234 = arith.constant 16 : i32
        %mul3A_235 = arith.muli %scan3A_225, %mul3A_234 : i32
        %get3A_236 = arith.index_cast %mul3A_235 : i32 to index
        %get3A_237 = tpu.vector_load %arg13[%get3A_236] {strides = array<i32>} : memref<4096xf32, #tpu.memory_space<vmem>>, vector<16xf32>,
        %gather3A_238 = tpu.vector_load_idx %arg7[%broadcast_in_dim3A_3, %get3A_229] : memref<4x10000xi32, #tpu.memory_space<vmem>>[vector<16xi32>, vector<16xi32>], vector<16xi32>,
        %gather3A_239 = tpu.vector_load_idx %arg7[%broadcast_in_dim3A_3, %get3A_233] : memref<4x10000xi32, #tpu.memory_space<vmem>>[vector<16xi32>, vector<16xi32>], vector<16xi32>,
        %bitcast3A_240 = vector.bitcast %gather3A_238 : vector<16xi32> to vector<32xbf16>
        %unpack3A_241 = tpu.unpack_subelements %bitcast3A_240, 0 {pack_format = #tpu.pack_format<interleaved>} : vector<32xbf16> -> vector<16xf32>
        %unpack3A_242 = tpu.unpack_subelements %bitcast3A_240, 1 {pack_format = #tpu.pack_format<interleaved>} : vector<32xbf16> -> vector<16xf32>
        %bitcast3A_243 = vector.bitcast %gather3A_239 : vector<16xi32> to vector<32xbf16>
        %unpack3A_244 = tpu.unpack_subelements %bitcast3A_243, 0 {pack_format = #tpu.pack_format<interleaved>} : vector<32xbf16> -> vector<16xf32>
        %unpack3A_245 = tpu.unpack_subelements %bitcast3A_243, 1 {pack_format = #tpu.pack_format<interleaved>} : vector<32xbf16> -> vector<16xf32>
        %sub3A_246 = arith.subf %unpack3A_241, %unpack3A_244 : vector<16xf32>
        %sub3A_247 = arith.subf %unpack3A_242, %unpack3A_245 : vector<16xf32>
        %mul3A_248 = arith.mulf %sub3A_246, %sub3A_246 : vector<16xf32>
        %add3A_249 = arith.addf %broadcast_in_dim3A_11, %mul3A_248 : vector<16xf32>
        %mul3A_250 = arith.mulf %sub3A_247, %sub3A_247 : vector<16xf32>
        %add3A_251 = arith.addf %add3A_249, %mul3A_250 : vector<16xf32>
        %gather3A_252 = tpu.vector_load_idx %arg7[%broadcast_in_dim3A_5, %get3A_229] : memref<4x10000xi32, #tpu.memory_space<vmem>>[vector<16xi32>, vector<16xi32>], vector<16xi32>,
        %gather3A_253 = tpu.vector_load_idx %arg7[%broadcast_in_dim3A_5, %get3A_233] : memref<4x10000xi32, #tpu.memory_space<vmem>>[vector<16xi32>, vector<16xi32>], vector<16xi32>,
        %bitcast3A_254 = vector.bitcast %gather3A_252 : vector<16xi32> to vector<32xbf16>
        %unpack3A_255 = tpu.unpack_subelements %bitcast3A_254, 0 {pack_format = #tpu.pack_format<interleaved>} : vector<32xbf16> -> vector<16xf32>
        %unpack3A_256 = tpu.unpack_subelements %bitcast3A_254, 1 {pack_format = #tpu.pack_format<interleaved>} : vector<32xbf16> -> vector<16xf32>
        %bitcast3A_257 = vector.bitcast %gather3A_253 : vector<16xi32> to vector<32xbf16>
        %unpack3A_258 = tpu.unpack_subelements %bitcast3A_257, 0 {pack_format = #tpu.pack_format<interleaved>} : vector<32xbf16> -> vector<16xf32>
        %unpack3A_259 = tpu.unpack_subelements %bitcast3A_257, 1 {pack_format = #tpu.pack_format<interleaved>} : vector<32xbf16> -> vector<16xf32>
        %sub3A_260 = arith.subf %unpack3A_255, %unpack3A_258 : vector<16xf32>
        %sub3A_261 = arith.subf %unpack3A_256, %unpack3A_259 : vector<16xf32>
        %mul3A_262 = arith.mulf %sub3A_260, %sub3A_260 : vector<16xf32>
        %add3A_263 = arith.addf %add3A_251, %mul3A_262 : vector<16xf32>
        %mul3A_264 = arith.mulf %sub3A_261, %sub3A_261 : vector<16xf32>
        %add3A_265 = arith.addf %add3A_263, %mul3A_264 : vector<16xf32>
        %gather3A_266 = tpu.vector_load_idx %arg7[%broadcast_in_dim3A_7, %get3A_229] : memref<4x10000xi32, #tpu.memory_space<vmem>>[vector<16xi32>, vector<16xi32>], vector<16xi32>,
        %gather3A_267 = tpu.vector_load_idx %arg7[%broadcast_in_dim3A_7, %get3A_233] : memref<4x10000xi32, #tpu.memory_space<vmem>>[vector<16xi32>, vector<16xi32>], vector<16xi32>,
        %bitcast3A_268 = vector.bitcast %gather3A_266 : vector<16xi32> to vector<32xbf16>
        %unpack3A_269 = tpu.unpack_subelements %bitcast3A_268, 0 {pack_format = #tpu.pack_format<interleaved>} : vector<32xbf16> -> vector<16xf32>
        %unpack3A_270 = tpu.unpack_subelements %bitcast3A_268, 1 {pack_format = #tpu.pack_format<interleaved>} : vector<32xbf16> -> vector<16xf32>
        %bitcast3A_271 = vector.bitcast %gather3A_267 : vector<16xi32> to vector<32xbf16>
        %unpack3A_272 = tpu.unpack_subelements %bitcast3A_271, 0 {pack_format = #tpu.pack_format<interleaved>} : vector<32xbf16> -> vector<16xf32>
        %unpack3A_273 = tpu.unpack_subelements %bitcast3A_271, 1 {pack_format = #tpu.pack_format<interleaved>} : vector<32xbf16> -> vector<16xf32>
        %sub3A_274 = arith.subf %unpack3A_269, %unpack3A_272 : vector<16xf32>
        %sub3A_275 = arith.subf %unpack3A_270, %unpack3A_273 : vector<16xf32>
        %mul3A_276 = arith.mulf %sub3A_274, %sub3A_274 : vector<16xf32>
        %add3A_277 = arith.addf %add3A_265, %mul3A_276 : vector<16xf32>
        %mul3A_278 = arith.mulf %sub3A_275, %sub3A_275 : vector<16xf32>
        %add3A_279 = arith.addf %add3A_277, %mul3A_278 : vector<16xf32>
        %gather3A_280 = tpu.vector_load_idx %arg7[%broadcast_in_dim3A_9, %get3A_229] : memref<4x10000xi32, #tpu.memory_space<vmem>>[vector<16xi32>, vector<16xi32>], vector<16xi32>,
        %gather3A_281 = tpu.vector_load_idx %arg7[%broadcast_in_dim3A_9, %get3A_233] : memref<4x10000xi32, #tpu.memory_space<vmem>>[vector<16xi32>, vector<16xi32>], vector<16xi32>,
        %bitcast3A_282 = vector.bitcast %gather3A_280 : vector<16xi32> to vector<32xbf16>
        %unpack3A_283 = tpu.unpack_subelements %bitcast3A_282, 0 {pack_format = #tpu.pack_format<interleaved>} : vector<32xbf16> -> vector<16xf32>
        %unpack3A_284 = tpu.unpack_subelements %bitcast3A_282, 1 {pack_format = #tpu.pack_format<interleaved>} : vector<32xbf16> -> vector<16xf32>
        %bitcast3A_285 = vector.bitcast %gather3A_281 : vector<16xi32> to vector<32xbf16>
        %unpack3A_286 = tpu.unpack_subelements %bitcast3A_285, 0 {pack_format = #tpu.pack_format<interleaved>} : vector<32xbf16> -> vector<16xf32>
        %unpack3A_287 = tpu.unpack_subelements %bitcast3A_285, 1 {pack_format = #tpu.pack_format<interleaved>} : vector<32xbf16> -> vector<16xf32>
        %sub3A_288 = arith.subf %unpack3A_283, %unpack3A_286 : vector<16xf32>
        %sub3A_289 = arith.subf %unpack3A_284, %unpack3A_287 : vector<16xf32>
        %mul3A_290 = arith.mulf %sub3A_288, %sub3A_288 : vector<16xf32>
        %add3A_291 = arith.addf %add3A_279, %mul3A_290 : vector<16xf32>
        %mul3A_292 = arith.mulf %sub3A_289, %sub3A_289 : vector<16xf32>
        %add3A_293 = arith.addf %add3A_291, %mul3A_292 : vector<16xf32>
        %mul3A_294 = arith.mulf %add3A_293, %get3A_237 : vector<16xf32>
        %add3A_295 = arith.addf %add3A_223, %mul3A_294 : vector<16xf32>
        %scan3A_296 = arith.constant 3 : i32
        %scan3A_297 = arith.addi %scan3A_85, %scan3A_296 : i32
        %mul3A_298 = arith.constant 16 : i32
        %mul3A_299 = arith.muli %scan3A_297, %mul3A_298 : i32
        %get3A_300 = arith.index_cast %mul3A_299 : i32 to index
        %get3A_301 = tpu.vector_load %arg11[%get3A_300] {strides = array<i32>} : memref<4096xi32, #tpu.memory_space<vmem>>, vector<16xi32>,
        %mul3A_302 = arith.constant 16 : i32
        %mul3A_303 = arith.muli %scan3A_297, %mul3A_302 : i32
        %get3A_304 = arith.index_cast %mul3A_303 : i32 to index
        %get3A_305 = tpu.vector_load %arg12[%get3A_304] {strides = array<i32>} : memref<4096xi32, #tpu.memory_space<vmem>>, vector<16xi32>,
        %mul3A_306 = arith.constant 16 : i32
        %mul3A_307 = arith.muli %scan3A_297, %mul3A_306 : i32
        %get3A_308 = arith.index_cast %mul3A_307 : i32 to index
        %get3A_309 = tpu.vector_load %arg13[%get3A_308] {strides = array<i32>} : memref<4096xf32, #tpu.memory_space<vmem>>, vector<16xf32>,
        %gather3A_310 = tpu.vector_load_idx %arg7[%broadcast_in_dim3A_3, %get3A_301] : memref<4x10000xi32, #tpu.memory_space<vmem>>[vector<16xi32>, vector<16xi32>], vector<16xi32>,
        %gather3A_311 = tpu.vector_load_idx %arg7[%broadcast_in_dim3A_3, %get3A_305] : memref<4x10000xi32, #tpu.memory_space<vmem>>[vector<16xi32>, vector<16xi32>], vector<16xi32>,
        %bitcast3A_312 = vector.bitcast %gather3A_310 : vector<16xi32> to vector<32xbf16>
        %unpack3A_313 = tpu.unpack_subelements %bitcast3A_312, 0 {pack_format = #tpu.pack_format<interleaved>} : vector<32xbf16> -> vector<16xf32>
        %unpack3A_314 = tpu.unpack_subelements %bitcast3A_312, 1 {pack_format = #tpu.pack_format<interleaved>} : vector<32xbf16> -> vector<16xf32>
        %bitcast3A_315 = vector.bitcast %gather3A_311 : vector<16xi32> to vector<32xbf16>
        %unpack3A_316 = tpu.unpack_subelements %bitcast3A_315, 0 {pack_format = #tpu.pack_format<interleaved>} : vector<32xbf16> -> vector<16xf32>
        %unpack3A_317 = tpu.unpack_subelements %bitcast3A_315, 1 {pack_format = #tpu.pack_format<interleaved>} : vector<32xbf16> -> vector<16xf32>
        %sub3A_318 = arith.subf %unpack3A_313, %unpack3A_316 : vector<16xf32>
        %sub3A_319 = arith.subf %unpack3A_314, %unpack3A_317 : vector<16xf32>
        %mul3A_320 = arith.mulf %sub3A_318, %sub3A_318 : vector<16xf32>
        %add3A_321 = arith.addf %broadcast_in_dim3A_11, %mul3A_320 : vector<16xf32>
        %mul3A_322 = arith.mulf %sub3A_319, %sub3A_319 : vector<16xf32>
        %add3A_323 = arith.addf %add3A_321, %mul3A_322 : vector<16xf32>
        %gather3A_324 = tpu.vector_load_idx %arg7[%broadcast_in_dim3A_5, %get3A_301] : memref<4x10000xi32, #tpu.memory_space<vmem>>[vector<16xi32>, vector<16xi32>], vector<16xi32>,
        %gather3A_325 = tpu.vector_load_idx %arg7[%broadcast_in_dim3A_5, %get3A_305] : memref<4x10000xi32, #tpu.memory_space<vmem>>[vector<16xi32>, vector<16xi32>], vector<16xi32>,
        %bitcast3A_326 = vector.bitcast %gather3A_324 : vector<16xi32> to vector<32xbf16>
        %unpack3A_327 = tpu.unpack_subelements %bitcast3A_326, 0 {pack_format = #tpu.pack_format<interleaved>} : vector<32xbf16> -> vector<16xf32>
        %unpack3A_328 = tpu.unpack_subelements %bitcast3A_326, 1 {pack_format = #tpu.pack_format<interleaved>} : vector<32xbf16> -> vector<16xf32>
        %bitcast3A_329 = vector.bitcast %gather3A_325 : vector<16xi32> to vector<32xbf16>
        %unpack3A_330 = tpu.unpack_subelements %bitcast3A_329, 0 {pack_format = #tpu.pack_format<interleaved>} : vector<32xbf16> -> vector<16xf32>
        %unpack3A_331 = tpu.unpack_subelements %bitcast3A_329, 1 {pack_format = #tpu.pack_format<interleaved>} : vector<32xbf16> -> vector<16xf32>
        %sub3A_332 = arith.subf %unpack3A_327, %unpack3A_330 : vector<16xf32>
        %sub3A_333 = arith.subf %unpack3A_328, %unpack3A_331 : vector<16xf32>
        %mul3A_334 = arith.mulf %sub3A_332, %sub3A_332 : vector<16xf32>
        %add3A_335 = arith.addf %add3A_323, %mul3A_334 : vector<16xf32>
        %mul3A_336 = arith.mulf %sub3A_333, %sub3A_333 : vector<16xf32>
        %add3A_337 = arith.addf %add3A_335, %mul3A_336 : vector<16xf32>
        %gather3A_338 = tpu.vector_load_idx %arg7[%broadcast_in_dim3A_7, %get3A_301] : memref<4x10000xi32, #tpu.memory_space<vmem>>[vector<16xi32>, vector<16xi32>], vector<16xi32>,
        %gather3A_339 = tpu.vector_load_idx %arg7[%broadcast_in_dim3A_7, %get3A_305] : memref<4x10000xi32, #tpu.memory_space<vmem>>[vector<16xi32>, vector<16xi32>], vector<16xi32>,
        %bitcast3A_340 = vector.bitcast %gather3A_338 : vector<16xi32> to vector<32xbf16>
        %unpack3A_341 = tpu.unpack_subelements %bitcast3A_340, 0 {pack_format = #tpu.pack_format<interleaved>} : vector<32xbf16> -> vector<16xf32>
        %unpack3A_342 = tpu.unpack_subelements %bitcast3A_340, 1 {pack_format = #tpu.pack_format<interleaved>} : vector<32xbf16> -> vector<16xf32>
        %bitcast3A_343 = vector.bitcast %gather3A_339 : vector<16xi32> to vector<32xbf16>
        %unpack3A_344 = tpu.unpack_subelements %bitcast3A_343, 0 {pack_format = #tpu.pack_format<interleaved>} : vector<32xbf16> -> vector<16xf32>
        %unpack3A_345 = tpu.unpack_subelements %bitcast3A_343, 1 {pack_format = #tpu.pack_format<interleaved>} : vector<32xbf16> -> vector<16xf32>
        %sub3A_346 = arith.subf %unpack3A_341, %unpack3A_344 : vector<16xf32>
        %sub3A_347 = arith.subf %unpack3A_342, %unpack3A_345 : vector<16xf32>
        %mul3A_348 = arith.mulf %sub3A_346, %sub3A_346 : vector<16xf32>
        %add3A_349 = arith.addf %add3A_337, %mul3A_348 : vector<16xf32>
        %mul3A_350 = arith.mulf %sub3A_347, %sub3A_347 : vector<16xf32>
        %add3A_351 = arith.addf %add3A_349, %mul3A_350 : vector<16xf32>
        %gather3A_352 = tpu.vector_load_idx %arg7[%broadcast_in_dim3A_9, %get3A_301] : memref<4x10000xi32, #tpu.memory_space<vmem>>[vector<16xi32>, vector<16xi32>], vector<16xi32>,
        %gather3A_353 = tpu.vector_load_idx %arg7[%broadcast_in_dim3A_9, %get3A_305] : memref<4x10000xi32, #tpu.memory_space<vmem>>[vector<16xi32>, vector<16xi32>], vector<16xi32>,
        %bitcast3A_354 = vector.bitcast %gather3A_352 : vector<16xi32> to vector<32xbf16>
        %unpack3A_355 = tpu.unpack_subelements %bitcast3A_354, 0 {pack_format = #tpu.pack_format<interleaved>} : vector<32xbf16> -> vector<16xf32>
        %unpack3A_356 = tpu.unpack_subelements %bitcast3A_354, 1 {pack_format = #tpu.pack_format<interleaved>} : vector<32xbf16> -> vector<16xf32>
        %bitcast3A_357 = vector.bitcast %gather3A_353 : vector<16xi32> to vector<32xbf16>
        %unpack3A_358 = tpu.unpack_subelements %bitcast3A_357, 0 {pack_format = #tpu.pack_format<interleaved>} : vector<32xbf16> -> vector<16xf32>
        %unpack3A_359 = tpu.unpack_subelements %bitcast3A_357, 1 {pack_format = #tpu.pack_format<interleaved>} : vector<32xbf16> -> vector<16xf32>
        %sub3A_360 = arith.subf %unpack3A_355, %unpack3A_358 : vector<16xf32>
        %sub3A_361 = arith.subf %unpack3A_356, %unpack3A_359 : vector<16xf32>
        %mul3A_362 = arith.mulf %sub3A_360, %sub3A_360 : vector<16xf32>
        %add3A_363 = arith.addf %add3A_351, %mul3A_362 : vector<16xf32>
        %mul3A_364 = arith.mulf %sub3A_361, %sub3A_361 : vector<16xf32>
        %add3A_365 = arith.addf %add3A_363, %mul3A_364 : vector<16xf32>
        %mul3A_366 = arith.mulf %add3A_365, %get3A_309 : vector<16xf32>
        %add3A_367 = arith.addf %add3A_295, %mul3A_366 : vector<16xf32>
        scf.yield %add3A_367 : vector<16xf32>
      }
      %scan3A_79 = arith.constant 256 : i32
      %lt3A_80 = arith.constant 19 : i32
      %lt3A_81 = arith.cmpi slt, %scan3A_41, %lt3A_80 : i32
      %convert_element_type3A_82 = arith.extui %lt3A_81 : i1 to i32
      %cond3A_83 = arith.constant 0 : i32
      %cond3A_84 = arith.cmpi ne, %convert_element_type3A_82, %cond3A_83 : i32
      scf.if %cond3A_84 {
        %mul3A_85 = arith.constant 2 : i32
        %mul3A_86 = arith.muli %mul3A_85, %scan3A_41 : i32
        %add3A_87 = arith.constant 3 : i32
        %add3A_88 = arith.addi %mul3A_86, %add3A_87 : i32
        %mul3A_89 = arith.constant 4096 : i32
        %mul3A_90 = arith.muli %add3A_88, %mul3A_89 : i32
        %dma_start3A_91 = tpu.memref_slice %arg3[%mul3A_90] : memref<163840xi32, #tpu.memory_space<hbm>> -> memref<4096xi32, #tpu.memory_space<hbm>>
        %dma_start3A_92 = tpu.memref_slice %arg3[%mul3A_90] : memref<163840xi32, #tpu.memory_space<hbm>> -> memref<4096xi32, #tpu.memory_space<hbm>>
        tpu.enqueue_dma source(%dma_start3A_92 : memref<4096xi32, #tpu.memory_space<hbm>>) target(%arg11 : memref<4096xi32, #tpu.memory_space<vmem>>) target_semaphore(%arg16 : memref<!tpu.dma_semaphore, #tpu.memory_space<semaphore_mem>>)
        %mul3A_93 = arith.constant 4096 : i32
        %mul3A_94 = arith.muli %add3A_88, %mul3A_93 : i32
        %dma_start3A_95 = tpu.memref_slice %arg4[%mul3A_94] : memref<163840xi32, #tpu.memory_space<hbm>> -> memref<4096xi32, #tpu.memory_space<hbm>>
        %dma_start3A_96 = tpu.memref_slice %arg4[%mul3A_94] : memref<163840xi32, #tpu.memory_space<hbm>> -> memref<4096xi32, #tpu.memory_space<hbm>>
        tpu.enqueue_dma source(%dma_start3A_96 : memref<4096xi32, #tpu.memory_space<hbm>>) target(%arg12 : memref<4096xi32, #tpu.memory_space<vmem>>) target_semaphore(%arg16 : memref<!tpu.dma_semaphore, #tpu.memory_space<semaphore_mem>>)
        %mul3A_97 = arith.constant 4096 : i32
        %mul3A_98 = arith.muli %add3A_88, %mul3A_97 : i32
        %dma_start3A_99 = tpu.memref_slice %arg5[%mul3A_98] : memref<163840xf32, #tpu.memory_space<hbm>> -> memref<4096xf32, #tpu.memory_space<hbm>>
        %dma_start3A_100 = tpu.memref_slice %arg5[%mul3A_98] : memref<163840xf32, #tpu.memory_space<hbm>> -> memref<4096xf32, #tpu.memory_space<hbm>>
        tpu.enqueue_dma source(%dma_start3A_100 : memref<4096xf32, #tpu.memory_space<hbm>>) target(%arg13 : memref<4096xf32, #tpu.memory_space<vmem>>) target_semaphore(%arg16 : memref<!tpu.dma_semaphore, #tpu.memory_space<semaphore_mem>>)
      } else {
      }
      scf.yield %scan3A_78 : vector<16xf32>
    }
    %scan3A_39 = arith.constant 20 : i32
    %swap3A = arith.constant 0 : index
    %swap3A_40 = tpu.vector_load %arg14[%swap3A] {strides = array<i32>} : memref<16xf32, #tpu.memory_space<vmem>>, vector<16xf32>,
    tpu.vector_store %arg14[%swap3A], %scan3A_38 {strides = array<i32>} : memref<16xf32, #tpu.memory_space<vmem>>, vector<16xf32>,
    "tpu.region"() ({
      %run_scoped3A = tpu.sem_alloc : memref<!tpu.dma_semaphore, #tpu.memory_space<semaphore_mem>>
      %dma_start3A_41 = arith.constant 0 : i32
      %dma_start3A_42 = tpu.memref_slice %arg6[%add3A, %dma_start3A_41] : memref<32x16xf32, #tpu.memory_space<hbm>> -> memref<1x16xf32, #tpu.memory_space<hbm>>
      %dma_start3A_43 = tpu.memref_squeeze %dma_start3A_42 : memref<1x16xf32, #tpu.memory_space<hbm>> -> memref<16xf32, #tpu.memory_space<hbm>>
      %dma_start3A_44 = arith.constant 0 : i32
      %dma_start3A_45 = tpu.memref_slice %arg6[%add3A, %dma_start3A_44] : memref<32x16xf32, #tpu.memory_space<hbm>> -> memref<1x16xf32, #tpu.memory_space<hbm>>
      %dma_start3A_46 = tpu.memref_squeeze %dma_start3A_45 : memref<1x16xf32, #tpu.memory_space<hbm>> -> memref<16xf32, #tpu.memory_space<hbm>>
      tpu.enqueue_dma source(%arg14 : memref<16xf32, #tpu.memory_space<vmem>>) target(%dma_start3A_46 : memref<16xf32, #tpu.memory_space<hbm>>) target_semaphore(%run_scoped3A : memref<!tpu.dma_semaphore, #tpu.memory_space<semaphore_mem>>)
      %dma_wait3A = arith.constant 0 : i32
      %dma_wait3A_47 = tpu.memref_slice %arg6[%add3A, %dma_wait3A] : memref<32x16xf32, #tpu.memory_space<hbm>> -> memref<1x16xf32, #tpu.memory_space<hbm>>
      %dma_wait3A_48 = tpu.memref_squeeze %dma_wait3A_47 : memref<1x16xf32, #tpu.memory_space<hbm>> -> memref<16xf32, #tpu.memory_space<hbm>>
      %dma_wait3A_49 = arith.constant 0 : i32
      %dma_wait3A_50 = tpu.memref_slice %arg6[%add3A, %dma_wait3A_49] : memref<32x16xf32, #tpu.memory_space<hbm>> -> memref<1x16xf32, #tpu.memory_space<hbm>>
      %dma_wait3A_51 = tpu.memref_squeeze %dma_wait3A_50 : memref<1x16xf32, #tpu.memory_space<hbm>> -> memref<16xf32, #tpu.memory_space<hbm>>
      tpu.wait_dma2 semaphore(%run_scoped3A : memref<!tpu.dma_semaphore, #tpu.memory_space<semaphore_mem>>) src(%arg14 : memref<16xf32, #tpu.memory_space<vmem>>) dst(%dma_wait3A_51 : memref<16xf32, #tpu.memory_space<hbm>>)
      tpu.yield
    }) : () -> ()
    return
  }
}

module attributes {stable_mosaic.version = 14 : i64} {
  func.func @body(%arg0: memref<32x10000xf32, #tpu.memory_space<vmem>>, %arg1: memref<32x128xf32, #tpu.memory_space<vmem>>, %arg2: memref<1x10000xi32, #tpu.memory_space<vmem>>, %arg3: memref<128x10xf32, #tpu.memory_space<vmem>>, %arg4: memref<128x1xi32, #tpu.memory_space<vmem>>, %arg5: memref<1x10000xf32, #tpu.memory_space<vmem>>, %arg6: memref<1x128xf32, #tpu.memory_space<vmem>>, %arg7: memref<1x1xf32, #tpu.memory_space<vmem>>, %arg8: memref<1x1xf32, #tpu.memory_space<vmem>>) attributes {dimension_semantics = [], scalar_prefetch = 0 : i64, scratch_operands = 0 : i64, tpu.core_type = #tpu.core_type<tc>} {
    %get3A = arith.constant 0 : index
    %get3A_0 = arith.constant 0 : index
    %get3A_1 = vector.load %arg0[%get3A, %get3A_0] : memref<32x10000xf32, #tpu.memory_space<vmem>>, vector<32x10000xf32>
    %reduce_sum3A = arith.constant dense<0.000000e+00> : vector<10000xf32>
    %reduce_sum3A_2 = vector.multi_reduction <add>, %get3A_1, %reduce_sum3A [0] : vector<32x10000xf32> to vector<10000xf32>
    %broadcast_in_dim3A = vector.shape_cast %reduce_sum3A_2 : vector<10000xf32> to vector<1x10000xf32>
    %gt3A = arith.constant 0.000000e+00 : f32
    %gt3A_3 = vector.broadcast %gt3A : f32 to vector<1x10000xf32>
    %gt3A_4 = arith.cmpf ogt, %broadcast_in_dim3A, %gt3A_3 : vector<1x10000xf32>
    %rsqrt3A = math.rsqrt %broadcast_in_dim3A : vector<1x10000xf32>
    %jit3A = arith.constant 0.000000e+00 : f32
    %broadcast_in_dim3A_5 = vector.broadcast %jit3A : f32 to vector<1x10000xf32>
    %select_n3A = arith.select %gt3A_4, %rsqrt3A, %broadcast_in_dim3A_5 : vector<1x10000xi1>, vector<1x10000xf32>
    %swap3A = arith.constant 0 : index
    %swap3A_6 = arith.constant 0 : index
    %swap3A_7 = vector.load %arg5[%swap3A, %swap3A_6] : memref<1x10000xf32, #tpu.memory_space<vmem>>, vector<1x10000xf32>
    tpu.vector_store %arg5[%swap3A, %swap3A_6], %select_n3A {strides = array<i32>} : memref<1x10000xf32, #tpu.memory_space<vmem>>, vector<1x10000xf32>,
    %get3A_8 = arith.constant 0 : index
    %get3A_9 = arith.constant 0 : index
    %get3A_10 = vector.load %arg1[%get3A_8, %get3A_9] : memref<32x128xf32, #tpu.memory_space<vmem>>, vector<32x128xf32>
    %reduce_sum3A_11 = arith.constant dense<0.000000e+00> : vector<128xf32>
    %reduce_sum3A_12 = vector.multi_reduction <add>, %get3A_10, %reduce_sum3A_11 [0] : vector<32x128xf32> to vector<128xf32>
    %broadcast_in_dim3A_13 = vector.shape_cast %reduce_sum3A_12 : vector<128xf32> to vector<1x128xf32>
    %max3A = arith.constant 1.000000e+00 : f32
    %max3A_14 = vector.broadcast %max3A : f32 to vector<1x128xf32>
    %max3A_15 = arith.maximumf %broadcast_in_dim3A_13, %max3A_14 : vector<1x128xf32>
    %div3A = arith.constant 1.000000e+00 : f32
    %div3A_16 = vector.broadcast %div3A : f32 to vector<1x128xf32>
    %div3A_17 = arith.divf %div3A_16, %max3A_15 : vector<1x128xf32>
    %swap3A_18 = arith.constant 0 : index
    %swap3A_19 = arith.constant 0 : index
    %swap3A_20 = vector.load %arg6[%swap3A_18, %swap3A_19] : memref<1x128xf32, #tpu.memory_space<vmem>>, vector<1x128xf32>
    tpu.vector_store %arg6[%swap3A_18, %swap3A_19], %div3A_17 {strides = array<i32>} : memref<1x128xf32, #tpu.memory_space<vmem>>, vector<1x128xf32>,
    %get3A_21 = arith.constant 0 : index
    %get3A_22 = arith.constant 0 : index
    %get3A_23 = vector.load %arg2[%get3A_21, %get3A_22] : memref<1x10000xi32, #tpu.memory_space<vmem>>, vector<1x10000xi32>
    %reduce_max3A = arith.constant dense<-2147483648> : vector<1xi32>
    %reduce_max3A_24 = vector.multi_reduction <maxsi>, %get3A_23, %reduce_max3A [1] : vector<1x10000xi32> to vector<1xi32>
    %broadcast_in_dim3A_25 = vector.shape_cast %reduce_max3A_24 : vector<1xi32> to vector<1x1xi32>
    %add3A = arith.constant 1 : i32
    %add3A_26 = vector.broadcast %add3A : i32 to vector<1x1xi32>
    %add3A_27 = arith.addi %broadcast_in_dim3A_25, %add3A_26 : vector<1x1xi32>
    %convert_element_type3A = arith.sitofp %add3A_27 : vector<1x1xi32> to vector<1x1xf32>
    %swap3A_28 = arith.constant 0 : index
    %swap3A_29 = arith.constant 0 : index
    %swap3A_30 = vector.load %arg8[%swap3A_28, %swap3A_29] : memref<1x1xf32, #tpu.memory_space<vmem>>, vector<1x1xf32>
    tpu.vector_store %arg8[%swap3A_28, %swap3A_29], %convert_element_type3A {strides = array<i32>} : memref<1x1xf32, #tpu.memory_space<vmem>>, vector<1x1xf32>,
    %get3A_31 = arith.constant 0 : index
    %get3A_32 = arith.constant 0 : index
    %get3A_33 = vector.load %arg3[%get3A_31, %get3A_32] : memref<128x10xf32, #tpu.memory_space<vmem>>, vector<128x10xf32>
    %reduce_max3A_34 = arith.constant dense<0xFF800000> : vector<128xf32>
    %reduce_max3A_35 = vector.multi_reduction <maximumf>, %get3A_33, %reduce_max3A_34 [1] : vector<128x10xf32> to vector<128xf32>
    %broadcast_in_dim3A_36 = vector.shape_cast %reduce_max3A_35 : vector<128xf32> to vector<128x1xf32>
    %sub3A = vector.broadcast %broadcast_in_dim3A_36 : vector<128x1xf32> to vector<128x10xf32>
    %sub3A_37 = arith.subf %get3A_33, %sub3A : vector<128x10xf32>
    %exp3A = math.exp %sub3A_37 : vector<128x10xf32>
    %reduce_sum3A_38 = arith.constant dense<0.000000e+00> : vector<128xf32>
    %reduce_sum3A_39 = vector.multi_reduction <add>, %exp3A, %reduce_sum3A_38 [1] : vector<128x10xf32> to vector<128xf32>
    %broadcast_in_dim3A_40 = vector.shape_cast %reduce_sum3A_39 : vector<128xf32> to vector<128x1xf32>
    %log3A = math.log %broadcast_in_dim3A_40 : vector<128x1xf32>
    %add3A_41 = arith.addf %log3A, %broadcast_in_dim3A_36 : vector<128x1xf32>
    %sub3A_42 = vector.broadcast %add3A_41 : vector<128x1xf32> to vector<128x10xf32>
    %sub3A_43 = arith.subf %get3A_33, %sub3A_42 : vector<128x10xf32>
    %iota3A = tpu.iota {dimensions = array<i32: 1>} : vector<128x10xi32>
    %get3A_44 = arith.constant 0 : index
    %get3A_45 = arith.constant 0 : index
    %get3A_46 = vector.load %arg4[%get3A_44, %get3A_45] : memref<128x1xi32, #tpu.memory_space<vmem>>, vector<128x1xi32>
    %eq3A = vector.broadcast %get3A_46 : vector<128x1xi32> to vector<128x10xi32>
    %eq3A_47 = arith.cmpi eq, %iota3A, %eq3A : vector<128x10xi32>
    %jit3A_48 = arith.constant 0.000000e+00 : f32
    %broadcast_in_dim3A_49 = vector.broadcast %jit3A_48 : f32 to vector<128x10xf32>
    %select_n3A_50 = arith.select %eq3A_47, %sub3A_43, %broadcast_in_dim3A_49 : vector<128x10xi1>, vector<128x10xf32>
    %reduce_sum3A_51 = arith.constant dense<0.000000e+00> : vector<128xf32>
    %reduce_sum3A_52 = vector.multi_reduction <add>, %select_n3A_50, %reduce_sum3A_51 [1] : vector<128x10xf32> to vector<128xf32>
    %broadcast_in_dim3A_53 = vector.shape_cast %reduce_sum3A_52 : vector<128xf32> to vector<128x1xf32>
    %neg3A = arith.constant 0.000000e+00 : f32
    %neg3A_54 = vector.broadcast %neg3A : f32 to vector<128x1xf32>
    %neg3A_55 = arith.subf %neg3A_54, %broadcast_in_dim3A_53 : vector<128x1xf32>
    %reduce_sum3A_56 = arith.constant dense<0.000000e+00> : vector<1xf32>
    %reduce_sum3A_57 = vector.multi_reduction <add>, %neg3A_55, %reduce_sum3A_56 [0] : vector<128x1xf32> to vector<1xf32>
    %broadcast_in_dim3A_58 = vector.shape_cast %reduce_sum3A_57 : vector<1xf32> to vector<1x1xf32>
    %div3A_59 = arith.constant 1.280000e+02 : f32
    %div3A_60 = vector.broadcast %div3A_59 : f32 to vector<1x1xf32>
    %div3A_61 = arith.divf %broadcast_in_dim3A_58, %div3A_60 : vector<1x1xf32>
    %swap3A_62 = arith.constant 0 : index
    %swap3A_63 = arith.constant 0 : index
    %swap3A_64 = vector.load %arg7[%swap3A_62, %swap3A_63] : memref<1x1xf32, #tpu.memory_space<vmem>>, vector<1x1xf32>
    tpu.vector_store %arg7[%swap3A_62, %swap3A_63], %div3A_61 {strides = array<i32>} : memref<1x1xf32, #tpu.memory_space<vmem>>, vector<1x1xf32>,
    return
  }
}

module attributes {stable_mosaic.version = 14 : i64} {
  func.func @_combine_body(%arg0: memref<32x16xf32, #tpu.memory_space<vmem>>, %arg1: memref<1x1xf32, #tpu.memory_space<vmem>>, %arg2: memref<1x1xf32, #tpu.memory_space<vmem>>, %arg3: memref<1x1xf32, #tpu.memory_space<vmem>>) attributes {dimension_semantics = [], scalar_prefetch = 0 : i64, scratch_operands = 0 : i64, tpu.core_type = #tpu.core_type<tc>} {
    %get3A = arith.constant 0 : index
    %get3A_0 = arith.constant 0 : index
    %get3A_1 = vector.load %arg0[%get3A, %get3A_0] : memref<32x16xf32, #tpu.memory_space<vmem>>, vector<32x16xf32>
    %reduce_sum3A = arith.constant dense<0.000000e+00> : vector<32xf32>
    %reduce_sum3A_2 = vector.multi_reduction <add>, %get3A_1, %reduce_sum3A [1] : vector<32x16xf32> to vector<32xf32>
    %broadcast_in_dim3A = vector.shape_cast %reduce_sum3A_2 : vector<32xf32> to vector<32x1xf32>
    %reduce_sum3A_3 = arith.constant dense<0.000000e+00> : vector<1xf32>
    %reduce_sum3A_4 = vector.multi_reduction <add>, %broadcast_in_dim3A, %reduce_sum3A_3 [0] : vector<32x1xf32> to vector<1xf32>
    %broadcast_in_dim3A_5 = vector.shape_cast %reduce_sum3A_4 : vector<1xf32> to vector<1x1xf32>
    %get3A_6 = arith.constant 0 : index
    %get3A_7 = arith.constant 0 : index
    %get3A_8 = vector.load %arg1[%get3A_6, %get3A_7] : memref<1x1xf32, #tpu.memory_space<vmem>>, vector<1x1xf32>
    %get3A_9 = arith.constant 0 : index
    %get3A_10 = arith.constant 0 : index
    %get3A_11 = vector.load %arg2[%get3A_9, %get3A_10] : memref<1x1xf32, #tpu.memory_space<vmem>>, vector<1x1xf32>
    %div3A = arith.divf %broadcast_in_dim3A_5, %get3A_11 : vector<1x1xf32>
    %mul3A = arith.constant 0.00999999977 : f32
    %mul3A_12 = vector.broadcast %mul3A : f32 to vector<1x1xf32>
    %mul3A_13 = arith.mulf %mul3A_12, %div3A : vector<1x1xf32>
    %add3A = arith.addf %get3A_8, %mul3A_13 : vector<1x1xf32>
    %swap3A = arith.constant 0 : index
    %swap3A_14 = arith.constant 0 : index
    %swap3A_15 = vector.load %arg3[%swap3A, %swap3A_14] : memref<1x1xf32, #tpu.memory_space<vmem>>, vector<1x1xf32>
    tpu.vector_store %arg3[%swap3A, %swap3A_14], %add3A {strides = array<i32>} : memref<1x1xf32, #tpu.memory_space<vmem>>, vector<1x1xf32>,
    return
  }
}

</mosaic_0001>

<sc_bundles>
// kernel: kernel.10.cloned.1.call-start
scs
__scs_entry_jumppad:
0x0: {  	(pc) =	sbr.rel $0x88, $3  }
0x1: {  	(tag) =	ssettag $0x0;
	lr =	simm.s32 $0x1  }
0x2: {  	[smem:$0x3F9C] =	sst lr;
	_ =	strace $0xD0000000  }
0x3: {  	_ = 	snop  }
0x4: {  	_ = 	snop  }
0x5: {  	_ = 	snop  }
0x6: {  	_ = 	snop  }
0x7: {  	_ = 	snop  }
__scs_overlays_trampoline_lowered:
0x8: {  	[smem:$0x3FAB] =	sst s0  }
0x9: {  	[smem:$0x3FAC] =	sst s1  }
0xa: {  	[smem:$0x3FAD] =	sst s2  }
0xb: {  	[smem:$0x3FAE] =	sst s3  }
0xc: {  	[smem:$0x3FAF] =	sst s4  }
0xd: {  	[smem:$0x3FB0] =	sst s5  }
0xe: {  	[smem:$0x3FB1] =	sst s6  }
0xf: {  	[smem:$0x3FB2] =	sst s7  }
0x10: {  	[smem:$0x3FB3] =	sst s8  }
0x11: {  	[smem:$0x3FB4] =	sst s9;
	s0 =	simm.s32 @!p0 $0x0  }
0x12: {  	s1 =	sld [smem:$0x3F9A];
	s0 =	simm.s32 @p0 $0x1  }
0x13: {  	[smem:$0x3FB5] =	sst s0;
	s0 =	simm.s32 @!p1 $0x0  }
0x14: {  	s2 =	sld [smem:$0x3F99];
	s0 =	simm.s32 @p1 $0x1  }
0x15: {  	[smem:$0x3FB6] =	sst s0;
	s0 =	simm.s32 @!p2 $0x0  }
0x16: {  	s3 =	sld [smem:$0x3FDB];
	s0 =	simm.s32 @p2 $0x1  }
0x17: {  	s4 =	simm.s32 $0x1BF5;
	[smem:$0x3FB8] =	sst s0  }
0x18: {  	s0 =	sld [smem:$0x3F9B];
	_ =	swait.ge [sflag:s4], $0x0  }
0x19: {  	s7 =	sld [smem:$0x3F9C]  }
0x1a: {  	s8 =	sadd.s32 $0xFFFFE003, lr  }
0x1b: {  	s9 =	sadd.s32 $0xFFFFFEF7, lr;
	s5 =	simm.s32 $0xFFFFFFFF;
	p2 =	slt.u32 s8, $0xFFFFF086  }
0x1c: {  	p1 =	slt.u32 s9, $0xF7A;
	s5 =	simm.s32 @!p2 $0x0  }
0x1d: {  	s5 =	simm.s32 @p1 $0x1;
	p0 =	seq.s32 s7, s2  }
0x1e: {  	s7 =	smul.u32 @!p0 $0xF7A, s2;
	p2 =	seq.s32 @!p0 s5, $0x0  }
0x1f: {  	s9 =	smul.u32 $0xF7A, s1;
	s8 =	simm.s32 @!p0 $0x1BF5;
	p2 =	por !p2, p0  }
0x20: {  	[sflag:s8] =	ssyncset.s32 @!p0 $0xFFFFF086;
	s6 =	sadd.s32 @!p0 s3, s7;
	s7 =	simm.s32 @!p0 $0x108  }
0x21: {  	s3 =	sadd.s32 s3, s9;
	s6 =	sadd.s32 @!p0 $0x88, s6;
	s7 =	simm.s32 @p2 $0x1082  }
0x22: {  	[simem:s7], [sflag:s8] =	dma.local @!p0 [hbm:s6], $0xF7A  }
0x23: {  	s9 =	sor.u32 $0xD0000000, s2;
	s6 =	simm.s32 $0x108;
	_ =	swait.ge @!p0 [sflag:s8], $0x0  }
0x24: {  	s3 =	sadd.s32 $0x88, s3;
	s6 =	simm.s32 @!p1 $0x1082;
	[sflag:s4] =	ssyncset.s32 $0xFFFFF086  }
0x25: {  	[simem:s6], [sflag:s4] =	dma.local [hbm:s3], $0xF7A  }
0x26: {  	[smem:$0x3F9C] =	sst s1;
	(tag) =	ssettag s2;
	_ =	strace s9  }
0x27: {  	s1 =	sld [smem:$0x3FAC]  }
0x28: {  	s2 =	sld [smem:$0x3FAD]  }
0x29: {  	s4 =	sld [smem:$0x3FAF]  }
0x2a: {  	p0 =	seq.s32 s5, $0x0;
	s5 =	sld [smem:$0x3FB0]  }
0x2b: {  	s6 =	sld [smem:$0x3FB1]  }
0x2c: {  	s7 =	sld [smem:$0x3FB2]  }
0x2d: {  	s3 =	simm.s32 $0x108;
	s8 =	sld [smem:$0x3FB3]  }
0x2e: {  	s3 =	simm.s32 @!p0 $0x1082;
	s9 =	sld [smem:$0x3FB4]  }
0x2f: {  	lr =	sadd.s32 s0, s3;
	s0 =	sld [smem:$0x3FAB]  }
0x30: {  	s3 =	sld [smem:$0x3FAE]  }
0x31: {  	[smem:$0x3FB7] =	sst s10  }
0x32: {  	s10 =	sld [smem:$0x3FB5];
	_ =	sdelay $0x3  }
0x33: {  	p0 =	seq.s32 s10, $0x1;
	s10 =	sld [smem:$0x3FB7];
	_ =	sdelay $0x3  }
0x34: {  	[smem:$0x3FB7] =	sst s10  }
0x35: {  	s10 =	sld [smem:$0x3FB6];
	_ =	sdelay $0x3  }
0x36: {  	p1 =	seq.s32 s10, $0x1;
	s10 =	sld [smem:$0x3FB7];
	_ =	sdelay $0x3  }
0x37: {  	[smem:$0x3FB7] =	sst s10  }
0x38: {  	s10 =	sld [smem:$0x3FB8]  }
0x39: {  	_ = 	snop;
	(pc) =	sbr.ind lr, $3  }
0x3a: {  	_ = 	snop  }
0x3b: {  	_ = 	snop  }
0x3c: {  	p2 =	seq.s32 s10, $0x1;
	s10 =	sld [smem:$0x3FB7]  }
0x3d: {  	_ =	shalt  }
0x3e: {  	_ =	shalt  }
0x3f: {  	_ =	shalt  }
0x40: {  	_ =	shalt  }
0x41: {  	_ =	shalt  }
0x42: {  	_ =	shalt  }
0x43: {  	_ =	shalt  }
0x44: {  	_ =	shalt  }
0x45: {  	_ =	shalt  }
0x46: {  	_ =	shalt  }
0x47: {  	_ =	shalt  }
0x48: {  	_ =	shalt  }
0x49: {  	_ =	shalt  }
0x4a: {  	_ =	shalt  }
0x4b: {  	_ =	shalt  }
0x4c: {  	_ =	shalt  }
0x4d: {  	_ =	shalt  }
0x4e: {  	_ =	shalt  }
0x4f: {  	_ =	shalt  }
0x50: {  	_ =	shalt  }
0x51: {  	_ =	shalt  }
0x52: {  	_ =	shalt  }
0x53: {  	_ =	shalt  }
0x54: {  	_ =	shalt  }
0x55: {  	_ =	shalt  }
0x56: {  	_ =	shalt  }
0x57: {  	_ =	shalt  }
0x58: {  	_ =	shalt  }
0x59: {  	_ =	shalt  }
0x5a: {  	_ =	shalt  }
0x5b: {  	_ =	shalt  }
0x5c: {  	_ =	shalt  }
0x5d: {  	_ =	shalt  }
0x5e: {  	_ =	shalt  }
0x5f: {  	_ =	shalt  }
0x60: {  	_ =	shalt  }
0x61: {  	_ =	shalt  }
0x62: {  	_ =	shalt  }
0x63: {  	_ =	shalt  }
0x64: {  	_ =	shalt  }
0x65: {  	_ =	shalt  }
0x66: {  	_ =	shalt  }
0x67: {  	_ =	shalt  }
0x68: {  	_ =	shalt  }
0x69: {  	_ =	shalt  }
0x6a: {  	_ =	shalt  }
0x6b: {  	_ =	shalt  }
0x6c: {  	_ =	shalt  }
0x6d: {  	_ =	shalt  }
0x6e: {  	_ =	shalt  }
0x6f: {  	_ =	shalt  }
0x70: {  	_ =	shalt  }
0x71: {  	_ =	shalt  }
0x72: {  	_ =	shalt  }
0x73: {  	_ =	shalt  }
0x74: {  	_ =	shalt  }
0x75: {  	_ =	shalt  }
0x76: {  	_ =	shalt  }
0x77: {  	_ =	shalt  }
0x78: {  	_ =	shalt  }
0x79: {  	_ =	shalt  }
0x7a: {  	_ =	shalt  }
0x7b: {  	_ =	shalt  }
0x7c: {  	_ =	shalt  }
0x7d: {  	_ =	shalt  }
0x7e: {  	_ =	shalt  }
0x7f: {  	_ =	shalt  }
0x80: {  	_ =	shalt  }
0x81: {  	_ =	shalt  }
0x82: {  	_ =	shalt  }
0x83: {  	_ =	shalt  }
0x84: {  	_ =	shalt  }
0x85: {  	_ =	shalt  }
0x86: {  	_ =	shalt  }
0x87: {  	_ =	shalt  }
.Lfunc_end0:
.L_simem_size_0:
called_computation.1_lowered:
.L_overlay_start_0:
0x88: {  	s2 =	sld [smem:$0x3FD9]  }
0x89: {  	s3 =	sld [smem:$0x3FFE];
	_ =	sdelay $0x1  }
0x8a: {  	s1 =	srdreg.scid  }
0x8b: {  	s0 =	sand.u32 $0x1, s1  }
0x8c: {  	s17 =	sshll.u32 s0, $0xA;
	s2 =	sadd.s32 s3, s2  }
0x8d: {  	s2 =	sadd.s32 s2, s17  }
0x8e: {  	[smem:$0x3FC3] =	sst s2  }
0x8f: {  	_ = 	snop  }
0x90: {  	s2 =	sld [smem:$0x3FC5]  }
0x91: {  	s18 =	sld [smem:$0x3FD0];
	(tm) =	ssettm $0x1  }
0x92: {  	s4 =	sld [smem:$0x3FFB];
	_ =	sdelay $0x3  }
0x93: {  	_ =	strace s4  }
0x94: {  	s4 =	sld [smem:$0x3FFC];
	_ =	sdelay $0x3  }
0x95: {  	_ =	strace s4  }
0x96: {  	s4 =	sld [smem:$0x3FFD];
	_ =	sdelay $0x3  }
0x97: {  	_ =	strace s4  }
0x98: {  	_ =	strace $0x8FFFFFFF  }
0x99: {  	s19 =	sld [smem:$0x3FDB];
	_ =	sdelay $0x1  }
0x9a: {  	s5 =	simm.s32 $_scs_section_size  }
0x9b: {  	s6 =	simm.s32 $_size__tile_overlayer_lowered;
	s7 =	simm.s32 $_tile_overlayer_lowered  }
0x9c: {  	s22 =	simm.s32 $0x1BFF;
	s21 =	sshll.u32 s7, $0x1;
	s4 =	sadd.s32 s5, s19  }
0x9d: {  	s8 =	simm.s32 $0x0;
	s20 =	sshll.u32 s6, $0x1;
	s6 =	sadd.s32 s21, s4  }
0x9e: {  	[timem:s8], [sflag:s22] =	dma.local [hbm:s6], s20  }
0x9f: {  	_ =	swait.ge [sflag:s22], s20  }
0xa0: {  	s5 =	ssub.s32 $0x0, s20;
	[sflag:s22] =	ssyncset.done $0x0  }
0xa1: {  	[sflag:s22] =	ssyncadd.s32 s5;
	_ =	sdelay $0x1  }
0xa2: {  	s23 =	simm.s32 $0x1B8B  }
0xa3: {  	_ =	swait.ge [sflag:s23], $0x1  }
0xa4: {  	[sflag:s23] =	ssyncset.done $0x0  }
0xa5: {  	s25 =	simm.s32 $0x1B8E;
	s24 =	sld [smem:$0x3FFE];
	[sflag:s23] =	ssyncadd.s32 $0xFFFFFFFF  }
0xa6: {  	s26 =	simm.s32 $execute0_lowered;
	[smem:$0x3FD2] =	sst s25  }
0xa7: {  	s6 =	sshll.u32 s26, $0x1;
	_ =	strace $0x80000049;
	[dreg:$0x1] =	wrdreg $0xFFFFFFFF  }
0xa8: {  	s28 =	simm.s32 $_size_execute0_lowered;
	s4 =	sadd.s32 s4, s6;
	[dreg:$0x0] =	wrdreg $0x0  }
0xa9: {  	s6 =	sshll.u32 s28, $0x1;
	[dreg:$0x2] =	wrdreg s4  }
0xaa: {  	[dreg:$0x3] =	wrdreg s6  }
0xab: {  	[dreg:$0x4] =	wrdreg $0xC0  }
0xac: {  	_ =	task [dreg:s8], $0x5FFFF  }
0xad: {  	[dreg:$0x1] =	wrdreg $0xFFFFFFFF  }
0xae: {  	[dreg:$0x0] =	wrdreg $0x60  }
0xaf: {  	[dreg:$0x2] =	wrdreg s24  }
0xb0: {  	[dreg:$0x3] =	wrdreg s2  }
0xb1: {  	[dreg:$0x4] =	wrdreg s18  }
0xb2: {  	[dreg:$0x5] =	wrdreg $0x9  }
0xb3: {  	_ =	task.clear_ibuf [dreg:s8], $0x6FFFF;
	_ =	strace $0x90000049  }
0xb4: {  	s29 =	simm.s32 $0x9;
	_ =	strace $0x8000004B  }
0xb5: {  	_ =	swait.ge [sflag:s29], $0x1  }
0xb6: {  	[sflag:s29] =	ssyncadd.s32 $0xFFFFFFFF  }
0xb7: {  	_ =	strace $0x9000004B  }
0xb8: {  	_ =	sfence  }
0xb9: {  	s30 =	sld [smem:$0x0];
	_ =	sdelay $0x2  }
0xba: {  	s31 =	sshll.u32 s1, $0xD;
	s1 =	sshrl.u32 s1, $0x2  }
0xbb: {  	s3 =	sand.u32 $0x4000, s31;
	s1 =	sadd.s32 s1, s30  }
0xbc: {  	s0 =	sor.u32 s3, s0;
	s1 =	sshll.u32 s1, $0x11  }
0xbd: {  	s0 =	sor.u32 s1, s0  }
0xbe: {  	s0 =	sadd.s32 $0x8F2B, s0  }
0xbf: {  	[sflag:s0] =	ssyncadd.remote.s32 $0x1  }
0xc0: {  	_ =	sfence.sel $0xFFFF  }
0xc1: {  	[dreg:$0x0] =	wrdreg $0xFFFFFFFF;
	(pc) =	sbr.abs _section_cstart, $3  }
0xc2: {  	[dreg:$0x1] =	wrdreg $0xFFFFFFFF  }
0xc3: {  	_ =	task.clear_ibuf [dreg:s8], $0x2FFFF;
	_ =	strace $0x9FFFFFFF  }
0xc4: {  	(tm) =	ssettm $0x7FFFFFFF  }
0xc5: {  	_ =	shalt  }
tec
execute0_lowered:
.L_overlay_start_1:
0x0: {  	(tag) =	ssettag $0x1  }
0x1: {  	s6 =	rddreg [dreg:$0x0]  }
0x2: {  	s2 =	rddreg [dreg:$0x1];
	s1 =	srdreg.scid  }
0x3: {  	s0 =	stileid.u32;
	s3 =	rddreg [dreg:$0x2]  }
0x4: {  	s4 =	simm.s32 $0x0;
	s11 =	simm.s32 $0x1400;
	s12 =	simm.s32 $0x3C00  }
0x5: {  	s13 =	simm.s32 $0x6380;
	s5 =	sand.u32 $0x1, s1;
	s7 =	sshll.u32 s0, $0x1  }
0x6: {  	s14 =	simm.s32 $0x8B00;
	s15 =	simm.s32 $0x2800;
	s7 =	sor.u32 s5, s7  }
0x7: {  	s16 =	simm.s32 $0x0;
	[smem:$0x7FF] =	sst s4;
	s7 =	smul.u32 $0x280, s7  }
0x8: {  	s1 =	rddreg [dreg:$0x3];
	_ =	strace $0x8000004A;
	s8 =	ssub.s32 $0x2, s5  }
0x9: {  	s5 =	sadd.s32 $0x5A00, s6;
	s31 =	sshrl.u32 s8, $0x1;
	s9 =	sadd.s32 s7, s6  }
0xa: {  	s10 =	ssub.s32 s8, s31;
	s6 =	sadd.s32 $0x600, s9;
	s7 =	sadd.s32 $0xF600, s9  }
0xb: {  	s8 =	sadd.s32 $0x6000, s9;
	s9 =	smax.u32 s10, $0x1;
	s10 =	simm.s32 $0x1  }
.LBB2_1:
0xc: {  	[tilespmem:s4], [sflag:$0x1] =	stream.linear.gather [hbm4b:s6+s4], $0x1400, $0x38;
	[tilespmem:$0x8B80] =	vst v63  }
0xd: {  	_ =	swait.ge [sflag:s10], $0x1400  }
0xe: {  	[sflag:s10] =	ssyncset.done $0x0  }
0xf: {  	[sflag:s10] =	ssyncadd.s32 $0xFFFFEC00  }
0x10: {  	[tilespmem:s11], [sflag:$0x1] =	stream.linear.gather [hbm4b:s7+s4], $0x1400, $0x38;
	[tilespmem:$0x8B80] =	vst v63  }
0x11: {  	_ =	swait.ge [sflag:s10], $0x1400  }
0x12: {  	[sflag:s10] =	ssyncset.done $0x0  }
0x13: {  	[sflag:s10] =	ssyncadd.s32 $0xFFFFEC00  }
0x14: {  	[tilespmem:s12], [sflag:$0x1] =	stream.linear.gather [hbm4b:s5+s4], $0x2780, $0x38;
	[tilespmem:$0x8B80] =	vst v63  }
0x15: {  	_ =	swait.ge [sflag:s10], $0x2780  }
0x16: {  	[sflag:s10] =	ssyncset.done $0x0  }
0x17: {  	[sflag:s10] =	ssyncadd.s32 $0xFFFFD880  }
0x18: {  	[tilespmem:s13], [sflag:$0x1] =	stream.linear.gather [hbm4b:s2+s4], $0x2780, $0x38;
	[tilespmem:$0x8B80] =	vst v63  }
0x19: {  	_ =	swait.ge [sflag:s10], $0x2780  }
0x1a: {  	[sflag:s10] =	ssyncset.done $0x0  }
0x1b: {  	[sflag:s10] =	ssyncadd.s32 $0xFFFFD880  }
0x1c: {  	[tilespmem:s14], [sflag:$0x1] =	stream.linear.gather [hbm4b:s3+s4], $0x80, $0x38;
	[tilespmem:$0x8B80] =	vst v63  }
0x1d: {  	_ =	swait.ge [sflag:s10], $0x80  }
0x1e: {  	s17 =	simm.s32 $0xFFFFFFFC;
	s18 =	simm.s32 $0x2820;
	[sflag:s10] =	ssyncset.done $0x0  }
0x1f: {  	s19 =	simm.s32 $0x1420;
	s20 =	simm.s32 $0x20;
	[sflag:s10] =	ssyncadd.s32 $0xFFFFFF80  }
.LBB2_2:
0x20: {  	v0 =	vld [tilespmem:s20+$0xFFFFFFE0];
	_ =	sdelay $0x5  }
0x21: {  	v1 =	vld [tilespmem:s19+$0xFFFFFFE0];
	_ =	sdelay $0x1  }
0x22: {  	v2 =	vld.idx.msk [tilespmem:v0+s13+$0x0], $0xffff;
	_ =	sdelay $0x4  }
0x23: {  	v0 =	vld.idx.msk [tilespmem:v0+s12+$0x0], $0xffff  }
0x24: {  	v1 =	vld.idx.msk [tilespmem:v1+s12+$0x0], $0xffff;
	_ =	sdelay $0x1  }
0x25: {  	v2 =	vld.idx.msk [tilespmem:v2+s14+$0x0], $0xffff;
	_ =	sdelay $0x2  }
0x26: {  	v0 =	vmul.f32 v1, v0;
	_ =	sdelay $0x1  }
0x27: {  	v0 =	vmul.f32 v2, v0;
	_ =	sdelay $0x1  }
0x28: {  	[tilespmem:s18+$0xFFFFFFE0] =	vst v0  }
0x29: {  	v0 =	vld [tilespmem:s20+$0xFFFFFFF0];
	_ =	sdelay $0x5  }
0x2a: {  	v58 =	vld [tilespmem:s19+$0xFFFFFFF0];
	_ =	sdelay $0x1  }
0x2b: {  	v59 =	vld.idx.msk [tilespmem:v0+s13+$0x0], $0xffff;
	_ =	sdelay $0x4  }
0x2c: {  	v0 =	vld.idx.msk [tilespmem:v0+s12+$0x0], $0xffff  }
0x2d: {  	v1 =	vld.idx.msk [tilespmem:v58+s12+$0x0], $0xffff;
	_ =	sdelay $0x1  }
0x2e: {  	v2 =	vld.idx.msk [tilespmem:v59+s14+$0x0], $0xffff;
	_ =	sdelay $0x2  }
0x2f: {  	v0 =	vmul.f32 v1, v0;
	_ =	sdelay $0x1  }
0x30: {  	v0 =	vmul.f32 v2, v0;
	_ =	sdelay $0x1  }
0x31: {  	[tilespmem:s18+$0xFFFFFFF0] =	vst v0  }
0x32: {  	v0 =	vld [tilespmem:s20+$0x0];
	_ =	sdelay $0x5  }
0x33: {  	v60 =	vld [tilespmem:s19+$0x0];
	_ =	sdelay $0x1  }
0x34: {  	v61 =	vld.idx.msk [tilespmem:v0+s13+$0x0], $0xffff;
	_ =	sdelay $0x4  }
0x35: {  	v0 =	vld.idx.msk [tilespmem:v0+s12+$0x0], $0xffff  }
0x36: {  	v1 =	vld.idx.msk [tilespmem:v60+s12+$0x0], $0xffff;
	_ =	sdelay $0x1  }
0x37: {  	v2 =	vld.idx.msk [tilespmem:v61+s14+$0x0], $0xffff;
	_ =	sdelay $0x2  }
0x38: {  	v0 =	vmul.f32 v1, v0;
	_ =	sdelay $0x1  }
0x39: {  	v0 =	vmul.f32 v2, v0;
	_ =	sdelay $0x1  }
0x3a: {  	[tilespmem:s18+$0x0] =	vst v0  }
0x3b: {  	v0 =	vld [tilespmem:s20+$0x10];
	_ =	sdelay $0x5  }
0x3c: {  	v62 =	vld [tilespmem:s19+$0x10];
	_ =	sdelay $0x1  }
0x3d: {  	v63 =	vld.idx.msk [tilespmem:v0+s13+$0x0], $0xffff;
	_ =	sdelay $0x4  }
0x3e: {  	v0 =	vld.idx.msk [tilespmem:v0+s12+$0x0], $0xffff  }
0x3f: {  	v1 =	vld.idx.msk [tilespmem:v62+s12+$0x0], $0xffff;
	_ =	sdelay $0x1  }
0x40: {  	v2 =	vld.idx.msk [tilespmem:v63+s14+$0x0], $0xffff  }
0x41: {  	s17 =	sadd.s32 $0x4, s17  }
0x42: {  	p0 =	slt.u32 s17, $0x13C  }
.Ltmp0:
0x43: {  	v0 =	vmul.f32 v1, v0;
	(pc) =	sbr.rel @p0 .LBB2_2-.Ltmp0, $3  }
0x44: {  	_ = 	snop  }
0x45: {  	v0 =	vmul.f32 v2, v0;
	_ =	sdelay $0x1  }
0x46: {  	s19 =	sadd.s32 $0x40, s19;
	s20 =	sadd.s32 $0x40, s20;
	[tilespmem:s18+$0x10] =	vst v0;
	s18 =	sadd.s32 $0x40, s18  }
0x47: {  	s16 =	sadd.s32 $0x1, s16  }
0x48: {  	p0 =	sne.s32 s16, s9  }
.Ltmp1:
0x49: {  	_ = 	snop;
	(pc) =	sbr.rel @p0 .LBB2_1-.Ltmp1, $4  }
0x4a: {  	[hbm4b:s8+s4] =	stream.linear.scatter [tilespmem:s15], [sflag:$0x1], $0x1400, $0x38;
	[tilespmem:$0x8B80] =	vst v63  }
0x4b: {  	_ =	swait.ge [sflag:s10], $0x1400  }
0x4c: {  	[sflag:s10] =	ssyncset.done $0x0  }
0x4d: {  	[sflag:s10] =	ssyncadd.s32 $0xFFFFEC00  }
0x4e: {  	_ =	sfence.sel $0x180000  }
0x4f: {  	[bflag:$0x0] =	sbarrier.arrive $0xFFFF  }
0x50: {  	p0 =	sne.s32 s0, $0x0;
	_ =	strace $0x9000004A  }
0x51: {  	s0 =	sadd.s32 @!p0 $0x100000, s1;
	[bflag:$0x2] =	sbarrier.arrive $0xFFFF  }
0x52: {  	[sflag:s0] =	ssyncadd.tile.s32 @!p0 $0x1;
	_ =	shalt  }
.Lfunc_end2:
_tile_overlayer_lowered:
.L_overlay_start_2:
0x53: {  	(tag) =	ssettag $0x2  }
0x54: {  	s0 =	rddreg [dreg:$0x0];
	s2 =	stileid.u32  }
0x55: {  	s1 =	rddreg [dreg:$0x1];
	p0 =	sne.s32 s2, $0x0  }
0x56: {  	s3 =	rddreg [dreg:$0x2];
	[bflag:$0x3] =	sbarrier.arrive $0xFFFF;
	s2 =	simm.s32 @!p0 $0x1C01  }
0x57: {  	[timem:s3], [sflag:s2] =	dma.local @!p0 [hbm:s0], s1  }
0x58: {  	s0 =	simm.s32 @!p0 $0x1  }
0x59: {  	_ =	swait.ge @!p0 [sflag:s0], s1  }
0x5a: {  	s1 =	ssub.s32 @!p0 $0x0, s1;
	[sflag:s0] =	ssyncset.done @!p0 $0x0  }
0x5b: {  	[sflag:s0] =	ssyncadd.s32 @!p0 s1  }
0x5c: {  	[bflag:$0x3] =	sbarrier.arrive $0xFFFF  }
0x5d: {  	_ =	shalt  }

// kernel: kernel.13.cloned.1.call-start
scs
__scs_entry_jumppad:
0x0: {  	(pc) =	sbr.rel $0x88, $3  }
0x1: {  	(tag) =	ssettag $0x0;
	lr =	simm.s32 $0x1  }
0x2: {  	[smem:$0x3F9C] =	sst lr;
	_ =	strace $0xD0000000  }
0x3: {  	_ = 	snop  }
0x4: {  	_ = 	snop  }
0x5: {  	_ = 	snop  }
0x6: {  	_ = 	snop  }
0x7: {  	_ = 	snop  }
__scs_overlays_trampoline_lowered:
0x8: {  	[smem:$0x3FAB] =	sst s0  }
0x9: {  	[smem:$0x3FAC] =	sst s1  }
0xa: {  	[smem:$0x3FAD] =	sst s2  }
0xb: {  	[smem:$0x3FAE] =	sst s3  }
0xc: {  	[smem:$0x3FAF] =	sst s4  }
0xd: {  	[smem:$0x3FB0] =	sst s5  }
0xe: {  	[smem:$0x3FB1] =	sst s6  }
0xf: {  	[smem:$0x3FB2] =	sst s7  }
0x10: {  	[smem:$0x3FB3] =	sst s8  }
0x11: {  	[smem:$0x3FB4] =	sst s9;
	s0 =	simm.s32 @!p0 $0x0  }
0x12: {  	s1 =	sld [smem:$0x3F9A];
	s0 =	simm.s32 @p0 $0x1  }
0x13: {  	[smem:$0x3FB5] =	sst s0;
	s0 =	simm.s32 @!p1 $0x0  }
0x14: {  	s2 =	sld [smem:$0x3F99];
	s0 =	simm.s32 @p1 $0x1  }
0x15: {  	[smem:$0x3FB6] =	sst s0;
	s0 =	simm.s32 @!p2 $0x0  }
0x16: {  	s3 =	sld [smem:$0x3FDB];
	s0 =	simm.s32 @p2 $0x1  }
0x17: {  	s4 =	simm.s32 $0x1BF5;
	[smem:$0x3FB8] =	sst s0  }
0x18: {  	s0 =	sld [smem:$0x3F9B];
	_ =	swait.ge [sflag:s4], $0x0  }
0x19: {  	s7 =	sld [smem:$0x3F9C]  }
0x1a: {  	s8 =	sadd.s32 $0xFFFFE003, lr  }
0x1b: {  	s9 =	sadd.s32 $0xFFFFFEF7, lr;
	s5 =	simm.s32 $0xFFFFFFFF;
	p2 =	slt.u32 s8, $0xFFFFF086  }
0x1c: {  	p1 =	slt.u32 s9, $0xF7A;
	s5 =	simm.s32 @!p2 $0x0  }
0x1d: {  	s5 =	simm.s32 @p1 $0x1;
	p0 =	seq.s32 s7, s2  }
0x1e: {  	s7 =	smul.u32 @!p0 $0xF7A, s2;
	p2 =	seq.s32 @!p0 s5, $0x0  }
0x1f: {  	s9 =	smul.u32 $0xF7A, s1;
	s8 =	simm.s32 @!p0 $0x1BF5;
	p2 =	por !p2, p0  }
0x20: {  	[sflag:s8] =	ssyncset.s32 @!p0 $0xFFFFF086;
	s6 =	sadd.s32 @!p0 s3, s7;
	s7 =	simm.s32 @!p0 $0x108  }
0x21: {  	s3 =	sadd.s32 s3, s9;
	s6 =	sadd.s32 @!p0 $0x88, s6;
	s7 =	simm.s32 @p2 $0x1082  }
0x22: {  	[simem:s7], [sflag:s8] =	dma.local @!p0 [hbm:s6], $0xF7A  }
0x23: {  	s9 =	sor.u32 $0xD0000000, s2;
	s6 =	simm.s32 $0x108;
	_ =	swait.ge @!p0 [sflag:s8], $0x0  }
0x24: {  	s3 =	sadd.s32 $0x88, s3;
	s6 =	simm.s32 @!p1 $0x1082;
	[sflag:s4] =	ssyncset.s32 $0xFFFFF086  }
0x25: {  	[simem:s6], [sflag:s4] =	dma.local [hbm:s3], $0xF7A  }
0x26: {  	[smem:$0x3F9C] =	sst s1;
	(tag) =	ssettag s2;
	_ =	strace s9  }
0x27: {  	s1 =	sld [smem:$0x3FAC]  }
0x28: {  	s2 =	sld [smem:$0x3FAD]  }
0x29: {  	s4 =	sld [smem:$0x3FAF]  }
0x2a: {  	p0 =	seq.s32 s5, $0x0;
	s5 =	sld [smem:$0x3FB0]  }
0x2b: {  	s6 =	sld [smem:$0x3FB1]  }
0x2c: {  	s7 =	sld [smem:$0x3FB2]  }
0x2d: {  	s3 =	simm.s32 $0x108;
	s8 =	sld [smem:$0x3FB3]  }
0x2e: {  	s3 =	simm.s32 @!p0 $0x1082;
	s9 =	sld [smem:$0x3FB4]  }
0x2f: {  	lr =	sadd.s32 s0, s3;
	s0 =	sld [smem:$0x3FAB]  }
0x30: {  	s3 =	sld [smem:$0x3FAE]  }
0x31: {  	[smem:$0x3FB7] =	sst s10  }
0x32: {  	s10 =	sld [smem:$0x3FB5];
	_ =	sdelay $0x3  }
0x33: {  	p0 =	seq.s32 s10, $0x1;
	s10 =	sld [smem:$0x3FB7];
	_ =	sdelay $0x3  }
0x34: {  	[smem:$0x3FB7] =	sst s10  }
0x35: {  	s10 =	sld [smem:$0x3FB6];
	_ =	sdelay $0x3  }
0x36: {  	p1 =	seq.s32 s10, $0x1;
	s10 =	sld [smem:$0x3FB7];
	_ =	sdelay $0x3  }
0x37: {  	[smem:$0x3FB7] =	sst s10  }
0x38: {  	s10 =	sld [smem:$0x3FB8]  }
0x39: {  	_ = 	snop;
	(pc) =	sbr.ind lr, $3  }
0x3a: {  	_ = 	snop  }
0x3b: {  	_ = 	snop  }
0x3c: {  	p2 =	seq.s32 s10, $0x1;
	s10 =	sld [smem:$0x3FB7]  }
0x3d: {  	_ =	shalt  }
0x3e: {  	_ =	shalt  }
0x3f: {  	_ =	shalt  }
0x40: {  	_ =	shalt  }
0x41: {  	_ =	shalt  }
0x42: {  	_ =	shalt  }
0x43: {  	_ =	shalt  }
0x44: {  	_ =	shalt  }
0x45: {  	_ =	shalt  }
0x46: {  	_ =	shalt  }
0x47: {  	_ =	shalt  }
0x48: {  	_ =	shalt  }
0x49: {  	_ =	shalt  }
0x4a: {  	_ =	shalt  }
0x4b: {  	_ =	shalt  }
0x4c: {  	_ =	shalt  }
0x4d: {  	_ =	shalt  }
0x4e: {  	_ =	shalt  }
0x4f: {  	_ =	shalt  }
0x50: {  	_ =	shalt  }
0x51: {  	_ =	shalt  }
0x52: {  	_ =	shalt  }
0x53: {  	_ =	shalt  }
0x54: {  	_ =	shalt  }
0x55: {  	_ =	shalt  }
0x56: {  	_ =	shalt  }
0x57: {  	_ =	shalt  }
0x58: {  	_ =	shalt  }
0x59: {  	_ =	shalt  }
0x5a: {  	_ =	shalt  }
0x5b: {  	_ =	shalt  }
0x5c: {  	_ =	shalt  }
0x5d: {  	_ =	shalt  }
0x5e: {  	_ =	shalt  }
0x5f: {  	_ =	shalt  }
0x60: {  	_ =	shalt  }
0x61: {  	_ =	shalt  }
0x62: {  	_ =	shalt  }
0x63: {  	_ =	shalt  }
0x64: {  	_ =	shalt  }
0x65: {  	_ =	shalt  }
0x66: {  	_ =	shalt  }
0x67: {  	_ =	shalt  }
0x68: {  	_ =	shalt  }
0x69: {  	_ =	shalt  }
0x6a: {  	_ =	shalt  }
0x6b: {  	_ =	shalt  }
0x6c: {  	_ =	shalt  }
0x6d: {  	_ =	shalt  }
0x6e: {  	_ =	shalt  }
0x6f: {  	_ =	shalt  }
0x70: {  	_ =	shalt  }
0x71: {  	_ =	shalt  }
0x72: {  	_ =	shalt  }
0x73: {  	_ =	shalt  }
0x74: {  	_ =	shalt  }
0x75: {  	_ =	shalt  }
0x76: {  	_ =	shalt  }
0x77: {  	_ =	shalt  }
0x78: {  	_ =	shalt  }
0x79: {  	_ =	shalt  }
0x7a: {  	_ =	shalt  }
0x7b: {  	_ =	shalt  }
0x7c: {  	_ =	shalt  }
0x7d: {  	_ =	shalt  }
0x7e: {  	_ =	shalt  }
0x7f: {  	_ =	shalt  }
0x80: {  	_ =	shalt  }
0x81: {  	_ =	shalt  }
0x82: {  	_ =	shalt  }
0x83: {  	_ =	shalt  }
0x84: {  	_ =	shalt  }
0x85: {  	_ =	shalt  }
0x86: {  	_ =	shalt  }
0x87: {  	_ =	shalt  }
.Lfunc_end0:
.L_simem_size_0:
called_computation.2_lowered:
.L_overlay_start_0:
0x88: {  	s2 =	sld [smem:$0x3FD9]  }
0x89: {  	s3 =	sld [smem:$0x3FFE];
	_ =	sdelay $0x1  }
0x8a: {  	s1 =	srdreg.scid  }
0x8b: {  	s0 =	sand.u32 $0x1, s1  }
0x8c: {  	s16 =	sshll.u32 s0, $0xA;
	s2 =	sadd.s32 s3, s2  }
0x8d: {  	s2 =	sadd.s32 s2, s16  }
0x8e: {  	[smem:$0x3FC3] =	sst s2  }
0x8f: {  	_ = 	snop  }
0x90: {  	(tm) =	ssettm $0x1  }
0x91: {  	s17 =	sld [smem:$0x3FFB];
	_ =	sdelay $0x3  }
0x92: {  	_ =	strace s17  }
0x93: {  	s2 =	sld [smem:$0x3FFC];
	_ =	sdelay $0x3  }
0x94: {  	_ =	strace s2  }
0x95: {  	s2 =	sld [smem:$0x3FFD];
	_ =	sdelay $0x3  }
0x96: {  	_ =	strace s2  }
0x97: {  	_ =	strace $0x8FFFFFFF  }
0x98: {  	s18 =	sld [smem:$0x3FDB];
	_ =	sdelay $0x1  }
0x99: {  	s19 =	simm.s32 $_scs_section_size  }
0x9a: {  	s4 =	simm.s32 $_size__tile_overlayer_lowered;
	s5 =	simm.s32 $_tile_overlayer_lowered  }
0x9b: {  	s22 =	simm.s32 $0x1BFF;
	s21 =	sshll.u32 s5, $0x1;
	s2 =	sadd.s32 s19, s18  }
0x9c: {  	s6 =	simm.s32 $0x0;
	s20 =	sshll.u32 s4, $0x1;
	s4 =	sadd.s32 s21, s2  }
0x9d: {  	[timem:s6], [sflag:s22] =	dma.local [hbm:s4], s20  }
0x9e: {  	_ =	swait.ge [sflag:s22], s20  }
0x9f: {  	s3 =	ssub.s32 $0x0, s20;
	[sflag:s22] =	ssyncset.done $0x0  }
0xa0: {  	[sflag:s22] =	ssyncadd.s32 s3;
	_ =	sdelay $0x1  }
0xa1: {  	s23 =	simm.s32 $0x1B8B  }
0xa2: {  	_ =	swait.ge [sflag:s23], $0x1  }
0xa3: {  	[sflag:s23] =	ssyncset.done $0x0  }
0xa4: {  	s25 =	simm.s32 $0x1B8E;
	s24 =	sld [smem:$0x3FFE];
	[sflag:s23] =	ssyncadd.s32 $0xFFFFFFFF  }
0xa5: {  	s26 =	simm.s32 $execute0_lowered;
	[smem:$0x3FD2] =	sst s25  }
0xa6: {  	s4 =	sshll.u32 s26, $0x1;
	_ =	strace $0x8000004C;
	[dreg:$0x1] =	wrdreg $0xFFFFFFFF  }
0xa7: {  	s28 =	simm.s32 $_size_execute0_lowered;
	s2 =	sadd.s32 s2, s4;
	[dreg:$0x0] =	wrdreg $0x0  }
0xa8: {  	s4 =	sshll.u32 s28, $0x1;
	[dreg:$0x2] =	wrdreg s2  }
0xa9: {  	[dreg:$0x3] =	wrdreg s4  }
0xaa: {  	[dreg:$0x4] =	wrdreg $0xC0  }
0xab: {  	_ =	task [dreg:s6], $0x5FFFF  }
0xac: {  	[dreg:$0x1] =	wrdreg $0xFFFFFFFF  }
0xad: {  	[dreg:$0x0] =	wrdreg $0x60  }
0xae: {  	[dreg:$0x2] =	wrdreg s24  }
0xaf: {  	[dreg:$0x3] =	wrdreg $0x9  }
0xb0: {  	_ =	task.clear_ibuf [dreg:s6], $0x4FFFF;
	_ =	strace $0x9000004C  }
0xb1: {  	s29 =	simm.s32 $0x9;
	_ =	strace $0x8000004E  }
0xb2: {  	_ =	swait.ge [sflag:s29], $0x1  }
0xb3: {  	[sflag:s29] =	ssyncadd.s32 $0xFFFFFFFF  }
0xb4: {  	_ =	strace $0x9000004E  }
0xb5: {  	_ =	sfence  }
0xb6: {  	s30 =	sld [smem:$0x0];
	_ =	sdelay $0x2  }
0xb7: {  	s31 =	sshll.u32 s1, $0xD;
	s1 =	sshrl.u32 s1, $0x2  }
0xb8: {  	s3 =	sand.u32 $0x4000, s31;
	s1 =	sadd.s32 s1, s30  }
0xb9: {  	s0 =	sor.u32 s3, s0;
	s1 =	sshll.u32 s1, $0x11  }
0xba: {  	s0 =	sor.u32 s1, s0  }
0xbb: {  	s0 =	sadd.s32 $0x8F2B, s0  }
0xbc: {  	[sflag:s0] =	ssyncadd.remote.s32 $0x1  }
0xbd: {  	_ =	sfence.sel $0xFFFF  }
0xbe: {  	[dreg:$0x0] =	wrdreg $0xFFFFFFFF;
	(pc) =	sbr.abs _section_cstart, $3  }
0xbf: {  	[dreg:$0x1] =	wrdreg $0xFFFFFFFF  }
0xc0: {  	_ =	task.clear_ibuf [dreg:s6], $0x2FFFF;
	_ =	strace $0x9FFFFFFF  }
0xc1: {  	(tm) =	ssettm $0x7FFFFFFF  }
tec
execute0_lowered:
.L_overlay_start_1:
0x0: {  	(tag) =	ssettag $0x1  }
0x1: {  	s1 =	srdreg.scid  }
0x2: {  	s0 =	stileid.u32;
	s9 =	rddreg [dreg:$0x0];
	s2 =	simm.s32 $0x0  }
0x3: {  	s13 =	simm.s32 $0x400;
	s14 =	simm.s32 $0x3;
	s15 =	simm.s32 $0x9E00  }
0x4: {  	s16 =	simm.s32 $0xAE00;
	s17 =	simm.s32 $0xBE00;
	s18 =	simm.s32 $0xCE00  }
0x5: {  	s19 =	simm.s32 $0xDE00;
	s20 =	simm.s32 $0xEE00;
	s21 =	simm.s32 $0x1  }
0x6: {  	s22 =	simm.s32 $0x2;
	s23 =	simm.s32 $0xFE00;
	s24 =	simm.s32 $0x0  }
0x7: {  	s5 =	sand.u32 $0x1, s1;
	s3 =	smul.u32 $0x13C00, s0;
	s1 =	rddreg [dreg:$0x1]  }
0x8: {  	[smem:$0x7FF] =	sst s2;
	s31 =	sshll.u32 s0, $0x5;
	s4 =	sshll.u32 s5, $0x9  }
0x9: {  	_ =	strace $0x8000004D;
	s7 =	ssub.s32 $0x2, s5;
	s8 =	sshll.u32 s5, $0x4  }
0xa: {  	s5 =	sadd.s32 $0x6000, s9;
	s3 =	sor.u32 s4, s3;
	s4 =	sadd.s32 $0xF600, s9  }
.Ltmp0:
0xb: {  	s10 =	sshrl.u32 s7, $0x1;
	s11 =	sadd.s32 s8, s9;
	(pc) =	sbr.rel .LBB2_1-.Ltmp0, $4  }
0xc: {  	s8 =	sadd.s32 $0xF800, s9;
	s3 =	sshrl.u32 s3, $0x3;
	s12 =	ssub.s32 s7, s10  }
0xd: {  	s7 =	sadd.s32 $0x800, s9;
	s10 =	sadd.s32 s31, s11;
	s6 =	sadd.s32 s3, s9  }
0xe: {  	s3 =	sadd.s32 $0x600, s9;
	s9 =	sadd.s32 $0x6200, s9;
	s10 =	sadd.s32 $0x5A00, s10  }
0xf: {  	s11 =	smax.u32 s12, $0x1;
	s12 =	simm.s32 $0x200;
	s6 =	sadd.s32 $0x14600, s6  }
.LBB2_8:
0x10: {  	s24 =	sadd.s32 $0x1, s24  }
0x11: {  	p0 =	sne.s32 s24, s11  }
.Ltmp1:
0x12: {  	[tilespmem:$0xFE00] =	vst v0;
	(pc) =	sbr.rel @!p0 .LBB2_9-.Ltmp1, $4  }
0x13: {  	[hbm4b:s10+s2] =	stream.linear.scatter [tilespmem:s23], [sflag:$0x3], $0x80, $0x38;
	[tilespmem:$0xFE80] =	vst v63  }
0x14: {  	_ =	swait.ge [sflag:s14], $0x80  }
0x15: {  	[sflag:s14] =	ssyncset.done $0x0  }
0x16: {  	[sflag:s14] =	ssyncadd.s32 $0xFFFFFF80  }
.LBB2_1:
0x17: {  	[tilespmem:s2], [sflag:$0x3] =	stream.strided.gather [hbm4b:s6+s12], $0x9E00, s13, s12, $0x38;
	[tilespmem:$0xFE80] =	vst v63  }
0x18: {  	_ =	swait.ge [sflag:s14], $0x9E00  }
0x19: {  	[sflag:s14] =	ssyncset.done $0x0  }
0x1a: {  	[sflag:s14] =	ssyncadd.s32 $0xFFFF6200  }
0x1b: {  	[tilespmem:s15], [sflag:$0x1] =	stream.linear.gather [hbm4b:s3+s2], $0x1000, $0x38;
	[tilespmem:$0xFE80] =	vst v63  }
0x1c: {  	_ = 	snop  }
0x1d: {  	[tilespmem:s16], [sflag:$0x1] =	stream.linear.gather [hbm4b:s4+s2], $0x1000, $0x38;
	[tilespmem:$0xFE80] =	vst v63  }
0x1e: {  	_ = 	snop  }
0x1f: {  	[tilespmem:s17], [sflag:$0x1] =	stream.linear.gather [hbm4b:s5+s2], $0x1000, $0x38;
	[tilespmem:$0xFE80] =	vst v63  }
0x20: {  	_ = 	snop  }
0x21: {  	[tilespmem:s18], [sflag:$0x2] =	stream.linear.gather [hbm4b:s7+s2], $0x1000, $0x38;
	[tilespmem:$0xFE80] =	vst v63  }
0x22: {  	_ = 	snop  }
0x23: {  	[tilespmem:s19], [sflag:$0x2] =	stream.linear.gather [hbm4b:s8+s2], $0x1000, $0x38;
	[tilespmem:$0xFE80] =	vst v63  }
0x24: {  	s25 =	simm.s32 $0x0  }
0x25: {  	v0 =	vimm.f32 $0.0e+00;
	[tilespmem:s20], [sflag:$0x2] =	stream.linear.gather [hbm4b:s9+s2], $0x1000, $0x38;
	[tilespmem:$0xFE80] =	vst v63  }
.LBB2_2:
0x26: {  	_ =	swait.ge [sflag:s21], $0x1000  }
0x27: {  	[sflag:s21] =	ssyncset.done $0x0  }
0x28: {  	[sflag:s21] =	ssyncadd.s32 $0xFFFFF000  }
0x29: {  	_ =	swait.ge [sflag:s21], $0x1000  }
0x2a: {  	[sflag:s21] =	ssyncset.done $0x0  }
0x2b: {  	[sflag:s21] =	ssyncadd.s32 $0xFFFFF000  }
0x2c: {  	_ =	swait.ge [sflag:s21], $0x1000  }
0x2d: {  	[sflag:s21] =	ssyncset.done $0x0  }
0x2e: {  	s28 =	simm.s32 $0x9E20;
	[sflag:s21] =	ssyncadd.s32 $0xFFFFF000  }
0x2f: {  	s26 =	simm.s32 $0xAE20;
	v1 =	vld [tilespmem:s28+$0x10]  }
0x30: {  	v2 =	vld [tilespmem:s26+$0x10]  }
0x31: {  	v3 =	vld [tilespmem:s28+$0x0]  }
0x32: {  	v4 =	vld [tilespmem:s26+$0x0]  }
0x33: {  	v5 =	vld [tilespmem:s28+$0xFFFFFFF0]  }
0x34: {  	v6 =	vld [tilespmem:s26+$0xFFFFFFF0];
	_ =	sdelay $0x1  }
0x35: {  	v7 =	vand.u32 $0x7F, v1;
	v1 =	vshll.u32 v1, $0x2  }
0x36: {  	v8 =	vand.u32 $0x7F, v2;
	v2 =	vshll.u32 v2, $0x2;
	v9 =	vand.u32 $0x7F, v3  }
0x37: {  	v11 =	vld [tilespmem:s28+$0xFFFFFFE0];
	v3 =	vshll.u32 v3, $0x2;
	v10 =	vand.u32 $0x7F, v4;
	v4 =	vshll.u32 v4, $0x2  }
0x38: {  	v14 =	vld [tilespmem:s26+$0xFFFFFFE0];
	v12 =	vand.u32 $0x7F, v5;
	v13 =	vand.u32 $0x7F, v6;
	v1 =	vand.u32 $0xFFFFFE00, v1  }
0x39: {  	v5 =	vshll.u32 v5, $0x2;
	v2 =	vand.u32 $0xFFFFFE00, v2;
	v1 =	vor.u32 v7, v1  }
0x3a: {  	v6 =	vshll.u32 v6, $0x2;
	v3 =	vand.u32 $0xFFFFFE00, v3;
	v2 =	vor.u32 v8, v2  }
0x3b: {  	v4 =	vand.u32 $0xFFFFFE00, v4;
	v5 =	vand.u32 $0xFFFFFE00, v5;
	v3 =	vor.u32 v9, v3  }
0x3c: {  	v6 =	vand.u32 $0xFFFFFE00, v6;
	v7 =	vand.u32 $0x7F, v11;
	v4 =	vor.u32 v10, v4  }
0x3d: {  	v8 =	vshll.u32 v11, $0x2;
	v5 =	vor.u32 v12, v5;
	v9 =	vshll.u32 v14, $0x2  }
0x3e: {  	v6 =	vor.u32 v13, v6;
	v8 =	vand.u32 $0xFFFFFE00, v8;
	v9 =	vand.u32 $0xFFFFFE00, v9;
	v10 =	vld.idx.msk [tilespmem:v1+s2+$0x0], $0xffff  }
0x3f: {  	v13 =	vor.u32 $0x180, v1;
	v7 =	vor.u32 v7, v8;
	v8 =	vand.u32 $0x7F, v14;
	v11 =	vld.idx.msk [tilespmem:v2+s2+$0x0], $0xffff  }
0x40: {  	v15 =	vor.u32 $0x180, v2;
	v8 =	vor.u32 v8, v9;
	v9 =	vld.idx.msk [tilespmem:v3+s2+$0x0], $0xffff  }
0x41: {  	v17 =	vor.u32 $0x180, v3;
	v12 =	vld.idx.msk [tilespmem:v4+s2+$0x0], $0xffff  }
0x42: {  	v19 =	vor.u32 $0x180, v4;
	v14 =	vld.idx.msk [tilespmem:v5+s2+$0x0], $0xffff  }
0x43: {  	v21 =	vor.u32 $0x180, v5;
	v16 =	vld.idx.msk [tilespmem:v6+s2+$0x0], $0xffff  }
0x44: {  	v22 =	vor.u32 $0x180, v6;
	v13 =	vld.idx.msk [tilespmem:v13+s2+$0x0], $0xffff  }
0x45: {  	v15 =	vld.idx.msk [tilespmem:v15+s2+$0x0], $0xffff  }
0x46: {  	v23 =	vor.u32 $0x100, v1;
	v24 =	vor.u32 $0x100, v2;
	v27 =	vor.u32 $0x100, v3;
	v17 =	vld.idx.msk [tilespmem:v17+s2+$0x0], $0xffff  }
0x47: {  	v28 =	vor.u32 $0x100, v4;
	v29 =	vor.u32 $0x100, v5;
	v30 =	vor.u32 $0x100, v6;
	v19 =	vld.idx.msk [tilespmem:v19+s2+$0x0], $0xffff  }
0x48: {  	v25 =	vor.u32 $0x180, v7;
	v31 =	vor.u32 $0x100, v7;
	v26 =	vor.u32 $0x180, v8;
	v21 =	vld.idx.msk [tilespmem:v21+s2+$0x0], $0xffff  }
0x49: {  	v32 =	vor.u32 $0x100, v8;
	v1 =	vor.u32 $0x80, v1;
	v2 =	vor.u32 $0x80, v2;
	v22 =	vld.idx.msk [tilespmem:v22+s2+$0x0], $0xffff  }
0x4a: {  	v5 =	vor.u32 $0x80, v5;
	v3 =	vor.u32 $0x80, v3;
	v4 =	vor.u32 $0x80, v4;
	v18 =	vld.idx.msk [tilespmem:v7+s2+$0x0], $0xffff  }
0x4b: {  	v6 =	vor.u32 $0x80, v6;
	v7 =	vor.u32 $0x80, v7;
	v20 =	vld.idx.msk [tilespmem:v8+s2+$0x0], $0xffff;
	v8 =	vor.u32 $0x80, v8  }
0x4c: {  	v23 =	vld.idx.msk [tilespmem:v23+s2+$0x0], $0xffff;
	v33 =	vunpack.i.u.bf16.f32 v10;
	v10 =	vunpack.i.l.bf16.f32 v10;
	v34 =	vunpack.i.u.bf16.f32 v11  }
0x4d: {  	v24 =	vld.idx.msk [tilespmem:v24+s2+$0x0], $0xffff;
	v35 =	vunpack.i.u.bf16.f32 v9;
	v9 =	vunpack.i.l.bf16.f32 v9;
	v11 =	vunpack.i.l.bf16.f32 v11  }
0x4e: {  	v27 =	vld.idx.msk [tilespmem:v27+s2+$0x0], $0xffff;
	v36 =	vunpack.i.u.bf16.f32 v14;
	v37 =	vunpack.i.u.bf16.f32 v12;
	v12 =	vunpack.i.l.bf16.f32 v12  }
0x4f: {  	v28 =	vld.idx.msk [tilespmem:v28+s2+$0x0], $0xffff;
	v14 =	vunpack.i.l.bf16.f32 v14;
	v38 =	vunpack.i.u.bf16.f32 v16;
	v16 =	vunpack.i.l.bf16.f32 v16  }
0x50: {  	v29 =	vld.idx.msk [tilespmem:v29+s2+$0x0], $0xffff;
	v41 =	vunpack.i.u.bf16.f32 v13;
	v42 =	vunpack.i.u.bf16.f32 v15;
	v43 =	vunpack.i.u.bf16.f32 v17  }
0x51: {  	v30 =	vld.idx.msk [tilespmem:v30+s2+$0x0], $0xffff;
	v44 =	vunpack.i.u.bf16.f32 v19;
	v13 =	vunpack.i.l.bf16.f32 v13;
	v45 =	vunpack.i.u.bf16.f32 v21  }
0x52: {  	v46 =	vunpack.i.u.bf16.f32 v22;
	v15 =	vunpack.i.l.bf16.f32 v15;
	v17 =	vunpack.i.l.bf16.f32 v17  }
0x53: {  	v19 =	vunpack.i.l.bf16.f32 v19;
	v47 =	vunpack.i.u.bf16.f32 v23;
	v50 =	vunpack.i.u.bf16.f32 v24  }
0x54: {  	v25 =	vld.idx.msk [tilespmem:v25+s2+$0x0], $0xffff;
	v21 =	vunpack.i.l.bf16.f32 v21;
	v22 =	vunpack.i.l.bf16.f32 v22;
	v51 =	vunpack.i.u.bf16.f32 v27  }
0x55: {  	v31 =	vld.idx.msk [tilespmem:v31+s2+$0x0], $0xffff;
	v52 =	vunpack.i.u.bf16.f32 v28;
	v23 =	vunpack.i.l.bf16.f32 v23;
	v24 =	vunpack.i.l.bf16.f32 v24  }
0x56: {  	v26 =	vld.idx.msk [tilespmem:v26+s2+$0x0], $0xffff;
	v53 =	vunpack.i.u.bf16.f32 v29;
	v54 =	vunpack.i.u.bf16.f32 v30;
	v27 =	vunpack.i.l.bf16.f32 v27  }
0x57: {  	v32 =	vld.idx.msk [tilespmem:v32+s2+$0x0], $0xffff;
	v28 =	vunpack.i.l.bf16.f32 v28;
	v10 =	vsub.f32 v10, v11;
	v11 =	vsub.f32 v33, v34  }
0x58: {  	v1 =	vld.idx.msk [tilespmem:v1+s2+$0x0], $0xffff;
	v29 =	vunpack.i.l.bf16.f32 v29;
	v9 =	vsub.f32 v9, v12;
	v12 =	vsub.f32 v14, v16  }
0x59: {  	v55 =	vld.idx.msk [tilespmem:v5+s2+$0x0], $0xffff;
	v30 =	vunpack.i.l.bf16.f32 v30;
	v16 =	vsub.f32 v35, v37;
	v5 =	vsub.f32 v47, v50  }
0x5a: {  	v59 =	vld.idx.msk [tilespmem:v6+s2+$0x0], $0xffff;
	v39 =	vunpack.i.u.bf16.f32 v18;
	v6 =	vsub.f32 v21, v22;
	v51 =	vsub.f32 v51, v52  }
0x5b: {  	v2 =	vld.idx.msk [tilespmem:v2+s2+$0x0], $0xffff;
	v18 =	vunpack.i.l.bf16.f32 v18;
	v23 =	vsub.f32 v23, v24;
	v24 =	vsub.f32 v53, v54  }
0x5c: {  	v3 =	vld.idx.msk [tilespmem:v3+s2+$0x0], $0xffff;
	v29 =	vsub.f32 v29, v30;
	v40 =	vunpack.i.u.bf16.f32 v20;
	v20 =	vunpack.i.l.bf16.f32 v20  }
0x5d: {  	v4 =	vld.idx.msk [tilespmem:v4+s2+$0x0], $0xffff;
	v48 =	vunpack.i.u.bf16.f32 v25;
	v25 =	vunpack.i.l.bf16.f32 v25;
	v56 =	vunpack.i.u.bf16.f32 v31  }
0x5e: {  	v31 =	vunpack.i.l.bf16.f32 v31;
	v9 =	vmul.f32 v9, v9;
	v16 =	vmul.f32 v16, v16  }
0x5f: {  	v49 =	vunpack.i.u.bf16.f32 v26;
	v26 =	vunpack.i.l.bf16.f32 v26;
	v60 =	vunpack.i.u.bf16.f32 v32  }
0x60: {  	v32 =	vunpack.i.l.bf16.f32 v32;
	v18 =	vsub.f32 v18, v20;
	v20 =	vsub.f32 v36, v38  }
0x61: {  	v35 =	vsub.f32 v39, v40;
	v57 =	vunpack.i.u.bf16.f32 v1;
	v58 =	vunpack.i.u.bf16.f32 v2  }
0x62: {  	v61 =	vunpack.i.u.bf16.f32 v3;
	v62 =	vunpack.i.u.bf16.f32 v4;
	v63 =	vunpack.i.l.bf16.f32 v1  }
0x63: {  	v33 =	vunpack.i.l.bf16.f32 v2;
	v14 =	vunpack.i.u.bf16.f32 v55;
	v1 =	vsub.f32 v41, v42  }
0x64: {  	v36 =	vunpack.i.l.bf16.f32 v3;
	v3 =	vsub.f32 v43, v44;
	v2 =	vsub.f32 v13, v15  }
0x65: {  	v37 =	vunpack.i.l.bf16.f32 v4;
	v15 =	vsub.f32 v45, v46;
	v4 =	vsub.f32 v17, v19  }
0x66: {  	v34 =	vunpack.i.u.bf16.f32 v59;
	v19 =	vsub.f32 v48, v49;
	v52 =	vsub.f32 v25, v26  }
0x67: {  	v7 =	vld.idx.msk [tilespmem:v7+s2+$0x0], $0xffff;
	v50 =	vunpack.i.l.bf16.f32 v55;
	v26 =	vsub.f32 v27, v28;
	v53 =	vsub.f32 v56, v60  }
0x68: {  	v8 =	vld.idx.msk [tilespmem:v8+s2+$0x0], $0xffff;
	v25 =	vunpack.i.l.bf16.f32 v59;
	v31 =	vsub.f32 v31, v32;
	v9 =	vadd.f32 v9, v16  }
0x69: {  	v56 =	vmul.f32 v10, v10;
	v54 =	vsub.f32 v57, v58;
	v55 =	vsub.f32 v61, v62  }
0x6a: {  	v57 =	vmul.f32 v11, v11;
	v33 =	vsub.f32 v63, v33;
	v58 =	vmul.f32 v12, v12  }
0x6b: {  	v18 =	vmul.f32 v18, v18;
	v20 =	vmul.f32 v20, v20;
	v14 =	vsub.f32 v14, v34  }
0x6c: {  	v59 =	vmul.f32 v35, v35;
	v11 =	vmul.f32 v51, v51;
	v60 =	vsub.f32 v36, v37  }
0x6d: {  	v13 =	vunpack.i.u.bf16.f32 v7;
	v7 =	vunpack.i.l.bf16.f32 v7;
	v27 =	vunpack.i.l.bf16.f32 v8  }
0x6e: {  	v10 =	vmul.f32 v19, v19;
	v12 =	vmul.f32 v52, v52;
	v7 =	vsub.f32 v7, v27  }
0x6f: {  	v19 =	vmul.f32 v53, v53;
	v17 =	vunpack.i.u.bf16.f32 v8;
	v8 =	vmul.f32 v15, v15  }
0x70: {  	v18 =	vadd.f32 v18, v59;
	v13 =	vsub.f32 v13, v17;
	v7 =	vmul.f32 v7, v7  }
0x71: {  	v15 =	vsub.f32 v50, v25;
	v61 =	vmul.f32 v55, v55;
	v16 =	vmul.f32 v60, v60  }
0x72: {  	v14 =	vmul.f32 v14, v14;
	v13 =	vmul.f32 v13, v13;
	v7 =	vadd.f32 v7, v18  }
0x73: {  	v25 =	vmul.f32 v54, v54;
	v15 =	vmul.f32 v15, v15;
	v18 =	vadd.f32 v58, v20  }
0x74: {  	v9 =	vadd.f32 v16, v9;
	v20 =	vmul.f32 v31, v31;
	v7 =	vadd.f32 v7, v13  }
0x75: {  	v16 =	vmul.f32 v33, v33;
	v13 =	vadd.f32 v15, v18;
	v15 =	vadd.f32 v56, v57  }
0x76: {  	s28 =	simm.s32 $0xBE20;
	v17 =	vmul.f32 v26, v26;
	v62 =	vadd.f32 v9, v61;
	v18 =	vadd.f32 v20, v7  }
0x77: {  	v9 =	vld [tilespmem:s28+$0x0];
	v13 =	vadd.f32 v13, v14;
	v20 =	vmul.f32 v29, v29;
	v63 =	vadd.f32 v16, v15  }
0x78: {  	v17 =	vadd.f32 v17, v62;
	v7 =	vld [tilespmem:s28+$0x10];
	v16 =	vmul.f32 v24, v24;
	v14 =	vadd.f32 v18, v19  }
0x79: {  	s29 =	simm.s32 $0x0;
	s30 =	simm.s32 $0x9E60;
	v15 =	vadd.f32 v20, v13;
	v13 =	vld [tilespmem:s28+$0xFFFFFFE0];
	v18 =	vadd.f32 v63, v25;
	v19 =	vmul.f32 v23, v23;
	v25 =	vmovc v0  }
.LBB2_3:
0x7a: {  	v5 =	vmul.f32 v5, v5  }
0x7b: {  	v20 =	vld [tilespmem:s30+$0x10];
	s26 =	sadd.s32 $0x40, s26;
	v12 =	vadd.f32 v12, v14;
	v14 =	vadd.f32 v15, v16;
	v6 =	vmul.f32 v6, v6  }
0x7c: {  	v4 =	vmul.f32 v4, v4;
	v11 =	vadd.f32 v17, v11;
	v16 =	vadd.f32 v19, v18;
	v17 =	vld [tilespmem:s26+$0x10]  }
0x7d: {  	v2 =	vmul.f32 v2, v2;
	v15 =	vld [tilespmem:s28+$0xFFFFFFF0];
	v10 =	vadd.f32 v12, v10;
	v6 =	vadd.f32 v6, v14  }
0x7e: {  	v3 =	vmul.f32 v3, v3;
	v1 =	vmul.f32 v1, v1;
	v12 =	vld [tilespmem:s30+$0x0];
	v4 =	vadd.f32 v4, v11  }
0x7f: {  	v5 =	vadd.f32 v16, v5;
	v14 =	vld [tilespmem:s26+$0x0];
	v10 =	vmul.f32 v10, v13;
	v6 =	vadd.f32 v6, v8  }
0x80: {  	v11 =	vand.u32 $0x7F, v20;
	v3 =	vadd.f32 v4, v3;
	v4 =	vshll.u32 v20, $0x2  }
0x81: {  	v2 =	vadd.f32 v2, v5;
	v13 =	vshll.u32 v17, $0x2;
	v4 =	vand.u32 $0xFFFFFE00, v4  }
0x82: {  	v5 =	vld [tilespmem:s26+$0xFFFFFFF0];
	v0 =	vadd.f32 v10, v25;
	v6 =	vmul.f32 v6, v15;
	v10 =	vand.u32 $0x7F, v17  }
0x83: {  	v3 =	vmul.f32 v3, v9;
	v1 =	vadd.f32 v2, v1;
	v4 =	vor.u32 v11, v4  }
0x84: {  	v8 =	vld [tilespmem:s30+$0xFFFFFFF0];
	v11 =	vand.u32 $0xFFFFFE00, v13;
	v2 =	vand.u32 $0x7F, v12;
	v9 =	vand.u32 $0x7F, v14  }
0x85: {  	v14 =	vshll.u32 v14, $0x2;
	v13 =	vor.u32 $0x180, v4;
	v23 =	vor.u32 $0x100, v4  }
0x86: {  	v0 =	vadd.f32 v6, v0;
	v6 =	vshll.u32 v12, $0x2;
	v12 =	vld [tilespmem:s30+$0xFFFFFFE0];
	v1 =	vmul.f32 v1, v7  }
0x87: {  	v7 =	vand.u32 $0x7F, v5;
	v6 =	vand.u32 $0xFFFFFE00, v6;
	v5 =	vshll.u32 v5, $0x2  }
0x88: {  	v15 =	vld [tilespmem:s26+$0xFFFFFFE0];
	v0 =	vadd.f32 v3, v0;
	v2 =	vor.u32 v2, v6;
	v6 =	vand.u32 $0xFFFFFE00, v14  }
0x89: {  	v3 =	vand.u32 $0x7F, v8;
	v6 =	vor.u32 v9, v6;
	v17 =	vor.u32 $0x180, v2  }
0x8a: {  	v27 =	vor.u32 $0x100, v2;
	v0 =	vadd.f32 v1, v0;
	v1 =	vshll.u32 v8, $0x2  }
0x8b: {  	v8 =	vor.u32 v10, v11;
	v10 =	vand.u32 $0x7F, v12;
	v1 =	vand.u32 $0xFFFFFE00, v1  }
0x8c: {  	v13 =	vld.idx.msk [tilespmem:v13+s2+$0x0], $0xffff;
	v9 =	vshll.u32 v12, $0x2;
	v1 =	vor.u32 v3, v1;
	v3 =	vand.u32 $0xFFFFFE00, v5  }
0x8d: {  	v23 =	vld.idx.msk [tilespmem:v23+s2+$0x0], $0xffff;
	v5 =	vand.u32 $0xFFFFFE00, v9;
	v9 =	vshll.u32 v15, $0x2;
	v3 =	vor.u32 v7, v3  }
0x8e: {  	v7 =	vld.idx.msk [tilespmem:v4+s2+$0x0], $0xffff;
	v5 =	vor.u32 v10, v5;
	v10 =	vand.u32 $0x7F, v15;
	v9 =	vand.u32 $0xFFFFFE00, v9  }
0x8f: {  	v19 =	vor.u32 $0x180, v6;
	v9 =	vor.u32 v10, v9;
	v10 =	vld.idx.msk [tilespmem:v2+s2+$0x0], $0xffff  }
0x90: {  	v28 =	vor.u32 $0x100, v6;
	v12 =	vld.idx.msk [tilespmem:v6+s2+$0x0], $0xffff  }
0x91: {  	v17 =	vld.idx.msk [tilespmem:v17+s2+$0x0], $0xffff  }
0x92: {  	v24 =	vor.u32 $0x100, v8;
	v15 =	vor.u32 $0x180, v8;
	v21 =	vor.u32 $0x180, v1;
	v27 =	vld.idx.msk [tilespmem:v27+s2+$0x0], $0xffff  }
0x93: {  	v29 =	vor.u32 $0x100, v1;
	v4 =	vor.u32 $0x80, v4;
	v22 =	vor.u32 $0x180, v3;
	v11 =	vld.idx.msk [tilespmem:v8+s2+$0x0], $0xffff  }
0x94: {  	v25 =	vor.u32 $0x180, v5;
	v30 =	vor.u32 $0x100, v3;
	v31 =	vor.u32 $0x100, v5;
	v19 =	vld.idx.msk [tilespmem:v19+s2+$0x0], $0xffff  }
0x95: {  	v2 =	vor.u32 $0x80, v2;
	v6 =	vor.u32 $0x80, v6;
	v26 =	vor.u32 $0x180, v9;
	v28 =	vld.idx.msk [tilespmem:v28+s2+$0x0], $0xffff  }
0x96: {  	v32 =	vor.u32 $0x100, v9;
	v8 =	vor.u32 $0x80, v8;
	v41 =	vunpack.i.u.bf16.f32 v13;
	v14 =	vld.idx.msk [tilespmem:v1+s2+$0x0], $0xffff  }
0x97: {  	v13 =	vunpack.i.l.bf16.f32 v13;
	v47 =	vunpack.i.u.bf16.f32 v23;
	v23 =	vunpack.i.l.bf16.f32 v23;
	v16 =	vld.idx.msk [tilespmem:v3+s2+$0x0], $0xffff  }
0x98: {  	v1 =	vor.u32 $0x80, v1;
	v18 =	vld.idx.msk [tilespmem:v5+s2+$0x0], $0xffff;
	v5 =	vor.u32 $0x80, v5;
	v3 =	vor.u32 $0x80, v3  }
0x99: {  	v33 =	vunpack.i.u.bf16.f32 v7;
	v7 =	vunpack.i.l.bf16.f32 v7;
	v20 =	vld.idx.msk [tilespmem:v9+s2+$0x0], $0xffff;
	v9 =	vor.u32 $0x80, v9  }
0x9a: {  	v24 =	vld.idx.msk [tilespmem:v24+s2+$0x0], $0xffff;
	v35 =	vunpack.i.u.bf16.f32 v10;
	v10 =	vunpack.i.l.bf16.f32 v10;
	v37 =	vunpack.i.u.bf16.f32 v12  }
0x9b: {  	v15 =	vld.idx.msk [tilespmem:v15+s2+$0x0], $0xffff;
	v12 =	vunpack.i.l.bf16.f32 v12;
	v43 =	vunpack.i.u.bf16.f32 v17;
	v17 =	vunpack.i.l.bf16.f32 v17  }
0x9c: {  	v21 =	vld.idx.msk [tilespmem:v21+s2+$0x0], $0xffff;
	v51 =	vunpack.i.u.bf16.f32 v27;
	v27 =	vunpack.i.l.bf16.f32 v27;
	v34 =	vunpack.i.u.bf16.f32 v11  }
0x9d: {  	v29 =	vld.idx.msk [tilespmem:v29+s2+$0x0], $0xffff;
	v11 =	vunpack.i.l.bf16.f32 v11;
	v44 =	vunpack.i.u.bf16.f32 v19;
	v19 =	vunpack.i.l.bf16.f32 v19  }
0x9e: {  	v4 =	vld.idx.msk [tilespmem:v4+s2+$0x0], $0xffff;
	v52 =	vunpack.i.u.bf16.f32 v28;
	v28 =	vunpack.i.l.bf16.f32 v28;
	v10 =	vsub.f32 v10, v12  }
0x9f: {  	v22 =	vld.idx.msk [tilespmem:v22+s2+$0x0], $0xffff;
	v50 =	vunpack.i.u.bf16.f32 v24;
	v24 =	vunpack.i.l.bf16.f32 v24;
	v7 =	vsub.f32 v7, v11  }
0xa0: {  	v25 =	vld.idx.msk [tilespmem:v25+s2+$0x0], $0xffff;
	v11 =	vsub.f32 v33, v34;
	v52 =	vsub.f32 v51, v52;
	v36 =	vunpack.i.u.bf16.f32 v14  }
0xa1: {  	v30 =	vld.idx.msk [tilespmem:v30+s2+$0x0], $0xffff;
	v14 =	vunpack.i.l.bf16.f32 v14;
	v23 =	vsub.f32 v23, v24;
	v38 =	vunpack.i.u.bf16.f32 v16  }
0xa2: {  	v31 =	vld.idx.msk [tilespmem:v31+s2+$0x0], $0xffff;
	v16 =	vunpack.i.l.bf16.f32 v16;
	v39 =	vunpack.i.u.bf16.f32 v18;
	v18 =	vunpack.i.l.bf16.f32 v18  }
0xa3: {  	v2 =	vld.idx.msk [tilespmem:v2+s2+$0x0], $0xffff;
	v42 =	vunpack.i.u.bf16.f32 v15;
	v45 =	vunpack.i.u.bf16.f32 v21;
	v15 =	vunpack.i.l.bf16.f32 v15  }
0xa4: {  	v6 =	vld.idx.msk [tilespmem:v6+s2+$0x0], $0xffff;
	v21 =	vunpack.i.l.bf16.f32 v21;
	v53 =	vunpack.i.u.bf16.f32 v29;
	v58 =	vunpack.i.u.bf16.f32 v4  }
0xa5: {  	[tilespmem:$0x1FFF0] =	vst v0;
	v57 =	vld.idx.msk [tilespmem:v3+s2+$0x0], $0xffff;
	v29 =	vunpack.i.l.bf16.f32 v29;
	v63 =	vunpack.i.l.bf16.f32 v4;
	v3 =	vsub.f32 v43, v44  }
0xa6: {  	v0 =	vld.idx.msk [tilespmem:v5+s2+$0x0], $0xffff;
	v4 =	vsub.f32 v17, v19;
	v5 =	vsub.f32 v47, v50;
	v7 =	vmul.f32 v7, v7  }
0xa7: {  	v26 =	vld.idx.msk [tilespmem:v26+s2+$0x0], $0xffff;
	v40 =	vunpack.i.u.bf16.f32 v20;
	v20 =	vunpack.i.l.bf16.f32 v20;
	v46 =	vunpack.i.u.bf16.f32 v22  }
0xa8: {  	v8 =	vld.idx.msk [tilespmem:v8+s2+$0x0], $0xffff;
	v48 =	vunpack.i.u.bf16.f32 v25;
	v22 =	vunpack.i.l.bf16.f32 v22;
	v25 =	vunpack.i.l.bf16.f32 v25  }
0xa9: {  	v32 =	vld.idx.msk [tilespmem:v32+s2+$0x0], $0xffff;
	v55 =	vunpack.i.u.bf16.f32 v30;
	v56 =	vunpack.i.u.bf16.f32 v31;
	v30 =	vunpack.i.l.bf16.f32 v30  }
0xaa: {  	v61 =	vunpack.i.u.bf16.f32 v2;
	v62 =	vunpack.i.u.bf16.f32 v6;
	v31 =	vunpack.i.l.bf16.f32 v31  }
0xab: {  	v12 =	vsub.f32 v14, v16;
	v16 =	vsub.f32 v35, v37;
	v35 =	vunpack.i.l.bf16.f32 v2  }
0xac: {  	v54 =	vld.idx.msk [tilespmem:v1+s2+$0x0], $0xffff;
	v1 =	vsub.f32 v41, v42;
	v2 =	vsub.f32 v13, v15;
	v49 =	vunpack.i.u.bf16.f32 v26  }
0xad: {  	v26 =	vunpack.i.l.bf16.f32 v26;
	v59 =	vunpack.i.u.bf16.f32 v8;
	v18 =	vsub.f32 v18, v20  }
0xae: {  	v60 =	vunpack.i.u.bf16.f32 v32;
	v20 =	vsub.f32 v36, v38;
	v34 =	vsub.f32 v39, v40  }
0xaf: {  	v36 =	vunpack.i.l.bf16.f32 v6;
	v15 =	vsub.f32 v45, v46;
	v6 =	vsub.f32 v21, v22  }
0xb0: {  	v8 =	vunpack.i.l.bf16.f32 v8;
	v24 =	vsub.f32 v53, v55;
	v29 =	vsub.f32 v29, v30  }
0xb1: {  	v32 =	vunpack.i.l.bf16.f32 v32;
	v19 =	vsub.f32 v48, v49;
	v55 =	vsub.f32 v58, v59  }
0xb2: {  	v58 =	vmul.f32 v11, v11;
	v59 =	vsub.f32 v63, v8;
	v31 =	vsub.f32 v31, v32  }
0xb3: {  	v16 =	vmul.f32 v16, v16;
	v11 =	vmul.f32 v52, v52;
	v14 =	vunpack.i.u.bf16.f32 v54  }
0xb4: {  	v9 =	vld.idx.msk [tilespmem:v9+s2+$0x0], $0xffff;
	v50 =	vunpack.i.l.bf16.f32 v54;
	v54 =	vsub.f32 v25, v26;
	v26 =	vsub.f32 v27, v28  }
0xb5: {  	v27 =	vsub.f32 v56, v60;
	v60 =	vmul.f32 v12, v12;
	v18 =	vmul.f32 v18, v18  }
0xb6: {  	v56 =	vsub.f32 v61, v62;
	v20 =	vmul.f32 v20, v20;
	v61 =	vmul.f32 v34, v34  }
0xb7: {  	v8 =	vmul.f32 v15, v15;
	v33 =	vunpack.i.u.bf16.f32 v57;
	v13 =	vunpack.i.u.bf16.f32 v0  }
0xb8: {  	v25 =	vunpack.i.l.bf16.f32 v57;
	v0 =	vunpack.i.l.bf16.f32 v0;
	v57 =	vmul.f32 v10, v10  }
0xb9: {  	v10 =	vmul.f32 v19, v19;
	v17 =	vunpack.i.u.bf16.f32 v9;
	v9 =	vunpack.i.l.bf16.f32 v9  }
0xba: {  	v19 =	vsub.f32 v35, v36;
	v63 =	vmul.f32 v55, v55;
	v0 =	vsub.f32 v0, v9  }
0xbb: {  	v12 =	vmul.f32 v54, v54;
	v15 =	vadd.f32 v18, v61;
	v13 =	vsub.f32 v13, v17  }
0xbc: {  	v18 =	vmul.f32 v27, v27;
	v9 =	vsub.f32 v50, v25;
	v0 =	vmul.f32 v0, v0  }
0xbd: {  	v14 =	vsub.f32 v14, v33;
	v62 =	vmul.f32 v56, v56;
	v13 =	vmul.f32 v13, v13  }
0xbe: {  	v9 =	vmul.f32 v9, v9;
	v0 =	vadd.f32 v0, v15;
	v15 =	vadd.f32 v60, v20  }
0xbf: {  	s29 =	sadd.s32 $0x4, s29;
	v16 =	vadd.f32 v57, v16;
	v19 =	vmul.f32 v19, v19;
	v20 =	vmul.f32 v31, v31  }
0xc0: {  	p0 =	slt.u32 s29, $0xFC;
	v0 =	vadd.f32 v0, v13;
	v9 =	vadd.f32 v9, v15;
	v13 =	vmul.f32 v14, v14  }
.Ltmp2:
0xc1: {  	v14 =	vadd.f32 v19, v16;
	v15 =	vadd.f32 v7, v58;
	v16 =	vmul.f32 v59, v59;
	(pc) =	sbr.rel @p0 .LBB2_3-.Ltmp2, $4  }
0xc2: {  	s28 =	sadd.s32 $0x40, s28;
	v25 =	vld [tilespmem:$0x1FFF0];
	v0 =	vadd.f32 v20, v0;
	v9 =	vadd.f32 v9, v13;
	v13 =	vmul.f32 v29, v29  }
0xc3: {  	v17 =	vmul.f32 v26, v26;
	v7 =	vld [tilespmem:s28+$0x10];
	v19 =	vadd.f32 v14, v62;
	v20 =	vadd.f32 v16, v15  }
0xc4: {  	v16 =	vmul.f32 v24, v24;
	v14 =	vadd.f32 v0, v18;
	v15 =	vadd.f32 v13, v9;
	v9 =	vld [tilespmem:s28+$0x0]  }
0xc5: {  	s30 =	sadd.s32 $0x40, s30;
	v13 =	vld [tilespmem:s28+$0xFFFFFFE0];
	v17 =	vadd.f32 v17, v19;
	v18 =	vadd.f32 v20, v63;
	v19 =	vmul.f32 v23, v23  }
0xc6: {  	p0 =	seq.s32 s25, $0x13  }
0xc7: {  	s26 =	sshll.u32 @!p0 s25, $0xA  }
0xc8: {  	s26 =	sadd.s32 @!p0 $0x400, s26  }
0xc9: {  	v0 =	vld [tilespmem:s28+$0xFFFFFFF0];
	s29 =	simm.s32 @!p0 $0x0;
	s30 =	simm.s32 @!p0 $0x9E00;
	s28 =	sadd.s32 @!p0 s3, s26  }
0xca: {  	[tilespmem:s30], [sflag:$0x1] =	stream.linear.gather @!p0 [hbm4b:s28+s29], $0x1000, $0x38;
	[tilespmem:$0xFE80] =	vst v63  }
0xcb: {  	s28 =	sadd.s32 @!p0 s4, s26;
	s30 =	simm.s32 @!p0 $0xAE00  }
0xcc: {  	[tilespmem:s30], [sflag:$0x1] =	stream.linear.gather @!p0 [hbm4b:s28+s29], $0x1000, $0x38;
	[tilespmem:$0xFE80] =	vst v63  }
0xcd: {  	s26 =	sadd.s32 @!p0 s5, s26;
	s28 =	simm.s32 @!p0 $0xBE00  }
0xce: {  	[tilespmem:s28], [sflag:$0x1] =	stream.linear.gather @!p0 [hbm4b:s26+s29], $0x1000, $0x38;
	[tilespmem:$0xFE80] =	vst v63  }
0xcf: {  	_ =	swait.ge [sflag:s22], $0x1000  }
0xd0: {  	[sflag:s22] =	ssyncset.done $0x0  }
0xd1: {  	[sflag:s22] =	ssyncadd.s32 $0xFFFFF000  }
0xd2: {  	_ =	swait.ge [sflag:s22], $0x1000  }
0xd3: {  	[sflag:s22] =	ssyncset.done $0x0  }
0xd4: {  	[sflag:s22] =	ssyncadd.s32 $0xFFFFF000  }
0xd5: {  	_ =	swait.ge [sflag:s22], $0x1000  }
0xd6: {  	v12 =	vadd.f32 v12, v14;
	[sflag:s22] =	ssyncset.done $0x0  }
0xd7: {  	v14 =	vadd.f32 v15, v16;
	v6 =	vmul.f32 v6, v6;
	v5 =	vmul.f32 v5, v5;
	s28 =	simm.s32 $0xCE20;
	[sflag:s22] =	ssyncadd.s32 $0xFFFFF000  }
0xd8: {  	v4 =	vmul.f32 v4, v4;
	v11 =	vadd.f32 v17, v11;
	v16 =	vadd.f32 v19, v18;
	s26 =	simm.s32 $0xDE20;
	v20 =	vld [tilespmem:s28+$0x10]  }
0xd9: {  	v3 =	vmul.f32 v3, v3;
	v10 =	vadd.f32 v12, v10;
	v6 =	vadd.f32 v6, v14;
	v21 =	vld [tilespmem:s26+$0x10]  }
0xda: {  	v2 =	vmul.f32 v2, v2;
	v5 =	vadd.f32 v16, v5;
	v4 =	vadd.f32 v4, v11;
	v15 =	vld [tilespmem:s28+$0x0]  }
0xdb: {  	v10 =	vmul.f32 v10, v13;
	v6 =	vadd.f32 v6, v8;
	v12 =	vld [tilespmem:s28+$0xFFFFFFF0]  }
0xdc: {  	v1 =	vmul.f32 v1, v1;
	v2 =	vadd.f32 v2, v5;
	v3 =	vadd.f32 v4, v3;
	v14 =	vld [tilespmem:s26+$0xFFFFFFF0]  }
0xdd: {  	v10 =	vadd.f32 v10, v25  }
0xde: {  	v0 =	vmul.f32 v6, v0;
	v3 =	vmul.f32 v3, v9;
	v1 =	vadd.f32 v2, v1  }
0xdf: {  	v17 =	vld [tilespmem:s26+$0x0];
	v8 =	vand.u32 $0x7F, v20;
	v13 =	vshll.u32 v20, $0x2;
	v16 =	vand.u32 $0x7F, v21  }
0xe0: {  	v18 =	vshll.u32 v21, $0x2;
	v19 =	vand.u32 $0x7F, v15;
	v15 =	vshll.u32 v15, $0x2  }
0xe1: {  	v22 =	vand.u32 $0x7F, v12;
	v23 =	vand.u32 $0x7F, v14;
	v13 =	vand.u32 $0xFFFFFE00, v13  }
0xe2: {  	v12 =	vshll.u32 v12, $0x2;
	v15 =	vand.u32 $0xFFFFFE00, v15;
	v8 =	vor.u32 v8, v13  }
0xe3: {  	v14 =	vshll.u32 v14, $0x2;
	v12 =	vand.u32 $0xFFFFFE00, v12;
	v15 =	vor.u32 v19, v15  }
0xe4: {  	v20 =	vand.u32 $0x7F, v17;
	v14 =	vand.u32 $0xFFFFFE00, v14;
	v12 =	vor.u32 v22, v12  }
0xe5: {  	v55 =	vld [tilespmem:s28+$0xFFFFFFE0];
	v17 =	vshll.u32 v17, $0x2;
	v13 =	vand.u32 $0xFFFFFE00, v18;
	v14 =	vor.u32 v23, v14  }
0xe6: {  	v0 =	vadd.f32 v0, v10;
	v24 =	vld [tilespmem:s26+$0xFFFFFFE0];
	v13 =	vor.u32 v16, v13;
	v16 =	vand.u32 $0xFFFFFE00, v17  }
0xe7: {  	v57 =	vor.u32 $0x180, v15;
	v16 =	vor.u32 v20, v16;
	v20 =	vld.idx.msk [tilespmem:v8+s2+$0x0], $0xffff  }
0xe8: {  	v1 =	vmul.f32 v1, v7;
	v0 =	vadd.f32 v3, v0;
	v59 =	vor.u32 $0x180, v12;
	v11 =	vld.idx.msk [tilespmem:v15+s2+$0x0], $0xffff  }
0xe9: {  	v3 =	vor.u32 $0x180, v14;
	v4 =	vld.idx.msk [tilespmem:v12+s2+$0x0], $0xffff  }
0xea: {  	v62 =	vadd.f32 v1, v0;
	v18 =	vshll.u32 v55, $0x2;
	v27 =	vor.u32 $0x100, v15;
	v10 =	vld.idx.msk [tilespmem:v14+s2+$0x0], $0xffff  }
0xeb: {  	v19 =	vshll.u32 v24, $0x2;
	v17 =	vand.u32 $0x7F, v55;
	v18 =	vand.u32 $0xFFFFFE00, v18;
	v56 =	vld.idx.msk [tilespmem:v13+s2+$0x0], $0xffff  }
0xec: {  	v19 =	vand.u32 $0xFFFFFE00, v19;
	v17 =	vor.u32 v17, v18;
	v18 =	vand.u32 $0x7F, v24;
	v1 =	vld.idx.msk [tilespmem:v57+s2+$0x0], $0xffff  }
0xed: {  	v29 =	vor.u32 $0x100, v12;
	v30 =	vor.u32 $0x100, v14;
	v5 =	vor.u32 v18, v19;
	v24 =	vld.idx.msk [tilespmem:v59+s2+$0x0], $0xffff  }
0xee: {  	v60 =	vor.u32 $0x100, v13;
	v18 =	vor.u32 $0x180, v8;
	v19 =	vor.u32 $0x180, v13;
	v3 =	vld.idx.msk [tilespmem:v3+s2+$0x0], $0xffff  }
0xef: {  	v9 =	vor.u32 $0x180, v16;
	v61 =	vor.u32 $0x180, v17;
	v28 =	vor.u32 $0x100, v16;
	v27 =	vld.idx.msk [tilespmem:v27+s2+$0x0], $0xffff  }
0xf0: {  	v31 =	vor.u32 $0x100, v17;
	v26 =	vor.u32 $0x180, v5;
	v32 =	vor.u32 $0x100, v5;
	v6 =	vld.idx.msk [tilespmem:v16+s2+$0x0], $0xffff  }
0xf1: {  	v12 =	vor.u32 $0x80, v12;
	v15 =	vor.u32 $0x80, v15;
	v14 =	vor.u32 $0x80, v14;
	v2 =	vld.idx.msk [tilespmem:v17+s2+$0x0], $0xffff  }
0xf2: {  	v13 =	vor.u32 $0x80, v13;
	v16 =	vor.u32 $0x80, v16;
	v17 =	vor.u32 $0x80, v17;
	v58 =	vld.idx.msk [tilespmem:v5+s2+$0x0], $0xffff  }
0xf3: {  	v7 =	vld.idx.msk [tilespmem:v18+s2+$0x0], $0xffff;
	v18 =	vor.u32 $0x100, v8;
	v8 =	vor.u32 $0x80, v8;
	v5 =	vor.u32 $0x80, v5  }
0xf4: {  	v29 =	vld.idx.msk [tilespmem:v29+s2+$0x0], $0xffff;
	v33 =	vunpack.i.u.bf16.f32 v20;
	v20 =	vunpack.i.l.bf16.f32 v20;
	v35 =	vunpack.i.u.bf16.f32 v11  }
0xf5: {  	v30 =	vld.idx.msk [tilespmem:v30+s2+$0x0], $0xffff;
	v11 =	vunpack.i.l.bf16.f32 v11;
	v36 =	vunpack.i.u.bf16.f32 v4;
	v4 =	vunpack.i.l.bf16.f32 v4  }
0xf6: {  	v38 =	vunpack.i.u.bf16.f32 v10;
	v10 =	vunpack.i.l.bf16.f32 v10;
	v34 =	vunpack.i.u.bf16.f32 v56  }
0xf7: {  	v21 =	vunpack.i.l.bf16.f32 v56;
	v43 =	vunpack.i.u.bf16.f32 v1;
	v45 =	vunpack.i.u.bf16.f32 v24  }
0xf8: {  	v22 =	vld.idx.msk [tilespmem:v60+s2+$0x0], $0xffff;
	v46 =	vunpack.i.u.bf16.f32 v3;
	v47 =	vunpack.i.l.bf16.f32 v1;
	v24 =	vunpack.i.l.bf16.f32 v24  }
0xf9: {  	v51 =	vunpack.i.l.bf16.f32 v3;
	v52 =	vunpack.i.u.bf16.f32 v27;
	v53 =	vunpack.i.u.bf16.f32 v29  }
0xfa: {  	v19 =	vld.idx.msk [tilespmem:v19+s2+$0x0], $0xffff;
	v54 =	vunpack.i.u.bf16.f32 v30;
	v27 =	vunpack.i.l.bf16.f32 v27;
	v29 =	vunpack.i.l.bf16.f32 v29  }
0xfb: {  	v9 =	vld.idx.msk [tilespmem:v9+s2+$0x0], $0xffff;
	v30 =	vunpack.i.l.bf16.f32 v30;
	v10 =	vsub.f32 v4, v10;
	v36 =	vsub.f32 v36, v38  }
0xfc: {  	v25 =	vld.idx.msk [tilespmem:v61+s2+$0x0], $0xffff;
	v37 =	vunpack.i.u.bf16.f32 v6;
	v6 =	vunpack.i.l.bf16.f32 v6;
	v39 =	vunpack.i.u.bf16.f32 v2  }
0xfd: {  	v28 =	vld.idx.msk [tilespmem:v28+s2+$0x0], $0xffff;
	v2 =	vunpack.i.l.bf16.f32 v2;
	v50 =	vunpack.i.u.bf16.f32 v22;
	v20 =	vsub.f32 v20, v21  }
0xfe: {  	v31 =	vld.idx.msk [tilespmem:v31+s2+$0x0], $0xffff;
	v22 =	vunpack.i.l.bf16.f32 v22;
	v21 =	vsub.f32 v33, v34;
	v29 =	vsub.f32 v29, v30  }
0xff: {  	v26 =	vld.idx.msk [tilespmem:v26+s2+$0x0], $0xffff;
	v40 =	vunpack.i.u.bf16.f32 v58;
	v23 =	vunpack.i.l.bf16.f32 v58;
	v41 =	vunpack.i.u.bf16.f32 v7  }
0x100: {  	v15 =	vld.idx.msk [tilespmem:v15+s2+$0x0], $0xffff;
	v42 =	vunpack.i.u.bf16.f32 v19;
	v44 =	vunpack.i.u.bf16.f32 v9;
	v7 =	vunpack.i.l.bf16.f32 v7  }
0x101: {  	v1 =	vld.idx.msk [tilespmem:v32+s2+$0x0], $0xffff;
	v19 =	vunpack.i.l.bf16.f32 v19;
	v9 =	vunpack.i.l.bf16.f32 v9;
	v32 =	vunpack.i.u.bf16.f32 v25  }
0x102: {  	v3 =	vld.idx.msk [tilespmem:v16+s2+$0x0], $0xffff;
	v16 =	vunpack.i.u.bf16.f32 v28;
	v25 =	vunpack.i.l.bf16.f32 v25;
	v28 =	vunpack.i.l.bf16.f32 v28  }
0x103: {  	v12 =	vld.idx.msk [tilespmem:v12+s2+$0x0], $0xffff;
	v55 =	vunpack.i.u.bf16.f32 v31;
	v31 =	vunpack.i.l.bf16.f32 v31;
	v11 =	vsub.f32 v11, v6  }
0x104: {  	v14 =	vld.idx.msk [tilespmem:v14+s2+$0x0], $0xffff;
	v35 =	vsub.f32 v35, v37;
	v6 =	vsub.f32 v24, v51;
	v36 =	vmul.f32 v36, v36  }
0x105: {  	v49 =	vunpack.i.u.bf16.f32 v26;
	v23 =	vsub.f32 v2, v23;
	v63 =	vsub.f32 v39, v40  }
0x106: {  	v13 =	vld.idx.msk [tilespmem:v13+s2+$0x0], $0xffff;
	v26 =	vunpack.i.l.bf16.f32 v26;
	v2 =	vsub.f32 v7, v19;
	v19 =	vsub.f32 v45, v46  }
0x107: {  	v4 =	vsub.f32 v47, v9;
	v16 =	vsub.f32 v52, v16;
	v20 =	vmul.f32 v20, v20  }
0x108: {  	v21 =	vmul.f32 v21, v21;
	v59 =	vunpack.i.u.bf16.f32 v15;
	v61 =	vunpack.i.u.bf16.f32 v12  }
0x109: {  	v37 =	vunpack.i.u.bf16.f32 v14;
	v15 =	vunpack.i.l.bf16.f32 v15;
	v32 =	vsub.f32 v32, v49  }
0x10a: {  	v17 =	vld.idx.msk [tilespmem:v17+s2+$0x0], $0xffff;
	v12 =	vunpack.i.l.bf16.f32 v12;
	v49 =	vsub.f32 v25, v26;
	v14 =	vunpack.i.l.bf16.f32 v14  }
0x10b: {  	v18 =	vld.idx.msk [tilespmem:v18+s2+$0x0], $0xffff;
	v35 =	vmul.f32 v35, v35;
	v57 =	vunpack.i.u.bf16.f32 v13;
	v58 =	vunpack.i.u.bf16.f32 v1  }
0x10c: {  	v8 =	vld.idx.msk [tilespmem:v8+s2+$0x0], $0xffff;
	v13 =	vunpack.i.l.bf16.f32 v13;
	v33 =	vunpack.i.l.bf16.f32 v1;
	v1 =	vsub.f32 v41, v42  }
0x10d: {  	v34 =	vld.idx.msk [tilespmem:v5+s2+$0x0], $0xffff;
	v23 =	vmul.f32 v23, v23;
	v37 =	vsub.f32 v61, v37;
	v38 =	vmul.f32 v63, v63  }
0x10e: {  	v12 =	vsub.f32 v12, v14;
	v60 =	vunpack.i.u.bf16.f32 v3;
	v42 =	vunpack.i.l.bf16.f32 v3  }
0x10f: {  	v3 =	vsub.f32 v43, v44;
	v7 =	vunpack.i.u.bf16.f32 v17;
	v17 =	vunpack.i.l.bf16.f32 v17  }
0x110: {  	v52 =	vsub.f32 v55, v58;
	v55 =	vmul.f32 v11, v11;
	v31 =	vsub.f32 v31, v33  }
0x111: {  	v11 =	vmul.f32 v49, v49;
	v48 =	vunpack.i.u.bf16.f32 v18;
	v18 =	vunpack.i.l.bf16.f32 v18  }
0x112: {  	v56 =	vunpack.i.u.bf16.f32 v8;
	v8 =	vunpack.i.l.bf16.f32 v8;
	v9 =	vunpack.i.u.bf16.f32 v34  }
0x113: {  	v51 =	vunpack.i.l.bf16.f32 v34;
	v14 =	vadd.f32 v23, v38;
	v15 =	vsub.f32 v15, v42  }
0x114: {  	v12 =	vmul.f32 v12, v12;
	v5 =	vsub.f32 v48, v50;
	v22 =	vsub.f32 v18, v22  }
0x115: {  	v18 =	vsub.f32 v53, v54;
	v53 =	vsub.f32 v56, v57;
	v56 =	vmul.f32 v10, v10  }
0x116: {  	v9 =	vsub.f32 v7, v9;
	v7 =	vmul.f32 v19, v19;
	v17 =	vsub.f32 v17, v51  }
0x117: {  	v13 =	vsub.f32 v8, v13;
	v8 =	vmul.f32 v32, v32;
	v10 =	vmul.f32 v16, v16  }
0x118: {  	v50 =	vsub.f32 v27, v28;
	v58 =	vmul.f32 v31, v31;
	v16 =	vmul.f32 v17, v17  }
0x119: {  	v54 =	vsub.f32 v59, v60;
	v60 =	vmul.f32 v29, v29;
	v15 =	vmul.f32 v15, v15  }
0x11a: {  	v9 =	vmul.f32 v9, v9;
	v14 =	vadd.f32 v16, v14;
	v16 =	vadd.f32 v56, v36  }
0x11b: {  	v59 =	vadd.f32 v55, v35;
	v19 =	vmul.f32 v50, v50;
	v57 =	vmul.f32 v54, v54  }
0x11c: {  	v9 =	vadd.f32 v14, v9;
	v12 =	vadd.f32 v12, v16;
	v14 =	vmul.f32 v37, v37  }
0x11d: {  	v13 =	vmul.f32 v13, v13;
	v15 =	vadd.f32 v15, v59;
	v16 =	vadd.f32 v20, v21  }
0x11e: {  	s28 =	simm.s32 $0xEE20;
	v17 =	vmul.f32 v52, v52;
	v20 =	vadd.f32 v58, v9;
	v12 =	vadd.f32 v12, v14  }
0x11f: {  	v63 =	vmul.f32 v53, v53;
	v23 =	vadd.f32 v15, v57;
	v9 =	vld [tilespmem:s28+$0x10];
	v61 =	vadd.f32 v13, v16  }
0x120: {  	v16 =	vmul.f32 v18, v18;
	v13 =	vld [tilespmem:s28+$0xFFFFFFE0];
	v14 =	vadd.f32 v20, v17;
	v15 =	vadd.f32 v60, v12  }
0x121: {  	s30 =	simm.s32 $0xCE60;
	s29 =	simm.s32 $0x0;
	v12 =	vld [tilespmem:s28+$0x0];
	v17 =	vadd.f32 v19, v23;
	v18 =	vadd.f32 v61, v63;
	v19 =	vmul.f32 v22, v22  }
.LBB2_5:
0x122: {  	v5 =	vmul.f32 v5, v5  }
0x123: {  	v20 =	vld [tilespmem:s30+$0x10];
	s26 =	sadd.s32 $0x40, s26;
	v11 =	vadd.f32 v11, v14;
	v14 =	vadd.f32 v15, v16;
	v6 =	vmul.f32 v6, v6  }
0x124: {  	v4 =	vmul.f32 v4, v4;
	v10 =	vadd.f32 v17, v10;
	v16 =	vadd.f32 v19, v18;
	v17 =	vld [tilespmem:s26+$0x10]  }
0x125: {  	v2 =	vmul.f32 v2, v2;
	v15 =	vld [tilespmem:s28+$0xFFFFFFF0];
	v8 =	vadd.f32 v11, v8;
	v6 =	vadd.f32 v6, v14  }
0x126: {  	v3 =	vmul.f32 v3, v3;
	v1 =	vmul.f32 v1, v1;
	v4 =	vadd.f32 v4, v10  }
0x127: {  	v11 =	vld [tilespmem:s30+$0x0];
	v5 =	vadd.f32 v16, v5;
	v8 =	vmul.f32 v8, v13;
	v6 =	vadd.f32 v6, v7  }
0x128: {  	v10 =	vand.u32 $0x7F, v20;
	v3 =	vadd.f32 v4, v3;
	v4 =	vshll.u32 v20, $0x2  }
0x129: {  	v14 =	vld [tilespmem:s26+$0x0];
	v2 =	vadd.f32 v2, v5;
	v13 =	vshll.u32 v17, $0x2;
	v4 =	vand.u32 $0xFFFFFE00, v4  }
0x12a: {  	v5 =	vld [tilespmem:s26+$0xFFFFFFF0];
	v0 =	vadd.f32 v8, v62;
	v6 =	vmul.f32 v6, v15;
	v8 =	vand.u32 $0x7F, v17  }
0x12b: {  	v3 =	vmul.f32 v3, v12;
	v1 =	vadd.f32 v2, v1;
	v4 =	vor.u32 v10, v4  }
0x12c: {  	v7 =	vld [tilespmem:s30+$0xFFFFFFF0];
	v10 =	vand.u32 $0xFFFFFE00, v13;
	v2 =	vand.u32 $0x7F, v11;
	v13 =	vor.u32 $0x180, v4  }
0x12d: {  	v23 =	vor.u32 $0x100, v4;
	v0 =	vadd.f32 v6, v0;
	v6 =	vshll.u32 v11, $0x2  }
0x12e: {  	v12 =	vld [tilespmem:s30+$0xFFFFFFE0];
	v11 =	vand.u32 $0x7F, v14;
	v14 =	vshll.u32 v14, $0x2;
	v1 =	vmul.f32 v1, v9  }
0x12f: {  	v9 =	vand.u32 $0x7F, v5;
	v6 =	vand.u32 $0xFFFFFE00, v6;
	v5 =	vshll.u32 v5, $0x2  }
0x130: {  	v15 =	vld [tilespmem:s26+$0xFFFFFFE0];
	v0 =	vadd.f32 v3, v0;
	v2 =	vor.u32 v2, v6;
	v6 =	vand.u32 $0xFFFFFE00, v14  }
0x131: {  	v3 =	vand.u32 $0x7F, v7;
	v6 =	vor.u32 v11, v6;
	v17 =	vor.u32 $0x180, v2  }
0x132: {  	v27 =	vor.u32 $0x100, v2;
	v0 =	vadd.f32 v1, v0;
	v1 =	vshll.u32 v7, $0x2  }
0x133: {  	v7 =	vor.u32 v8, v10;
	v8 =	vand.u32 $0x7F, v12;
	v1 =	vand.u32 $0xFFFFFE00, v1  }
0x134: {  	v10 =	vshll.u32 v12, $0x2;
	v13 =	vld.idx.msk [tilespmem:v13+s2+$0x0], $0xffff;
	v1 =	vor.u32 v3, v1;
	v3 =	vand.u32 $0xFFFFFE00, v5  }
0x135: {  	v23 =	vld.idx.msk [tilespmem:v23+s2+$0x0], $0xffff;
	v5 =	vand.u32 $0xFFFFFE00, v10;
	v10 =	vshll.u32 v15, $0x2;
	v3 =	vor.u32 v9, v3  }
0x136: {  	v9 =	vld.idx.msk [tilespmem:v4+s2+$0x0], $0xffff;
	v5 =	vor.u32 v8, v5;
	v8 =	vand.u32 $0x7F, v15;
	v10 =	vand.u32 $0xFFFFFE00, v10  }
0x137: {  	v19 =	vor.u32 $0x180, v6;
	v8 =	vor.u32 v8, v10;
	v10 =	vld.idx.msk [tilespmem:v2+s2+$0x0], $0xffff  }
0x138: {  	v28 =	vor.u32 $0x100, v6;
	v12 =	vld.idx.msk [tilespmem:v6+s2+$0x0], $0xffff  }
0x139: {  	v17 =	vld.idx.msk [tilespmem:v17+s2+$0x0], $0xffff  }
0x13a: {  	v24 =	vor.u32 $0x100, v7;
	v15 =	vor.u32 $0x180, v7;
	v21 =	vor.u32 $0x180, v1;
	v27 =	vld.idx.msk [tilespmem:v27+s2+$0x0], $0xffff  }
0x13b: {  	v29 =	vor.u32 $0x100, v1;
	v4 =	vor.u32 $0x80, v4;
	v22 =	vor.u32 $0x180, v3;
	v11 =	vld.idx.msk [tilespmem:v7+s2+$0x0], $0xffff  }
0x13c: {  	v25 =	vor.u32 $0x180, v5;
	v30 =	vor.u32 $0x100, v3;
	v31 =	vor.u32 $0x100, v5;
	v19 =	vld.idx.msk [tilespmem:v19+s2+$0x0], $0xffff  }
0x13d: {  	v2 =	vor.u32 $0x80, v2;
	v6 =	vor.u32 $0x80, v6;
	v26 =	vor.u32 $0x180, v8;
	v28 =	vld.idx.msk [tilespmem:v28+s2+$0x0], $0xffff  }
0x13e: {  	v32 =	vor.u32 $0x100, v8;
	v7 =	vor.u32 $0x80, v7;
	v41 =	vunpack.i.u.bf16.f32 v13;
	v14 =	vld.idx.msk [tilespmem:v1+s2+$0x0], $0xffff  }
0x13f: {  	v13 =	vunpack.i.l.bf16.f32 v13;
	v47 =	vunpack.i.u.bf16.f32 v23;
	v23 =	vunpack.i.l.bf16.f32 v23;
	v16 =	vld.idx.msk [tilespmem:v3+s2+$0x0], $0xffff  }
0x140: {  	v1 =	vor.u32 $0x80, v1;
	v18 =	vld.idx.msk [tilespmem:v5+s2+$0x0], $0xffff;
	v5 =	vor.u32 $0x80, v5;
	v3 =	vor.u32 $0x80, v3  }
0x141: {  	v33 =	vunpack.i.u.bf16.f32 v9;
	v9 =	vunpack.i.l.bf16.f32 v9;
	v20 =	vld.idx.msk [tilespmem:v8+s2+$0x0], $0xffff;
	v8 =	vor.u32 $0x80, v8  }
0x142: {  	v24 =	vld.idx.msk [tilespmem:v24+s2+$0x0], $0xffff;
	v35 =	vunpack.i.u.bf16.f32 v10;
	v10 =	vunpack.i.l.bf16.f32 v10;
	v37 =	vunpack.i.u.bf16.f32 v12  }
0x143: {  	v15 =	vld.idx.msk [tilespmem:v15+s2+$0x0], $0xffff;
	v12 =	vunpack.i.l.bf16.f32 v12;
	v43 =	vunpack.i.u.bf16.f32 v17;
	v17 =	vunpack.i.l.bf16.f32 v17  }
0x144: {  	v21 =	vld.idx.msk [tilespmem:v21+s2+$0x0], $0xffff;
	v51 =	vunpack.i.u.bf16.f32 v27;
	v27 =	vunpack.i.l.bf16.f32 v27;
	v34 =	vunpack.i.u.bf16.f32 v11  }
0x145: {  	v29 =	vld.idx.msk [tilespmem:v29+s2+$0x0], $0xffff;
	v11 =	vunpack.i.l.bf16.f32 v11;
	v44 =	vunpack.i.u.bf16.f32 v19;
	v19 =	vunpack.i.l.bf16.f32 v19  }
0x146: {  	v4 =	vld.idx.msk [tilespmem:v4+s2+$0x0], $0xffff;
	v52 =	vunpack.i.u.bf16.f32 v28;
	v28 =	vunpack.i.l.bf16.f32 v28;
	v10 =	vsub.f32 v10, v12  }
0x147: {  	v22 =	vld.idx.msk [tilespmem:v22+s2+$0x0], $0xffff;
	v50 =	vunpack.i.u.bf16.f32 v24;
	v24 =	vunpack.i.l.bf16.f32 v24;
	v9 =	vsub.f32 v9, v11  }
0x148: {  	v25 =	vld.idx.msk [tilespmem:v25+s2+$0x0], $0xffff;
	v11 =	vsub.f32 v33, v34;
	v36 =	vunpack.i.u.bf16.f32 v14;
	v14 =	vunpack.i.l.bf16.f32 v14  }
0x149: {  	v30 =	vld.idx.msk [tilespmem:v30+s2+$0x0], $0xffff;
	v23 =	vsub.f32 v23, v24;
	v38 =	vunpack.i.u.bf16.f32 v16;
	v16 =	vunpack.i.l.bf16.f32 v16  }
0x14a: {  	v31 =	vld.idx.msk [tilespmem:v31+s2+$0x0], $0xffff;
	v39 =	vunpack.i.u.bf16.f32 v18;
	v18 =	vunpack.i.l.bf16.f32 v18;
	v42 =	vunpack.i.u.bf16.f32 v15  }
0x14b: {  	v2 =	vld.idx.msk [tilespmem:v2+s2+$0x0], $0xffff;
	v45 =	vunpack.i.u.bf16.f32 v21;
	v15 =	vunpack.i.l.bf16.f32 v15;
	v21 =	vunpack.i.l.bf16.f32 v21  }
0x14c: {  	v6 =	vld.idx.msk [tilespmem:v6+s2+$0x0], $0xffff;
	v53 =	vunpack.i.u.bf16.f32 v29;
	v58 =	vunpack.i.u.bf16.f32 v4;
	v29 =	vunpack.i.l.bf16.f32 v29  }
0x14d: {  	v57 =	vld.idx.msk [tilespmem:v3+s2+$0x0], $0xffff;
	v63 =	vunpack.i.l.bf16.f32 v4;
	v3 =	vsub.f32 v43, v44;
	v4 =	vsub.f32 v17, v19  }
0x14e: {  	[tilespmem:$0x1FFE0] =	vst v0;
	v0 =	vld.idx.msk [tilespmem:v5+s2+$0x0], $0xffff;
	v5 =	vsub.f32 v47, v50;
	v9 =	vmul.f32 v9, v9;
	v40 =	vunpack.i.u.bf16.f32 v20  }
0x14f: {  	v26 =	vld.idx.msk [tilespmem:v26+s2+$0x0], $0xffff;
	v20 =	vunpack.i.l.bf16.f32 v20;
	v46 =	vunpack.i.u.bf16.f32 v22;
	v48 =	vunpack.i.u.bf16.f32 v25  }
0x150: {  	v22 =	vunpack.i.l.bf16.f32 v22;
	v25 =	vunpack.i.l.bf16.f32 v25;
	v55 =	vunpack.i.u.bf16.f32 v30  }
0x151: {  	v7 =	vld.idx.msk [tilespmem:v7+s2+$0x0], $0xffff;
	v56 =	vunpack.i.u.bf16.f32 v31;
	v30 =	vunpack.i.l.bf16.f32 v30;
	v61 =	vunpack.i.u.bf16.f32 v2  }
0x152: {  	v32 =	vld.idx.msk [tilespmem:v32+s2+$0x0], $0xffff;
	v62 =	vunpack.i.u.bf16.f32 v6;
	v31 =	vunpack.i.l.bf16.f32 v31;
	v12 =	vsub.f32 v14, v16  }
0x153: {  	v54 =	vld.idx.msk [tilespmem:v1+s2+$0x0], $0xffff;
	v16 =	vsub.f32 v35, v37;
	v35 =	vunpack.i.l.bf16.f32 v2;
	v1 =	vsub.f32 v41, v42  }
0x154: {  	v2 =	vsub.f32 v13, v15;
	v49 =	vunpack.i.u.bf16.f32 v26;
	v18 =	vsub.f32 v18, v20  }
0x155: {  	v26 =	vunpack.i.l.bf16.f32 v26;
	v20 =	vsub.f32 v36, v38;
	v34 =	vsub.f32 v39, v40  }
0x156: {  	v36 =	vunpack.i.l.bf16.f32 v6;
	v15 =	vsub.f32 v45, v46;
	v6 =	vsub.f32 v21, v22  }
0x157: {  	v59 =	vunpack.i.u.bf16.f32 v7;
	v29 =	vsub.f32 v29, v30;
	v19 =	vsub.f32 v48, v49  }
0x158: {  	v60 =	vunpack.i.u.bf16.f32 v32;
	v48 =	vsub.f32 v51, v52;
	v49 =	vsub.f32 v25, v26  }
0x159: {  	v7 =	vunpack.i.l.bf16.f32 v7;
	v51 =	vsub.f32 v53, v55;
	v52 =	vsub.f32 v27, v28  }
0x15a: {  	v32 =	vunpack.i.l.bf16.f32 v32;
	v53 =	vsub.f32 v56, v60;
	v55 =	vsub.f32 v61, v62  }
0x15b: {  	v56 =	vmul.f32 v10, v10;
	v31 =	vsub.f32 v31, v32;
	v12 =	vmul.f32 v12, v12  }
0x15c: {  	v8 =	vld.idx.msk [tilespmem:v8+s2+$0x0], $0xffff;
	v16 =	vmul.f32 v16, v16;
	v60 =	vsub.f32 v35, v36;
	v14 =	vunpack.i.u.bf16.f32 v54  }
0x15d: {  	v47 =	vunpack.i.l.bf16.f32 v54;
	v54 =	vsub.f32 v58, v59;
	v18 =	vmul.f32 v18, v18  }
0x15e: {  	v58 =	vsub.f32 v63, v7;
	v20 =	vmul.f32 v20, v20;
	v59 =	vmul.f32 v34, v34  }
0x15f: {  	v7 =	vmul.f32 v15, v15;
	v33 =	vunpack.i.u.bf16.f32 v57;
	v13 =	vunpack.i.u.bf16.f32 v0  }
0x160: {  	v50 =	vunpack.i.l.bf16.f32 v57;
	v0 =	vunpack.i.l.bf16.f32 v0;
	v57 =	vmul.f32 v11, v11  }
0x161: {  	v10 =	vmul.f32 v48, v48;
	v17 =	vunpack.i.u.bf16.f32 v8;
	v8 =	vunpack.i.l.bf16.f32 v8  }
0x162: {  	v11 =	vmul.f32 v49, v49;
	v16 =	vadd.f32 v56, v16;
	v0 =	vsub.f32 v0, v8  }
0x163: {  	v61 =	vmul.f32 v55, v55;
	v14 =	vsub.f32 v14, v33;
	v15 =	vsub.f32 v47, v50  }
0x164: {  	v18 =	vadd.f32 v18, v59;
	v13 =	vsub.f32 v13, v17;
	v0 =	vmul.f32 v0, v0  }
0x165: {  	v12 =	vadd.f32 v12, v20;
	v20 =	vmul.f32 v60, v60;
	v15 =	vmul.f32 v15, v15  }
0x166: {  	v63 =	vmul.f32 v54, v54;
	v13 =	vmul.f32 v13, v13;
	v0 =	vadd.f32 v0, v18  }
0x167: {  	s29 =	sadd.s32 $0x4, s29;
	v8 =	vmul.f32 v19, v19;
	v19 =	vmul.f32 v53, v53;
	v12 =	vadd.f32 v15, v12  }
0x168: {  	p1 =	slt.u32 s29, $0xFC;
	v18 =	vmul.f32 v31, v31;
	v0 =	vadd.f32 v0, v13;
	v13 =	vmul.f32 v14, v14  }
.Ltmp3:
0x169: {  	v15 =	vadd.f32 v9, v57;
	v14 =	vadd.f32 v20, v16;
	v16 =	vmul.f32 v58, v58;
	(pc) =	sbr.rel @p1 .LBB2_5-.Ltmp3, $4  }
0x16a: {  	s28 =	sadd.s32 $0x40, s28;
	v62 =	vld [tilespmem:$0x1FFE0];
	v0 =	vadd.f32 v18, v0;
	v12 =	vadd.f32 v12, v13;
	v13 =	vmul.f32 v29, v29  }
0x16b: {  	v17 =	vmul.f32 v52, v52;
	v9 =	vld [tilespmem:s28+$0x10];
	v18 =	vadd.f32 v14, v61;
	v20 =	vadd.f32 v16, v15  }
0x16c: {  	v16 =	vmul.f32 v51, v51;
	v14 =	vadd.f32 v0, v19;
	v15 =	vadd.f32 v13, v12;
	v12 =	vld [tilespmem:s28+$0x0]  }
0x16d: {  	s30 =	sadd.s32 $0x40, s30;
	v13 =	vld [tilespmem:s28+$0xFFFFFFE0];
	v17 =	vadd.f32 v17, v18;
	v18 =	vadd.f32 v20, v63;
	v19 =	vmul.f32 v23, v23  }
0x16e: {  	v0 =	vadd.f32 v11, v14;
	v59 =	vadd.f32 v15, v16;
	v6 =	vmul.f32 v6, v6  }
0x16f: {  	v60 =	vld [tilespmem:s28+$0xFFFFFFF0];
	v5 =	vmul.f32 v5, v5;
	v10 =	vadd.f32 v17, v10;
	v61 =	vadd.f32 v19, v18  }
0x170: {  	v4 =	vmul.f32 v4, v4;
	v0 =	vadd.f32 v0, v8;
	v6 =	vadd.f32 v6, v59  }
0x171: {  	v3 =	vmul.f32 v3, v3;
	v2 =	vmul.f32 v2, v2;
	v5 =	vadd.f32 v61, v5  }
0x172: {  	v4 =	vadd.f32 v4, v10;
	v0 =	vmul.f32 v0, v13;
	v6 =	vadd.f32 v6, v7  }
0x173: {  	v1 =	vmul.f32 v1, v1;
	v2 =	vadd.f32 v2, v5  }
0x174: {  	v3 =	vadd.f32 v4, v3;
	v0 =	vadd.f32 v0, v62;
	v63 =	vmul.f32 v6, v60;
	_ =	sdelay $0x1  }
.Ltmp4:
0x175: {  	v3 =	vmul.f32 v3, v12;
	v1 =	vadd.f32 v2, v1;
	v0 =	vadd.f32 v63, v0;
	(pc) =	sbr.rel @p0 .LBB2_8-.Ltmp4, $3  }
0x176: {  	_ = 	snop  }
0x177: {  	v1 =	vmul.f32 v1, v9;
	v0 =	vadd.f32 v3, v0;
	_ =	sdelay $0x1  }
0x178: {  	v0 =	vadd.f32 v1, v0  }
0x179: {  	s26 =	sshll.u32 s25, $0xA  }
0x17a: {  	s26 =	sadd.s32 $0x600, s26  }
0x17b: {  	s28 =	sadd.s32 s3, s26  }
0x17c: {  	[tilespmem:s18], [sflag:$0x2] =	stream.linear.gather [hbm4b:s28+s2], $0x1000, $0x38;
	[tilespmem:$0xFE80] =	vst v63  }
.Ltmp5:
0x17d: {  	_ = 	snop;
	(pc) =	sbr.rel .LBB2_2-.Ltmp5, $4  }
0x17e: {  	s31 =	sadd.s32 s4, s26  }
0x17f: {  	[tilespmem:s19], [sflag:$0x2] =	stream.linear.gather [hbm4b:s31+s2], $0x1000, $0x38;
	[tilespmem:$0xFE80] =	vst v63  }
0x180: {  	s25 =	sadd.s32 $0x1, s25;
	s26 =	sadd.s32 s5, s26  }
0x181: {  	[tilespmem:s20], [sflag:$0x2] =	stream.linear.gather [hbm4b:s26+s2], $0x1000, $0x38;
	[tilespmem:$0xFE80] =	vst v63  }
.LBB2_9:
0x182: {  	_ =	sfence.sel $0x180000  }
0x183: {  	[bflag:$0x0] =	sbarrier.arrive $0xFFFF  }
0x184: {  	p0 =	sne.s32 s0, $0x0;
	_ =	strace $0x9000004D  }
0x185: {  	s0 =	sadd.s32 @!p0 $0x100000, s1;
	[bflag:$0x2] =	sbarrier.arrive $0xFFFF  }
0x186: {  	[sflag:s0] =	ssyncadd.tile.s32 @!p0 $0x1;
	_ =	shalt  }
.Lfunc_end2:
_tile_overlayer_lowered:
.L_overlay_start_2:
0x187: {  	(tag) =	ssettag $0x2  }
0x188: {  	s0 =	rddreg [dreg:$0x0];
	s2 =	stileid.u32  }
0x189: {  	s1 =	rddreg [dreg:$0x1];
	p0 =	sne.s32 s2, $0x0  }
0x18a: {  	s3 =	rddreg [dreg:$0x2];
	[bflag:$0x3] =	sbarrier.arrive $0xFFFF;
	s2 =	simm.s32 @!p0 $0x1C03  }
0x18b: {  	[timem:s3], [sflag:s2] =	dma.local @!p0 [hbm:s0], s1  }
0x18c: {  	s0 =	simm.s32 @!p0 $0x3  }
0x18d: {  	_ =	swait.ge @!p0 [sflag:s0], s1  }
0x18e: {  	s1 =	ssub.s32 @!p0 $0x0, s1;
	[sflag:s0] =	ssyncset.done @!p0 $0x0  }
0x18f: {  	[sflag:s0] =	ssyncadd.s32 @!p0 s1  }
0x190: {  	[bflag:$0x3] =	sbarrier.arrive $0xFFFF  }
0x191: {  	_ =	shalt  }

// kernel: kernel.7.cloned.1.call-start
scs
__scs_entry_jumppad:
0x0: {  	(pc) =	sbr.rel $0x88, $3  }
0x1: {  	(tag) =	ssettag $0x0;
	lr =	simm.s32 $0x1  }
0x2: {  	[smem:$0x3F9C] =	sst lr;
	_ =	strace $0xD0000000  }
0x3: {  	_ = 	snop  }
0x4: {  	_ = 	snop  }
0x5: {  	_ = 	snop  }
0x6: {  	_ = 	snop  }
0x7: {  	_ = 	snop  }
__scs_overlays_trampoline_lowered:
0x8: {  	[smem:$0x3FAB] =	sst s0  }
0x9: {  	[smem:$0x3FAC] =	sst s1  }
0xa: {  	[smem:$0x3FAD] =	sst s2  }
0xb: {  	[smem:$0x3FAE] =	sst s3  }
0xc: {  	[smem:$0x3FAF] =	sst s4  }
0xd: {  	[smem:$0x3FB0] =	sst s5  }
0xe: {  	[smem:$0x3FB1] =	sst s6  }
0xf: {  	[smem:$0x3FB2] =	sst s7  }
0x10: {  	[smem:$0x3FB3] =	sst s8  }
0x11: {  	[smem:$0x3FB4] =	sst s9;
	s0 =	simm.s32 @!p0 $0x0  }
0x12: {  	s1 =	sld [smem:$0x3F9A];
	s0 =	simm.s32 @p0 $0x1  }
0x13: {  	[smem:$0x3FB5] =	sst s0;
	s0 =	simm.s32 @!p1 $0x0  }
0x14: {  	s2 =	sld [smem:$0x3F99];
	s0 =	simm.s32 @p1 $0x1  }
0x15: {  	[smem:$0x3FB6] =	sst s0;
	s0 =	simm.s32 @!p2 $0x0  }
0x16: {  	s3 =	sld [smem:$0x3FDB];
	s0 =	simm.s32 @p2 $0x1  }
0x17: {  	s4 =	simm.s32 $0x1BF5;
	[smem:$0x3FB8] =	sst s0  }
0x18: {  	s0 =	sld [smem:$0x3F9B];
	_ =	swait.ge [sflag:s4], $0x0  }
0x19: {  	s7 =	sld [smem:$0x3F9C]  }
0x1a: {  	s8 =	sadd.s32 $0xFFFFE003, lr  }
0x1b: {  	s9 =	sadd.s32 $0xFFFFFEF7, lr;
	s5 =	simm.s32 $0xFFFFFFFF;
	p2 =	slt.u32 s8, $0xFFFFF086  }
0x1c: {  	p1 =	slt.u32 s9, $0xF7A;
	s5 =	simm.s32 @!p2 $0x0  }
0x1d: {  	s5 =	simm.s32 @p1 $0x1;
	p0 =	seq.s32 s7, s2  }
0x1e: {  	s7 =	smul.u32 @!p0 $0xF7A, s2;
	p2 =	seq.s32 @!p0 s5, $0x0  }
0x1f: {  	s9 =	smul.u32 $0xF7A, s1;
	s8 =	simm.s32 @!p0 $0x1BF5;
	p2 =	por !p2, p0  }
0x20: {  	[sflag:s8] =	ssyncset.s32 @!p0 $0xFFFFF086;
	s6 =	sadd.s32 @!p0 s3, s7;
	s7 =	simm.s32 @!p0 $0x108  }
0x21: {  	s3 =	sadd.s32 s3, s9;
	s6 =	sadd.s32 @!p0 $0x88, s6;
	s7 =	simm.s32 @p2 $0x1082  }
0x22: {  	[simem:s7], [sflag:s8] =	dma.local @!p0 [hbm:s6], $0xF7A  }
0x23: {  	s9 =	sor.u32 $0xD0000000, s2;
	s6 =	simm.s32 $0x108;
	_ =	swait.ge @!p0 [sflag:s8], $0x0  }
0x24: {  	s3 =	sadd.s32 $0x88, s3;
	s6 =	simm.s32 @!p1 $0x1082;
	[sflag:s4] =	ssyncset.s32 $0xFFFFF086  }
0x25: {  	[simem:s6], [sflag:s4] =	dma.local [hbm:s3], $0xF7A  }
0x26: {  	[smem:$0x3F9C] =	sst s1;
	(tag) =	ssettag s2;
	_ =	strace s9  }
0x27: {  	s1 =	sld [smem:$0x3FAC]  }
0x28: {  	s2 =	sld [smem:$0x3FAD]  }
0x29: {  	s4 =	sld [smem:$0x3FAF]  }
0x2a: {  	p0 =	seq.s32 s5, $0x0;
	s5 =	sld [smem:$0x3FB0]  }
0x2b: {  	s6 =	sld [smem:$0x3FB1]  }
0x2c: {  	s7 =	sld [smem:$0x3FB2]  }
0x2d: {  	s3 =	simm.s32 $0x108;
	s8 =	sld [smem:$0x3FB3]  }
0x2e: {  	s3 =	simm.s32 @!p0 $0x1082;
	s9 =	sld [smem:$0x3FB4]  }
0x2f: {  	lr =	sadd.s32 s0, s3;
	s0 =	sld [smem:$0x3FAB]  }
0x30: {  	s3 =	sld [smem:$0x3FAE]  }
0x31: {  	[smem:$0x3FB7] =	sst s10  }
0x32: {  	s10 =	sld [smem:$0x3FB5];
	_ =	sdelay $0x3  }
0x33: {  	p0 =	seq.s32 s10, $0x1;
	s10 =	sld [smem:$0x3FB7];
	_ =	sdelay $0x3  }
0x34: {  	[smem:$0x3FB7] =	sst s10  }
0x35: {  	s10 =	sld [smem:$0x3FB6];
	_ =	sdelay $0x3  }
0x36: {  	p1 =	seq.s32 s10, $0x1;
	s10 =	sld [smem:$0x3FB7];
	_ =	sdelay $0x3  }
0x37: {  	[smem:$0x3FB7] =	sst s10  }
0x38: {  	s10 =	sld [smem:$0x3FB8]  }
0x39: {  	_ = 	snop;
	(pc) =	sbr.ind lr, $3  }
0x3a: {  	_ = 	snop  }
0x3b: {  	_ = 	snop  }
0x3c: {  	p2 =	seq.s32 s10, $0x1;
	s10 =	sld [smem:$0x3FB7]  }
0x3d: {  	_ =	shalt  }
0x3e: {  	_ =	shalt  }
0x3f: {  	_ =	shalt  }
0x40: {  	_ =	shalt  }
0x41: {  	_ =	shalt  }
0x42: {  	_ =	shalt  }
0x43: {  	_ =	shalt  }
0x44: {  	_ =	shalt  }
0x45: {  	_ =	shalt  }
0x46: {  	_ =	shalt  }
0x47: {  	_ =	shalt  }
0x48: {  	_ =	shalt  }
0x49: {  	_ =	shalt  }
0x4a: {  	_ =	shalt  }
0x4b: {  	_ =	shalt  }
0x4c: {  	_ =	shalt  }
0x4d: {  	_ =	shalt  }
0x4e: {  	_ =	shalt  }
0x4f: {  	_ =	shalt  }
0x50: {  	_ =	shalt  }
0x51: {  	_ =	shalt  }
0x52: {  	_ =	shalt  }
0x53: {  	_ =	shalt  }
0x54: {  	_ =	shalt  }
0x55: {  	_ =	shalt  }
0x56: {  	_ =	shalt  }
0x57: {  	_ =	shalt  }
0x58: {  	_ =	shalt  }
0x59: {  	_ =	shalt  }
0x5a: {  	_ =	shalt  }
0x5b: {  	_ =	shalt  }
0x5c: {  	_ =	shalt  }
0x5d: {  	_ =	shalt  }
0x5e: {  	_ =	shalt  }
0x5f: {  	_ =	shalt  }
0x60: {  	_ =	shalt  }
0x61: {  	_ =	shalt  }
0x62: {  	_ =	shalt  }
0x63: {  	_ =	shalt  }
0x64: {  	_ =	shalt  }
0x65: {  	_ =	shalt  }
0x66: {  	_ =	shalt  }
0x67: {  	_ =	shalt  }
0x68: {  	_ =	shalt  }
0x69: {  	_ =	shalt  }
0x6a: {  	_ =	shalt  }
0x6b: {  	_ =	shalt  }
0x6c: {  	_ =	shalt  }
0x6d: {  	_ =	shalt  }
0x6e: {  	_ =	shalt  }
0x6f: {  	_ =	shalt  }
0x70: {  	_ =	shalt  }
0x71: {  	_ =	shalt  }
0x72: {  	_ =	shalt  }
0x73: {  	_ =	shalt  }
0x74: {  	_ =	shalt  }
0x75: {  	_ =	shalt  }
0x76: {  	_ =	shalt  }
0x77: {  	_ =	shalt  }
0x78: {  	_ =	shalt  }
0x79: {  	_ =	shalt  }
0x7a: {  	_ =	shalt  }
0x7b: {  	_ =	shalt  }
0x7c: {  	_ =	shalt  }
0x7d: {  	_ =	shalt  }
0x7e: {  	_ =	shalt  }
0x7f: {  	_ =	shalt  }
0x80: {  	_ =	shalt  }
0x81: {  	_ =	shalt  }
0x82: {  	_ =	shalt  }
0x83: {  	_ =	shalt  }
0x84: {  	_ =	shalt  }
0x85: {  	_ =	shalt  }
0x86: {  	_ =	shalt  }
0x87: {  	_ =	shalt  }
.Lfunc_end0:
.L_simem_size_0:
called_computation_lowered:
.L_overlay_start_0:
0x88: {  	s2 =	sld [smem:$0x3FD9]  }
0x89: {  	s3 =	sld [smem:$0x3FFE];
	_ =	sdelay $0x1  }
0x8a: {  	s1 =	srdreg.scid  }
0x8b: {  	s0 =	sand.u32 $0x1, s1  }
0x8c: {  	s17 =	sshll.u32 s0, $0xA;
	s2 =	sadd.s32 s3, s2  }
0x8d: {  	s2 =	sadd.s32 s2, s17  }
0x8e: {  	[smem:$0x3FC3] =	sst s2  }
0x8f: {  	_ = 	snop  }
0x90: {  	s2 =	sld [smem:$0x3FC5];
	(tm) =	ssettm $0x1  }
0x91: {  	s18 =	sld [smem:$0x3FFB];
	_ =	sdelay $0x3  }
0x92: {  	_ =	strace s18  }
0x93: {  	s3 =	sld [smem:$0x3FFC];
	_ =	sdelay $0x3  }
0x94: {  	_ =	strace s3  }
0x95: {  	s3 =	sld [smem:$0x3FFD];
	_ =	sdelay $0x3  }
0x96: {  	_ =	strace s3  }
0x97: {  	_ =	strace $0x8FFFFFFF  }
0x98: {  	s19 =	sld [smem:$0x3FDB];
	_ =	sdelay $0x1  }
0x99: {  	s4 =	simm.s32 $_scs_section_size  }
0x9a: {  	s5 =	simm.s32 $_size__tile_overlayer_lowered;
	s6 =	simm.s32 $_tile_overlayer_lowered  }
0x9b: {  	s22 =	simm.s32 $0x1BFF;
	s21 =	sshll.u32 s6, $0x1;
	s3 =	sadd.s32 s4, s19  }
0x9c: {  	s7 =	simm.s32 $0x0;
	s20 =	sshll.u32 s5, $0x1;
	s5 =	sadd.s32 s21, s3  }
0x9d: {  	[timem:s7], [sflag:s22] =	dma.local [hbm:s5], s20  }
0x9e: {  	_ =	swait.ge [sflag:s22], s20  }
0x9f: {  	s4 =	ssub.s32 $0x0, s20;
	[sflag:s22] =	ssyncset.done $0x0  }
0xa0: {  	[sflag:s22] =	ssyncadd.s32 s4;
	_ =	sdelay $0x1  }
0xa1: {  	s23 =	simm.s32 $0x1B8B  }
0xa2: {  	_ =	swait.ge [sflag:s23], $0x1  }
0xa3: {  	[sflag:s23] =	ssyncset.done $0x0  }
0xa4: {  	s25 =	simm.s32 $0x1B8E;
	s24 =	sld [smem:$0x3FFE];
	[sflag:s23] =	ssyncadd.s32 $0xFFFFFFFF  }
0xa5: {  	s26 =	simm.s32 $execute0_lowered;
	[smem:$0x3FD2] =	sst s25  }
0xa6: {  	s5 =	sshll.u32 s26, $0x1;
	_ =	strace $0x80000046;
	[dreg:$0x1] =	wrdreg $0xFFFFFFFF  }
0xa7: {  	s28 =	simm.s32 $_size_execute0_lowered;
	s3 =	sadd.s32 s3, s5;
	[dreg:$0x0] =	wrdreg $0x0  }
0xa8: {  	s5 =	sshll.u32 s28, $0x1;
	[dreg:$0x2] =	wrdreg s3  }
0xa9: {  	[dreg:$0x3] =	wrdreg s5  }
0xaa: {  	[dreg:$0x4] =	wrdreg $0xC0  }
0xab: {  	_ =	task [dreg:s7], $0x5FFFF  }
0xac: {  	[dreg:$0x1] =	wrdreg $0xFFFFFFFF  }
0xad: {  	[dreg:$0x0] =	wrdreg $0x60  }
0xae: {  	[dreg:$0x2] =	wrdreg s24  }
0xaf: {  	[dreg:$0x3] =	wrdreg s2  }
0xb0: {  	[dreg:$0x4] =	wrdreg $0x9  }
0xb1: {  	_ =	task.clear_ibuf [dreg:s7], $0x5FFFF;
	_ =	strace $0x90000046  }
0xb2: {  	s29 =	simm.s32 $0x9;
	_ =	strace $0x80000048  }
0xb3: {  	_ =	swait.ge [sflag:s29], $0x1  }
0xb4: {  	[sflag:s29] =	ssyncadd.s32 $0xFFFFFFFF  }
0xb5: {  	_ =	strace $0x90000048  }
0xb6: {  	_ =	sfence  }
0xb7: {  	s30 =	sld [smem:$0x0];
	_ =	sdelay $0x2  }
0xb8: {  	s31 =	sshll.u32 s1, $0xD;
	s1 =	sshrl.u32 s1, $0x2  }
0xb9: {  	s3 =	sand.u32 $0x4000, s31;
	s1 =	sadd.s32 s1, s30  }
0xba: {  	s0 =	sor.u32 s3, s0;
	s1 =	sshll.u32 s1, $0x11  }
0xbb: {  	s0 =	sor.u32 s1, s0  }
0xbc: {  	s0 =	sadd.s32 $0x8F2B, s0  }
0xbd: {  	[sflag:s0] =	ssyncadd.remote.s32 $0x1  }
0xbe: {  	_ =	sfence.sel $0xFFFF  }
0xbf: {  	[dreg:$0x0] =	wrdreg $0xFFFFFFFF;
	(pc) =	sbr.abs _section_cstart, $3  }
0xc0: {  	[dreg:$0x1] =	wrdreg $0xFFFFFFFF  }
0xc1: {  	_ =	task.clear_ibuf [dreg:s7], $0x2FFFF;
	_ =	strace $0x9FFFFFFF  }
0xc2: {  	(tm) =	ssettm $0x7FFFFFFF  }
0xc3: {  	_ =	shalt  }
tec
execute0_lowered:
.L_overlay_start_1:
0x0: {  	(tag) =	ssettag $0x1  }
0x1: {  	s1 =	srdreg.scid  }
0x2: {  	s0 =	stileid.u32;
	s4 =	rddreg [dreg:$0x0]  }
0x3: {  	s2 =	rddreg [dreg:$0x1];
	s3 =	simm.s32 $0x0;
	s12 =	simm.s32 $0x6300  }
0x4: {  	s13 =	simm.s32 $0x80;
	s14 =	simm.s32 $0x400;
	s15 =	simm.s32 $0x0  }
0x5: {  	s5 =	sand.u32 $0x1, s1;
	s29 =	sshll.u32 s0, $0x1;
	s1 =	rddreg [dreg:$0x2]  }
0x6: {  	s8 =	sshrl.u32 s0, $0x2;
	[smem:$0x7FF] =	sst s3;
	s11 =	smul.u32 $0x2800, s0  }
0x7: {  	s6 =	sor.u32 s5, s29;
	s9 =	smul.u32 $0x13C00, s8;
	_ =	strace $0x80000047  }
0x8: {  	s8 =	sshll.u32 s8, $0xA;
	s7 =	smul.u32 $0x1400, s6;
	s6 =	sshll.u32 s6, $0x7  }
0x9: {  	s30 =	ssub.s32 $0x2, s5;
	s31 =	smul.u32 $0x1400, s5;
	s6 =	sand.u32 $0x380, s6  }
0xa: {  	s10 =	sshrl.u32 s30, $0x1;
	s7 =	sshrl.u32 s7, $0x3;
	s9 =	sor.u32 s9, s6  }
0xb: {  	s6 =	sor.u32 s8, s6;
	s8 =	ssub.s32 s30, s10;
	s10 =	simm.s32 $0x1400  }
0xc: {  	s7 =	sadd.s32 s7, s4;
	s9 =	sshrl.u32 s9, $0x3;
	s6 =	sshrl.u32 s6, $0x3  }
0xd: {  	s9 =	sadd.s32 s9, s4;
	s6 =	sadd.s32 s6, s4;
	s4 =	sadd.s32 $0x600, s7  }
0xe: {  	s7 =	smax.u32 s8, $0x1;
	s8 =	sadd.s32 s31, s11;
	s11 =	simm.s32 $0x3B80  }
0xf: {  	v0 =	vimm.f32 $0.0e+00;
	vm0 =	vmxor vm0, vm0;
	v1 =	vimm.f32 $1.000000000e+00;
	s5 =	sadd.s32 $0x5600, s9;
	s6 =	sadd.s32 $0xF400, s6;
	s9 =	simm.s32 $0x1  }
.LBB2_1:
0x10: {  	[tilespmem:s3], [sflag:$0x1] =	stream.linear.gather [hbm4b:s4+s3], $0x1400, $0x38;
	[tilespmem:$0x6380] =	vst v63  }
0x11: {  	_ =	swait.ge [sflag:s9], $0x1400  }
0x12: {  	[sflag:s9] =	ssyncset.done $0x0  }
0x13: {  	[sflag:s9] =	ssyncadd.s32 $0xFFFFEC00  }
0x14: {  	[tilespmem:s10], [sflag:$0x1] =	stream.linear.gather [hbm4b:s2+s3], $0x2780, $0x38;
	[tilespmem:$0x6380] =	vst v63  }
0x15: {  	_ =	swait.ge [sflag:s9], $0x2780  }
0x16: {  	[sflag:s9] =	ssyncset.done $0x0  }
0x17: {  	s16 =	simm.s32 $0x40;
	s17 =	simm.s32 $0x0;
	[sflag:s9] =	ssyncadd.s32 $0xFFFFD880  }
.LBB2_2:
0x18: {  	p0 =	sne.s32 s16, $0x9C00;
	[tilespmem:s17+$0x3B80] =	vst v0;
	s17 =	smov.u32 s16;
	s16 =	sadd.s32 $0x40, s16  }
.Ltmp0:
0x19: {  	(pc) =	sbr.rel @p0 .LBB2_2-.Ltmp0, $2  }
0x1a: {  	_ =	sdelay $0x2  }
0x1b: {  	s17 =	sshra.s32 s17, $0x2  }
0x1c: {  	[tilespmem:s17+$0x3B80] =	vst v0  }
0x1d: {  	[tilespmem:$0x6300] =	vst v0  }
0x1e: {  	[tilespmem:$0x6310] =	vst v0  }
0x1f: {  	[tilespmem:$0x6320] =	vst v0  }
0x20: {  	[tilespmem:$0x6330] =	vst v0  }
0x21: {  	[tilespmem:$0x6340] =	vst v0  }
0x22: {  	[tilespmem:$0x6350] =	vst v0  }
0x23: {  	[tilespmem:$0x6360] =	vst v0  }
0x24: {  	s16 =	simm.s32 $0x0;
	[tilespmem:$0x6370] =	vst v0  }
0x25: {  	v2 =	vld [tilespmem:s16+$0x0]  }
0x26: {  	p0 =	slt.u32 s8, $0x27100;
	vm1 =	vmmov vm0  }
0x27: {  	vm1 =	vmneg @p0 vm1;
	_ =	sdelay $0x5  }
0x28: {  	[tilespmem:v2+s11+$0x0] =	vst.idx.add.f32.msk vm1, v1  }
0x29: {  	v2 =	vld.idx.msk [tilespmem:v2+s10+$0x0], $0xffff;
	_ =	sdelay $0x7  }
0x2a: {  	s18 =	simm.s32 $0x10;
	s17 =	simm.s32 $0x80;
	s16 =	smov.u32 s8;
	[tilespmem:v2+s12+$0x0] =	vst.idx.add.f32.msk vm1, v1  }
.LBB2_4:
0x2b: {  	p0 =	sne.s32 s17, $0x4FC0;
	v2 =	vld [tilespmem:s18+$0x0];
	s16 =	sadd.s32 $0x10, s16  }
0x2c: {  	vm1 =	vmmov vm0;
	p1 =	slt.u32 s16, $0x27100  }
0x2d: {  	vm1 =	vmneg @p1 vm1;
	_ =	sdelay $0x5  }
0x2e: {  	[tilespmem:v2+s11+$0x0] =	vst.idx.add.f32.msk vm1, v1  }
0x2f: {  	v2 =	vld.idx.msk [tilespmem:v2+s10+$0x0], $0xffff;
	_ =	sdelay $0x3  }
.Ltmp1:
0x30: {  	(pc) =	sbr.rel @p0 .LBB2_4-.Ltmp1, $2  }
0x31: {  	_ =	sdelay $0x2  }
0x32: {  	s18 =	sshra.s32 s17, $0x2;
	s17 =	sadd.s32 $0x40, s17;
	[tilespmem:v2+s12+$0x0] =	vst.idx.add.f32.msk vm1, v1  }
0x33: {  	v2 =	vld [tilespmem:s18+$0x0];
	s16 =	sadd.s32 $0x10, s16  }
0x34: {  	vm1 =	vmmov vm0;
	p0 =	slt.u32 s16, $0x27100  }
0x35: {  	vm1 =	vmneg @p0 vm1;
	_ =	sdelay $0x5  }
0x36: {  	[tilespmem:v2+s11+$0x0] =	vst.idx.add.f32.msk vm1, v1  }
0x37: {  	v2 =	vld.idx.msk [tilespmem:v2+s10+$0x0], $0xffff;
	_ =	sdelay $0x7  }
0x38: {  	[tilespmem:v2+s12+$0x0] =	vst.idx.add.f32.msk vm1, v1  }
0x39: {  	[hbm4b:s5+s13] =	stream.strided.scatter [tilespmem:s11], [sflag:$0x1], $0x2780, s14, s13, $0x38;
	[tilespmem:$0x6380] =	vst v63  }
0x3a: {  	s15 =	sadd.s32 $0x1, s15;
	_ =	swait.ge [sflag:s9], $0x2780  }
0x3b: {  	p0 =	sne.s32 s15, s7;
	[sflag:s9] =	ssyncset.done $0x0  }
.Ltmp2:
0x3c: {  	[sflag:s9] =	ssyncadd.s32 $0xFFFFD880;
	(pc) =	sbr.rel @p0 .LBB2_1-.Ltmp2, $4  }
0x3d: {  	[hbm4b:s6+s3] =	stream.linear.scatter [tilespmem:s12], [sflag:$0x1], $0x80, $0x38;
	[tilespmem:$0x6380] =	vst v63  }
0x3e: {  	_ =	swait.ge [sflag:s9], $0x80  }
0x3f: {  	[sflag:s9] =	ssyncset.done $0x0  }
0x40: {  	[sflag:s9] =	ssyncadd.s32 $0xFFFFFF80  }
0x41: {  	_ =	sfence.sel $0x180000  }
0x42: {  	[bflag:$0x0] =	sbarrier.arrive $0xFFFF  }
0x43: {  	p0 =	sne.s32 s0, $0x0;
	_ =	strace $0x90000047  }
0x44: {  	s0 =	sadd.s32 @!p0 $0x100000, s1;
	[bflag:$0x2] =	sbarrier.arrive $0xFFFF  }
0x45: {  	[sflag:s0] =	ssyncadd.tile.s32 @!p0 $0x1;
	_ =	shalt  }
.Lfunc_end2:
_tile_overlayer_lowered:
.L_overlay_start_2:
0x46: {  	(tag) =	ssettag $0x2  }
0x47: {  	s0 =	rddreg [dreg:$0x0];
	s2 =	stileid.u32  }
0x48: {  	s1 =	rddreg [dreg:$0x1];
	p0 =	sne.s32 s2, $0x0  }
0x49: {  	s3 =	rddreg [dreg:$0x2];
	[bflag:$0x3] =	sbarrier.arrive $0xFFFF;
	s2 =	simm.s32 @!p0 $0x1C01  }
0x4a: {  	[timem:s3], [sflag:s2] =	dma.local @!p0 [hbm:s0], s1  }
0x4b: {  	s0 =	simm.s32 @!p0 $0x1  }
0x4c: {  	_ =	swait.ge @!p0 [sflag:s0], s1  }
0x4d: {  	s1 =	ssub.s32 @!p0 $0x0, s1;
	[sflag:s0] =	ssyncset.done @!p0 $0x0  }
0x4e: {  	[sflag:s0] =	ssyncadd.s32 @!p0 s1  }
0x4f: {  	[bflag:$0x3] =	sbarrier.arrive $0xFFFF  }
0x50: {  	_ =	shalt  }

</sc_bundles>
